<compile_context>
chip_gen: v7x
topology: tpu7x:2x2x1
jax: 0.10.2.dev20260603
libtpu: 0.0.44.dev20260713+nightly
codegen_flags: <defaults>
</compile_context>

<pallas_src>
import functools

import jax
import jax.numpy as jnp
from jax import lax
from jax.experimental import pallas as pl
from jax.experimental.pallas import tpu as pltpu, tpu_sc as plsc

N = 10000
E = 320000
DF = 128
DH = 256
DC = 16
DQ = 32

NC = 2
NS = 16
ROW = 128
NROWS = 2560
EPAD = NROWS * ROW
NACC = 10240
NP = NACC

_MESH = plsc.VectorSubcoreMesh(core_axis_name="c", subcore_axis_name="s")
_SC_PARAMS = pltpu.CompilerParams(use_tc_tiling_on_sc=False)


def _pipeline(srcv, dstv, table, acc, rows, sem_g, sem_s, nrows):
    nbuf = rows.shape[0]
    gr = rows.shape[1]
    la = nbuf - 1
    ngrp = nrows // gr

    def gfire(g, bi):
        for b in range(gr):
            pltpu.async_copy(table.at[srcv.at[g * gr + b]], rows.at[bi, b],
                             sem_g)

    def gwait(g, bi):
        for b in range(gr):
            pltpu.make_async_copy(table.at[srcv.at[g * gr + b]],
                                  rows.at[bi, b], sem_g).wait()

    def sfire(g, bi):
        for b in range(gr):
            pltpu.async_copy(rows.at[bi, b], acc.at[dstv.at[g * gr + b]],
                             sem_s, add=True)

    def swait(g, bi):
        for b in range(gr):
            pltpu.make_async_copy(rows.at[bi, b], acc.at[dstv.at[g * gr + b]],
                                  sem_s).wait()

    for k in range(la):
        gfire(k, k)

    def body(g, carry):
        bi = lax.rem(g, nbuf)
        gwait(g, bi)
        sfire(g, bi)
        nxt = g + la
        bn = lax.rem(nxt, nbuf)

        @pl.when(jnp.logical_and(nxt < ngrp, nxt >= nbuf))
        def _():
            swait(nxt - nbuf, bn)

        @pl.when(nxt < ngrp)
        def _():
            gfire(nxt, bn)

        return carry

    lax.fori_loop(0, ngrp, body, 0)
    for g in range(max(0, ngrp - nbuf), ngrp):
        swait(g, g % nbuf)



def _sc_deg(dst2d, zeros16, ones16):

    @functools.partial(
        pl.kernel,
        out_type=jax.ShapeDtypeStruct((NC, NP, DC), jnp.float32),
        mesh=_MESH,
        compiler_params=_SC_PARAMS,
        scratch_types=[
            pltpu.VMEM((NROWS // (NC * NS), ROW), jnp.int32),
            pltpu.VMEM((ROW, DC), jnp.float32),
            pltpu.VMEM_SHARED((NACC, DC), jnp.float32),
            pltpu.SemaphoreType.DMA,
        ],
    )
    def k(dst_hbm, z_hbm, ones_hbm, out_hbm, dstv, onev, acc, sem):
        c = lax.axis_index("c")
        s = lax.axis_index("s")
        rpt = NROWS // (NC * NS)
        base = (c * NS + s) * rpt
        pltpu.sync_copy(z_hbm.at[pl.ds(s * (NACC // NS), NACC // NS)],
                        acc.at[pl.ds(s * (NACC // NS), NACC // NS)])
        pltpu.sync_copy(dst_hbm.at[pl.ds(base, rpt)], dstv)
        pltpu.sync_copy(ones_hbm, onev)
        plsc.subcore_barrier()

        def step(t, carry):
            for b in range(8):
                pltpu.async_copy(onev, acc.at[dstv.at[t * 8 + b]], sem,
                                 add=True)
            for b in range(8):
                pltpu.make_async_copy(onev, acc.at[dstv.at[t * 8 + b]],
                                      sem).wait()
            return carry

        lax.fori_loop(0, rpt // 8, step, 0)
        plsc.subcore_barrier()
        pltpu.sync_copy(acc.at[pl.ds(s * (NP // NS), NP // NS)],
                        out_hbm.at[c, pl.ds(s * (NP // NS), NP // NS)])

    return k(dst2d, zeros16, ones16)


def _sc_agg128(xs4, src2d, dst2d, zeros32):
    rpt = NROWS // NS

    @functools.partial(
        pl.kernel,
        out_type=jax.ShapeDtypeStruct((2 * NC, NP, DQ), jnp.float32),
        mesh=_MESH,
        compiler_params=_SC_PARAMS,
        scratch_types=[
            pltpu.VMEM((rpt, ROW), jnp.int32),
            pltpu.VMEM((rpt, ROW), jnp.int32),
            pltpu.VMEM((5, 2, ROW, DQ), jnp.float32),
            pltpu.VMEM_SHARED((NACC, DQ), jnp.float32),
            pltpu.VMEM_SHARED((NACC, DQ), jnp.float32),
            pltpu.SemaphoreType.DMA,
            pltpu.SemaphoreType.DMA,
        ],
    )
    def k(xs_hbm, src_hbm, dst_hbm, z_hbm, out_hbm,
          srcv, dstv, rows, tab, acc, sem_g, sem_s):
        c = lax.axis_index("c")
        s = lax.axis_index("s")
        nsub = NACC // NS
        pltpu.sync_copy(src_hbm.at[pl.ds(s * rpt, rpt)], srcv)
        pltpu.sync_copy(dst_hbm.at[pl.ds(s * rpt, rpt)], dstv)
        for q in range(2):
            qi = q * NC + c
            pltpu.sync_copy(z_hbm.at[pl.ds(s * nsub, nsub)],
                            acc.at[pl.ds(s * nsub, nsub)])
            pltpu.sync_copy(xs_hbm.at[qi, pl.ds(s * nsub, nsub)],
                            tab.at[pl.ds(s * nsub, nsub)])
            plsc.subcore_barrier()
            _pipeline(srcv, dstv, tab, acc, rows, sem_g, sem_s, rpt)
            plsc.subcore_barrier()
            pltpu.sync_copy(acc.at[pl.ds(s * nsub, nsub)],
                            out_hbm.at[qi, pl.ds(s * nsub, nsub)])

    return k(xs4, src2d, dst2d, zeros32)


def _sc_agg16(zs, src2d, dst2d, zeros16):
    rpt = NROWS // (NC * NS)

    @functools.partial(
        pl.kernel,
        out_type=jax.ShapeDtypeStruct((NC, NP, DC), jnp.float32),
        mesh=_MESH,
        compiler_params=_SC_PARAMS,
        scratch_types=[
            pltpu.VMEM((rpt, ROW), jnp.int32),
            pltpu.VMEM((rpt, ROW), jnp.int32),
            pltpu.VMEM((5, 2, ROW, DC), jnp.float32),
            pltpu.VMEM_SHARED((NACC, DC), jnp.float32),
            pltpu.VMEM_SHARED((NACC, DC), jnp.float32),
            pltpu.SemaphoreType.DMA,
            pltpu.SemaphoreType.DMA,
        ],
    )
    def k(zs_hbm, src_hbm, dst_hbm, z_hbm, out_hbm,
          srcv, dstv, rows, tab, acc, sem_g, sem_s):
        c = lax.axis_index("c")
        s = lax.axis_index("s")
        nsub = NACC // NS
        base = (c * NS + s) * rpt
        pltpu.sync_copy(z_hbm.at[pl.ds(s * nsub, nsub)],
                        acc.at[pl.ds(s * nsub, nsub)])
        pltpu.sync_copy(zs_hbm.at[pl.ds(s * nsub, nsub)],
                        tab.at[pl.ds(s * nsub, nsub)])
        pltpu.sync_copy(src_hbm.at[pl.ds(base, rpt)], srcv)
        pltpu.sync_copy(dst_hbm.at[pl.ds(base, rpt)], dstv)
        plsc.subcore_barrier()
        _pipeline(srcv, dstv, tab, acc, rows, sem_g, sem_s, rpt)
        plsc.subcore_barrier()
        pltpu.sync_copy(acc.at[pl.ds(s * nsub, nsub)],
                        out_hbm.at[c, pl.ds(s * nsub, nsub)])

    return k(zs, src2d, dst2d, zeros16)



_BLK = 1024
_GRID = NP // _BLK


def _tc_prep(degp, x):

    def body(degp_ref, x_ref, dinv_ref, xs_ref):
        deg = degp_ref[0, :, 0:1] + degp_ref[1, :, 0:1] + 1.0
        dinv = lax.rsqrt(deg)
        dinv_ref[...] = dinv
        for qi in range(4):
            xs_ref[qi] = x_ref[:, qi * DQ : (qi + 1) * DQ] * dinv

    return pl.pallas_call(
        body,
        grid=(_GRID,),
        in_specs=[
            pl.BlockSpec((NC, _BLK, DC), lambda i: (0, i, 0)),
            pl.BlockSpec((_BLK, DF), lambda i: (i, 0)),
        ],
        out_specs=[
            pl.BlockSpec((_BLK, 1), lambda i: (i, 0)),
            pl.BlockSpec((4, _BLK, DQ), lambda i: (0, i, 0)),
        ],
        out_shape=[
            jax.ShapeDtypeStruct((NP, 1), jnp.float32),
            jax.ShapeDtypeStruct((4, NP, DQ), jnp.float32),
        ],
    )(degp, x)


def _tc_mid(Sp, xs4, dinv, W1, b1, W2):

    def body(S_ref, xs_ref, dinv_ref, W1_ref, b1_ref, W2_ref, zs_ref):
        dinv = dinv_ref[...]
        parts = [S_ref[qi] + xs_ref[qi] for qi in range(4)]
        agg = jnp.concatenate(parts, axis=1) * dinv
        h = jnp.dot(agg, W1_ref[...], preferred_element_type=jnp.float32)
        h = jnp.maximum(h + b1_ref[...], 0.0)
        z = jnp.dot(h, W2_ref[...], preferred_element_type=jnp.float32)
        zs_ref[...] = z * dinv

    return pl.pallas_call(
        body,
        grid=(_GRID,),
        in_specs=[
            pl.BlockSpec((2 * NC, _BLK, DQ), lambda i: (0, i, 0)),
            pl.BlockSpec((2 * NC, _BLK, DQ), lambda i: (0, i, 0)),
            pl.BlockSpec((_BLK, 1), lambda i: (i, 0)),
            pl.BlockSpec((DF, DH), lambda i: (0, 0)),
            pl.BlockSpec((1, DH), lambda i: (0, 0)),
            pl.BlockSpec((DH, DC), lambda i: (0, 0)),
        ],
        out_specs=pl.BlockSpec((_BLK, DC), lambda i: (i, 0)),
        out_shape=jax.ShapeDtypeStruct((NP, DC), jnp.float32),
    )(Sp, xs4, dinv, W1, b1, W2)


def _tc_final(Tp, zs, dinv, b2):

    def body(T_ref, zs_ref, dinv_ref, b2_ref, out_ref):
        t = (T_ref[0] + T_ref[1] + zs_ref[...]) * dinv_ref[...] + b2_ref[...]
        m = jnp.max(t, axis=1, keepdims=True)
        e = jnp.exp(t - m)
        lse = jnp.log(jnp.sum(e, axis=1, keepdims=True))
        out_ref[...] = t - m - lse

    return pl.pallas_call(
        body,
        grid=(_GRID,),
        in_specs=[
            pl.BlockSpec((NC, _BLK, DC), lambda i: (0, i, 0)),
            pl.BlockSpec((_BLK, DC), lambda i: (i, 0)),
            pl.BlockSpec((_BLK, 1), lambda i: (i, 0)),
            pl.BlockSpec((1, DC), lambda i: (0, 0)),
        ],
        out_specs=pl.BlockSpec((_BLK, DC), lambda i: (i, 0)),
        out_shape=jax.ShapeDtypeStruct((NP, DC), jnp.float32),
    )(Tp, zs, dinv, b2)



def kernel(x, edge_idx, W1, b1, W2, b2):
    src = edge_idx[0]
    dst = edge_idx[1]
    pad = EPAD - E
    src2d = jnp.concatenate([src, jnp.zeros((pad,), jnp.int32)]).reshape(-1, ROW)
    dst2d = jnp.concatenate([dst, jnp.full((pad,), N, jnp.int32)]).reshape(-1, ROW)

    zeros16 = jnp.zeros((NACC, DC), jnp.float32)
    zeros32 = jnp.zeros((NACC, DQ), jnp.float32)
    ones16 = jnp.ones((ROW, DC), jnp.float32)

    xp = jnp.pad(x, ((0, NP - N), (0, 0)))
    degp = _sc_deg(dst2d, zeros16, ones16)
    dinv, xs4 = _tc_prep(degp, xp)
    Sp = _sc_agg128(xs4, src2d, dst2d, zeros32)
    zs = _tc_mid(Sp, xs4, dinv, W1, b1[None, :], W2)
    Tp = _sc_agg16(zs, src2d, dst2d, zeros16)
    return _tc_final(Tp, zs, dinv, b2[None, :])[:N]

# --- scband reference (transcript-rebuilt; emitter-appended) ---
"""Pipeline reference for scband-graph-conv-neural-net-73804718014639 (READ-ONLY COPY).

The authoritative reference and input builder live on the scoring server;
editing this copy changes nothing except your own understanding.
"""

import jax, jax.numpy as jnp
import numpy as np

N_NODES = 10000
N_EDGES = 320000
D_FEAT = 128
D_HID = 256
N_CLASSES = 16


def setup_inputs(seed: int = 0) -> dict:
    key = jax.random.key(seed)
    k1, k2, k3, k4 = jax.random.split(key, 4)
    x = jax.random.normal(k1, (N_NODES, D_FEAT), dtype=jnp.float32)
    edge_idx = jax.random.randint(k2, (2, N_EDGES), 0, N_NODES, dtype=jnp.int64 if jax.config.read('jax_enable_x64') else jnp.int32).astype(jnp.int32)
    # Glorot-ish init for weights
    W1 = jax.random.normal(k3, (D_FEAT, D_HID), dtype=jnp.float32) * (1.0 / np.sqrt(D_FEAT))
    b1 = jnp.zeros((D_HID,), dtype=jnp.float32)
    W2 = jax.random.normal(k4, (D_HID, N_CLASSES), dtype=jnp.float32) * (1.0 / np.sqrt(D_HID))
    b2 = jnp.zeros((N_CLASSES,), dtype=jnp.float32)
    return {"x": x, "edge_idx": edge_idx, "W1": W1, "b1": b1, "W2": W2, "b2": b2}


def _gcn_conv(x, src, dst, norm, W, b, n):
    # GCNConv: x' = D^{-1/2} (A + I) D^{-1/2} X W + b
    h = x @ W
    msgs = jnp.take(h, src, axis=0) * norm[:, None]
    out = jnp.zeros((n, W.shape[1]), dtype=h.dtype).at[dst].add(msgs)
    return out + b


def reference(x, edge_idx, W1, b1, W2, b2):
    # Eval mode: dropout(p=0.5, training=False) is identity.
    n = x.shape[0]
    loop = jnp.arange(n, dtype=edge_idx.dtype)
    src = jnp.concatenate([edge_idx[0], loop])
    dst = jnp.concatenate([edge_idx[1], loop])
    # symmetric normalization with self-loops (deg >= 1 guaranteed)
    deg = jnp.zeros((n,), dtype=jnp.float32).at[dst].add(1.0)
    dinv = jax.lax.rsqrt(deg)
    norm = jnp.take(dinv, src) * jnp.take(dinv, dst)
    h = _gcn_conv(x, src, dst, norm, W1, b1, n)
    h = jax.nn.relu(h)
    h = _gcn_conv(h, src, dst, norm, W2, b2, n)
    return jax.nn.log_softmax(h, axis=1)

if __name__ == "__main__":
    import jax
    _d = setup_inputs()
    print(jax.jit(kernel)(*tuple(_d.values())))

</pallas_src>

<mosaic_0001>
#map = affine_map<(d0, d1) -> (0, 0, 0)>
#map1 = affine_map<(d0, d1) -> (0, 0)>
module attributes {stable_mosaic.version = 14 : i64} {
  func.func @k(%arg0: i32, %arg1: i32, %arg2: memref<4x10240x32xf32, #tpu.memory_space<hbm>>, %arg3: memref<2560x128xi32, #tpu.memory_space<hbm>>, %arg4: memref<2560x128xi32, #tpu.memory_space<hbm>>, %arg5: memref<10240x32xf32, #tpu.memory_space<hbm>>, %arg6: memref<4x10240x32xf32, #tpu.memory_space<hbm>>, %arg7: memref<160x128xi32, #tpu.memory_space<vmem>>, %arg8: memref<160x128xi32, #tpu.memory_space<vmem>>, %arg9: memref<5x2x128x32xf32, #tpu.memory_space<vmem>>, %arg10: memref<10240x32xf32, #tpu.memory_space<vmem_shared>>, %arg11: memref<10240x32xf32, #tpu.memory_space<vmem_shared>>, %arg12: memref<!tpu.dma_semaphore, #tpu.memory_space<semaphore_mem>>, %arg13: memref<!tpu.dma_semaphore, #tpu.memory_space<semaphore_mem>>) attributes {dimension_semantics = [#tpu.dimension_semantics<core_parallel>, #tpu.dimension_semantics<subcore_parallel>], iteration_bounds = array<i64: 2, 16>, scalar_prefetch = 0 : i64, scratch_operands = 7 : i64, tpu.core_type = #tpu.core_type<sc_vector_subcore>, window_params = [{transform_indices = #map}, {transform_indices = #map1}, {transform_indices = #map1}, {transform_indices = #map1}, {transform_indices = #map}]} {
    %mul3A = arith.constant 160 : i32
    %mul3A_0 = arith.muli %arg1, %mul3A : i32
    "tpu.region"() ({
      %run_scoped3A = tpu.sem_alloc : memref<!tpu.dma_semaphore, #tpu.memory_space<semaphore_mem>>
      %dma_start3A_510 = arith.constant 0 : i32
      %dma_start3A_511 = tpu.memref_slice %arg3[%mul3A_0, %dma_start3A_510] : memref<2560x128xi32, #tpu.memory_space<hbm>> -> memref<160x128xi32, #tpu.memory_space<hbm>>
      %dma_start3A_512 = arith.constant 0 : i32
      %dma_start3A_513 = tpu.memref_slice %arg3[%mul3A_0, %dma_start3A_512] : memref<2560x128xi32, #tpu.memory_space<hbm>> -> memref<160x128xi32, #tpu.memory_space<hbm>>
      tpu.enqueue_dma source(%dma_start3A_513 : memref<160x128xi32, #tpu.memory_space<hbm>>) target(%arg7 : memref<160x128xi32, #tpu.memory_space<vmem>>) target_semaphore(%run_scoped3A : memref<!tpu.dma_semaphore, #tpu.memory_space<semaphore_mem>>)
      %dma_wait3A_514 = arith.constant 0 : i32
      %dma_wait3A_515 = tpu.memref_slice %arg3[%mul3A_0, %dma_wait3A_514] : memref<2560x128xi32, #tpu.memory_space<hbm>> -> memref<160x128xi32, #tpu.memory_space<hbm>>
      %dma_wait3A_516 = arith.constant 0 : i32
      %dma_wait3A_517 = tpu.memref_slice %arg3[%mul3A_0, %dma_wait3A_516] : memref<2560x128xi32, #tpu.memory_space<hbm>> -> memref<160x128xi32, #tpu.memory_space<hbm>>
      tpu.wait_dma2 semaphore(%run_scoped3A : memref<!tpu.dma_semaphore, #tpu.memory_space<semaphore_mem>>) src(%dma_wait3A_517 : memref<160x128xi32, #tpu.memory_space<hbm>>) dst(%arg7 : memref<160x128xi32, #tpu.memory_space<vmem>>)
      tpu.yield
    }) : () -> ()
    %mul3A_1 = arith.constant 160 : i32
    %mul3A_2 = arith.muli %arg1, %mul3A_1 : i32
    "tpu.region"() ({
      %run_scoped3A = tpu.sem_alloc : memref<!tpu.dma_semaphore, #tpu.memory_space<semaphore_mem>>
      %dma_start3A_510 = arith.constant 0 : i32
      %dma_start3A_511 = tpu.memref_slice %arg4[%mul3A_2, %dma_start3A_510] : memref<2560x128xi32, #tpu.memory_space<hbm>> -> memref<160x128xi32, #tpu.memory_space<hbm>>
      %dma_start3A_512 = arith.constant 0 : i32
      %dma_start3A_513 = tpu.memref_slice %arg4[%mul3A_2, %dma_start3A_512] : memref<2560x128xi32, #tpu.memory_space<hbm>> -> memref<160x128xi32, #tpu.memory_space<hbm>>
      tpu.enqueue_dma source(%dma_start3A_513 : memref<160x128xi32, #tpu.memory_space<hbm>>) target(%arg8 : memref<160x128xi32, #tpu.memory_space<vmem>>) target_semaphore(%run_scoped3A : memref<!tpu.dma_semaphore, #tpu.memory_space<semaphore_mem>>)
      %dma_wait3A_514 = arith.constant 0 : i32
      %dma_wait3A_515 = tpu.memref_slice %arg4[%mul3A_2, %dma_wait3A_514] : memref<2560x128xi32, #tpu.memory_space<hbm>> -> memref<160x128xi32, #tpu.memory_space<hbm>>
      %dma_wait3A_516 = arith.constant 0 : i32
      %dma_wait3A_517 = tpu.memref_slice %arg4[%mul3A_2, %dma_wait3A_516] : memref<2560x128xi32, #tpu.memory_space<hbm>> -> memref<160x128xi32, #tpu.memory_space<hbm>>
      tpu.wait_dma2 semaphore(%run_scoped3A : memref<!tpu.dma_semaphore, #tpu.memory_space<semaphore_mem>>) src(%dma_wait3A_517 : memref<160x128xi32, #tpu.memory_space<hbm>>) dst(%arg8 : memref<160x128xi32, #tpu.memory_space<vmem>>)
      tpu.yield
    }) : () -> ()
    %add3A = arith.constant 0 : i32
    %add3A_3 = arith.addi %add3A, %arg0 : i32
    %mul3A_4 = arith.constant 640 : i32
    %mul3A_5 = arith.muli %arg1, %mul3A_4 : i32
    %mul3A_6 = arith.constant 640 : i32
    %mul3A_7 = arith.muli %arg1, %mul3A_6 : i32
    "tpu.region"() ({
      %run_scoped3A = tpu.sem_alloc : memref<!tpu.dma_semaphore, #tpu.memory_space<semaphore_mem>>
      %dma_start3A_510 = arith.constant 0 : i32
      %dma_start3A_511 = tpu.memref_slice %arg11[%mul3A_7, %dma_start3A_510] : memref<10240x32xf32, #tpu.memory_space<vmem_shared>> -> memref<640x32xf32, #tpu.memory_space<vmem_shared>>
      %dma_start3A_512 = arith.constant 0 : i32
      %dma_start3A_513 = tpu.memref_slice %arg5[%mul3A_5, %dma_start3A_512] : memref<10240x32xf32, #tpu.memory_space<hbm>> -> memref<640x32xf32, #tpu.memory_space<hbm>>
      tpu.enqueue_dma source(%dma_start3A_513 : memref<640x32xf32, #tpu.memory_space<hbm>>) target(%dma_start3A_511 : memref<640x32xf32, #tpu.memory_space<vmem_shared>>) target_semaphore(%run_scoped3A : memref<!tpu.dma_semaphore, #tpu.memory_space<semaphore_mem>>)
      %dma_wait3A_514 = arith.constant 0 : i32
      %dma_wait3A_515 = tpu.memref_slice %arg11[%mul3A_7, %dma_wait3A_514] : memref<10240x32xf32, #tpu.memory_space<vmem_shared>> -> memref<640x32xf32, #tpu.memory_space<vmem_shared>>
      %dma_wait3A_516 = arith.constant 0 : i32
      %dma_wait3A_517 = tpu.memref_slice %arg5[%mul3A_5, %dma_wait3A_516] : memref<10240x32xf32, #tpu.memory_space<hbm>> -> memref<640x32xf32, #tpu.memory_space<hbm>>
      tpu.wait_dma2 semaphore(%run_scoped3A : memref<!tpu.dma_semaphore, #tpu.memory_space<semaphore_mem>>) src(%dma_wait3A_517 : memref<640x32xf32, #tpu.memory_space<hbm>>) dst(%dma_wait3A_515 : memref<640x32xf32, #tpu.memory_space<vmem_shared>>)
      tpu.yield
    }) : () -> ()
    %mul3A_8 = arith.constant 640 : i32
    %mul3A_9 = arith.muli %arg1, %mul3A_8 : i32
    %mul3A_10 = arith.constant 640 : i32
    %mul3A_11 = arith.muli %arg1, %mul3A_10 : i32
    "tpu.region"() ({
      %run_scoped3A = tpu.sem_alloc : memref<!tpu.dma_semaphore, #tpu.memory_space<semaphore_mem>>
      %dma_start3A_510 = arith.constant 0 : i32
      %dma_start3A_511 = tpu.memref_slice %arg10[%mul3A_11, %dma_start3A_510] : memref<10240x32xf32, #tpu.memory_space<vmem_shared>> -> memref<640x32xf32, #tpu.memory_space<vmem_shared>>
      %dma_start3A_512 = arith.constant 0 : i32
      %dma_start3A_513 = tpu.memref_slice %arg2[%add3A_3, %mul3A_9, %dma_start3A_512] : memref<4x10240x32xf32, #tpu.memory_space<hbm>> -> memref<1x640x32xf32, #tpu.memory_space<hbm>>
      %dma_start3A_514 = tpu.memref_squeeze %dma_start3A_513 : memref<1x640x32xf32, #tpu.memory_space<hbm>> -> memref<640x32xf32, #tpu.memory_space<hbm>>
      tpu.enqueue_dma source(%dma_start3A_514 : memref<640x32xf32, #tpu.memory_space<hbm>>) target(%dma_start3A_511 : memref<640x32xf32, #tpu.memory_space<vmem_shared>>) target_semaphore(%run_scoped3A : memref<!tpu.dma_semaphore, #tpu.memory_space<semaphore_mem>>)
      %dma_wait3A_515 = arith.constant 0 : i32
      %dma_wait3A_516 = tpu.memref_slice %arg10[%mul3A_11, %dma_wait3A_515] : memref<10240x32xf32, #tpu.memory_space<vmem_shared>> -> memref<640x32xf32, #tpu.memory_space<vmem_shared>>
      %dma_wait3A_517 = arith.constant 0 : i32
      %dma_wait3A_518 = tpu.memref_slice %arg2[%add3A_3, %mul3A_9, %dma_wait3A_517] : memref<4x10240x32xf32, #tpu.memory_space<hbm>> -> memref<1x640x32xf32, #tpu.memory_space<hbm>>
      %dma_wait3A_519 = tpu.memref_squeeze %dma_wait3A_518 : memref<1x640x32xf32, #tpu.memory_space<hbm>> -> memref<640x32xf32, #tpu.memory_space<hbm>>
      tpu.wait_dma2 semaphore(%run_scoped3A : memref<!tpu.dma_semaphore, #tpu.memory_space<semaphore_mem>>) src(%dma_wait3A_519 : memref<640x32xf32, #tpu.memory_space<hbm>>) dst(%dma_wait3A_516 : memref<640x32xf32, #tpu.memory_space<vmem_shared>>)
      tpu.yield
    }) : () -> ()
    %barrier3A = arith.constant 0 : index
    tpu.barrier barrier_id(%barrier3A)
    %dma_start3A = arith.constant 0 : i32
    %dma_start3A_12 = arith.constant 0 : i32
    %dma_start3A_13 = arith.constant 0 : i32
    %dma_start3A_14 = arith.constant 0 : i32
    %dma_start3A_15 = arith.constant 0 : i32
    %dma_start3A_16 = tpu.memref_slice %arg9[%dma_start3A_12, %dma_start3A_13, %dma_start3A_14, %dma_start3A_15] : memref<5x2x128x32xf32, #tpu.memory_space<vmem>> -> memref<1x1x128x32xf32, #tpu.memory_space<vmem>>
    %dma_start3A_17 = tpu.memref_squeeze %dma_start3A_16 : memref<1x1x128x32xf32, #tpu.memory_space<vmem>> -> memref<128x32xf32, #tpu.memory_space<vmem>>
    %dma_start3A_18 = arith.constant 0 : i32
    %dma_start3A_19 = tpu.memref_slice %arg7[%dma_start3A, %dma_start3A_18] : memref<160x128xi32, #tpu.memory_space<vmem>> -> memref<1x128xi32, #tpu.memory_space<vmem>>
    %dma_start3A_20 = tpu.memref_squeeze %dma_start3A_19 : memref<1x128xi32, #tpu.memory_space<vmem>> -> memref<128xi32, #tpu.memory_space<vmem>>
    %dma_start3A_21 = arith.constant 0 : i32
    %dma_start3A_22 = arith.constant 0 : i32
    %dma_start3A_23 = tpu.memref_slice %arg10[%dma_start3A_21, %dma_start3A_22] : memref<10240x32xf32, #tpu.memory_space<vmem_shared>> -> memref<10240x32xf32, #tpu.memory_space<vmem_shared>>
    tpu.enqueue_indirect_dma source(%dma_start3A_23 : memref<10240x32xf32, #tpu.memory_space<vmem_shared>>) target(%dma_start3A_17 : memref<128x32xf32, #tpu.memory_space<vmem>>) offsets(%dma_start3A_20 : memref<128xi32, #tpu.memory_space<vmem>>) semaphore(%arg12 : memref<!tpu.dma_semaphore, #tpu.memory_space<semaphore_mem>>)
    %dma_start3A_24 = arith.constant 1 : i32
    %dma_start3A_25 = arith.constant 0 : i32
    %dma_start3A_26 = arith.constant 1 : i32
    %dma_start3A_27 = arith.constant 0 : i32
    %dma_start3A_28 = arith.constant 0 : i32
    %dma_start3A_29 = tpu.memref_slice %arg9[%dma_start3A_25, %dma_start3A_26, %dma_start3A_27, %dma_start3A_28] : memref<5x2x128x32xf32, #tpu.memory_space<vmem>> -> memref<1x1x128x32xf32, #tpu.memory_space<vmem>>
    %dma_start3A_30 = tpu.memref_squeeze %dma_start3A_29 : memref<1x1x128x32xf32, #tpu.memory_space<vmem>> -> memref<128x32xf32, #tpu.memory_space<vmem>>
    %dma_start3A_31 = arith.constant 0 : i32
    %dma_start3A_32 = tpu.memref_slice %arg7[%dma_start3A_24, %dma_start3A_31] : memref<160x128xi32, #tpu.memory_space<vmem>> -> memref<1x128xi32, #tpu.memory_space<vmem>>
    %dma_start3A_33 = tpu.memref_squeeze %dma_start3A_32 : memref<1x128xi32, #tpu.memory_space<vmem>> -> memref<128xi32, #tpu.memory_space<vmem>>
    %dma_start3A_34 = arith.constant 0 : i32
    %dma_start3A_35 = arith.constant 0 : i32
    %dma_start3A_36 = tpu.memref_slice %arg10[%dma_start3A_34, %dma_start3A_35] : memref<10240x32xf32, #tpu.memory_space<vmem_shared>> -> memref<10240x32xf32, #tpu.memory_space<vmem_shared>>
    tpu.enqueue_indirect_dma source(%dma_start3A_36 : memref<10240x32xf32, #tpu.memory_space<vmem_shared>>) target(%dma_start3A_30 : memref<128x32xf32, #tpu.memory_space<vmem>>) offsets(%dma_start3A_33 : memref<128xi32, #tpu.memory_space<vmem>>) semaphore(%arg12 : memref<!tpu.dma_semaphore, #tpu.memory_space<semaphore_mem>>)
    %dma_start3A_37 = arith.constant 2 : i32
    %dma_start3A_38 = arith.constant 1 : i32
    %dma_start3A_39 = arith.constant 0 : i32
    %dma_start3A_40 = arith.constant 0 : i32
    %dma_start3A_41 = arith.constant 0 : i32
    %dma_start3A_42 = tpu.memref_slice %arg9[%dma_start3A_38, %dma_start3A_39, %dma_start3A_40, %dma_start3A_41] : memref<5x2x128x32xf32, #tpu.memory_space<vmem>> -> memref<1x1x128x32xf32, #tpu.memory_space<vmem>>
    %dma_start3A_43 = tpu.memref_squeeze %dma_start3A_42 : memref<1x1x128x32xf32, #tpu.memory_space<vmem>> -> memref<128x32xf32, #tpu.memory_space<vmem>>
    %dma_start3A_44 = arith.constant 0 : i32
    %dma_start3A_45 = tpu.memref_slice %arg7[%dma_start3A_37, %dma_start3A_44] : memref<160x128xi32, #tpu.memory_space<vmem>> -> memref<1x128xi32, #tpu.memory_space<vmem>>
    %dma_start3A_46 = tpu.memref_squeeze %dma_start3A_45 : memref<1x128xi32, #tpu.memory_space<vmem>> -> memref<128xi32, #tpu.memory_space<vmem>>
    %dma_start3A_47 = arith.constant 0 : i32
    %dma_start3A_48 = arith.constant 0 : i32
    %dma_start3A_49 = tpu.memref_slice %arg10[%dma_start3A_47, %dma_start3A_48] : memref<10240x32xf32, #tpu.memory_space<vmem_shared>> -> memref<10240x32xf32, #tpu.memory_space<vmem_shared>>
    tpu.enqueue_indirect_dma source(%dma_start3A_49 : memref<10240x32xf32, #tpu.memory_space<vmem_shared>>) target(%dma_start3A_43 : memref<128x32xf32, #tpu.memory_space<vmem>>) offsets(%dma_start3A_46 : memref<128xi32, #tpu.memory_space<vmem>>) semaphore(%arg12 : memref<!tpu.dma_semaphore, #tpu.memory_space<semaphore_mem>>)
    %dma_start3A_50 = arith.constant 3 : i32
    %dma_start3A_51 = arith.constant 1 : i32
    %dma_start3A_52 = arith.constant 1 : i32
    %dma_start3A_53 = arith.constant 0 : i32
    %dma_start3A_54 = arith.constant 0 : i32
    %dma_start3A_55 = tpu.memref_slice %arg9[%dma_start3A_51, %dma_start3A_52, %dma_start3A_53, %dma_start3A_54] : memref<5x2x128x32xf32, #tpu.memory_space<vmem>> -> memref<1x1x128x32xf32, #tpu.memory_space<vmem>>
    %dma_start3A_56 = tpu.memref_squeeze %dma_start3A_55 : memref<1x1x128x32xf32, #tpu.memory_space<vmem>> -> memref<128x32xf32, #tpu.memory_space<vmem>>
    %dma_start3A_57 = arith.constant 0 : i32
    %dma_start3A_58 = tpu.memref_slice %arg7[%dma_start3A_50, %dma_start3A_57] : memref<160x128xi32, #tpu.memory_space<vmem>> -> memref<1x128xi32, #tpu.memory_space<vmem>>
    %dma_start3A_59 = tpu.memref_squeeze %dma_start3A_58 : memref<1x128xi32, #tpu.memory_space<vmem>> -> memref<128xi32, #tpu.memory_space<vmem>>
    %dma_start3A_60 = arith.constant 0 : i32
    %dma_start3A_61 = arith.constant 0 : i32
    %dma_start3A_62 = tpu.memref_slice %arg10[%dma_start3A_60, %dma_start3A_61] : memref<10240x32xf32, #tpu.memory_space<vmem_shared>> -> memref<10240x32xf32, #tpu.memory_space<vmem_shared>>
    tpu.enqueue_indirect_dma source(%dma_start3A_62 : memref<10240x32xf32, #tpu.memory_space<vmem_shared>>) target(%dma_start3A_56 : memref<128x32xf32, #tpu.memory_space<vmem>>) offsets(%dma_start3A_59 : memref<128xi32, #tpu.memory_space<vmem>>) semaphore(%arg12 : memref<!tpu.dma_semaphore, #tpu.memory_space<semaphore_mem>>)
    %dma_start3A_63 = arith.constant 4 : i32
    %dma_start3A_64 = arith.constant 2 : i32
    %dma_start3A_65 = arith.constant 0 : i32
    %dma_start3A_66 = arith.constant 0 : i32
    %dma_start3A_67 = arith.constant 0 : i32
    %dma_start3A_68 = tpu.memref_slice %arg9[%dma_start3A_64, %dma_start3A_65, %dma_start3A_66, %dma_start3A_67] : memref<5x2x128x32xf32, #tpu.memory_space<vmem>> -> memref<1x1x128x32xf32, #tpu.memory_space<vmem>>
    %dma_start3A_69 = tpu.memref_squeeze %dma_start3A_68 : memref<1x1x128x32xf32, #tpu.memory_space<vmem>> -> memref<128x32xf32, #tpu.memory_space<vmem>>
    %dma_start3A_70 = arith.constant 0 : i32
    %dma_start3A_71 = tpu.memref_slice %arg7[%dma_start3A_63, %dma_start3A_70] : memref<160x128xi32, #tpu.memory_space<vmem>> -> memref<1x128xi32, #tpu.memory_space<vmem>>
    %dma_start3A_72 = tpu.memref_squeeze %dma_start3A_71 : memref<1x128xi32, #tpu.memory_space<vmem>> -> memref<128xi32, #tpu.memory_space<vmem>>
    %dma_start3A_73 = arith.constant 0 : i32
    %dma_start3A_74 = arith.constant 0 : i32
    %dma_start3A_75 = tpu.memref_slice %arg10[%dma_start3A_73, %dma_start3A_74] : memref<10240x32xf32, #tpu.memory_space<vmem_shared>> -> memref<10240x32xf32, #tpu.memory_space<vmem_shared>>
    tpu.enqueue_indirect_dma source(%dma_start3A_75 : memref<10240x32xf32, #tpu.memory_space<vmem_shared>>) target(%dma_start3A_69 : memref<128x32xf32, #tpu.memory_space<vmem>>) offsets(%dma_start3A_72 : memref<128xi32, #tpu.memory_space<vmem>>) semaphore(%arg12 : memref<!tpu.dma_semaphore, #tpu.memory_space<semaphore_mem>>)
    %dma_start3A_76 = arith.constant 5 : i32
    %dma_start3A_77 = arith.constant 2 : i32
    %dma_start3A_78 = arith.constant 1 : i32
    %dma_start3A_79 = arith.constant 0 : i32
    %dma_start3A_80 = arith.constant 0 : i32
    %dma_start3A_81 = tpu.memref_slice %arg9[%dma_start3A_77, %dma_start3A_78, %dma_start3A_79, %dma_start3A_80] : memref<5x2x128x32xf32, #tpu.memory_space<vmem>> -> memref<1x1x128x32xf32, #tpu.memory_space<vmem>>
    %dma_start3A_82 = tpu.memref_squeeze %dma_start3A_81 : memref<1x1x128x32xf32, #tpu.memory_space<vmem>> -> memref<128x32xf32, #tpu.memory_space<vmem>>
    %dma_start3A_83 = arith.constant 0 : i32
    %dma_start3A_84 = tpu.memref_slice %arg7[%dma_start3A_76, %dma_start3A_83] : memref<160x128xi32, #tpu.memory_space<vmem>> -> memref<1x128xi32, #tpu.memory_space<vmem>>
    %dma_start3A_85 = tpu.memref_squeeze %dma_start3A_84 : memref<1x128xi32, #tpu.memory_space<vmem>> -> memref<128xi32, #tpu.memory_space<vmem>>
    %dma_start3A_86 = arith.constant 0 : i32
    %dma_start3A_87 = arith.constant 0 : i32
    %dma_start3A_88 = tpu.memref_slice %arg10[%dma_start3A_86, %dma_start3A_87] : memref<10240x32xf32, #tpu.memory_space<vmem_shared>> -> memref<10240x32xf32, #tpu.memory_space<vmem_shared>>
    tpu.enqueue_indirect_dma source(%dma_start3A_88 : memref<10240x32xf32, #tpu.memory_space<vmem_shared>>) target(%dma_start3A_82 : memref<128x32xf32, #tpu.memory_space<vmem>>) offsets(%dma_start3A_85 : memref<128xi32, #tpu.memory_space<vmem>>) semaphore(%arg12 : memref<!tpu.dma_semaphore, #tpu.memory_space<semaphore_mem>>)
    %dma_start3A_89 = arith.constant 6 : i32
    %dma_start3A_90 = arith.constant 3 : i32
    %dma_start3A_91 = arith.constant 0 : i32
    %dma_start3A_92 = arith.constant 0 : i32
    %dma_start3A_93 = arith.constant 0 : i32
    %dma_start3A_94 = tpu.memref_slice %arg9[%dma_start3A_90, %dma_start3A_91, %dma_start3A_92, %dma_start3A_93] : memref<5x2x128x32xf32, #tpu.memory_space<vmem>> -> memref<1x1x128x32xf32, #tpu.memory_space<vmem>>
    %dma_start3A_95 = tpu.memref_squeeze %dma_start3A_94 : memref<1x1x128x32xf32, #tpu.memory_space<vmem>> -> memref<128x32xf32, #tpu.memory_space<vmem>>
    %dma_start3A_96 = arith.constant 0 : i32
    %dma_start3A_97 = tpu.memref_slice %arg7[%dma_start3A_89, %dma_start3A_96] : memref<160x128xi32, #tpu.memory_space<vmem>> -> memref<1x128xi32, #tpu.memory_space<vmem>>
    %dma_start3A_98 = tpu.memref_squeeze %dma_start3A_97 : memref<1x128xi32, #tpu.memory_space<vmem>> -> memref<128xi32, #tpu.memory_space<vmem>>
    %dma_start3A_99 = arith.constant 0 : i32
    %dma_start3A_100 = arith.constant 0 : i32
    %dma_start3A_101 = tpu.memref_slice %arg10[%dma_start3A_99, %dma_start3A_100] : memref<10240x32xf32, #tpu.memory_space<vmem_shared>> -> memref<10240x32xf32, #tpu.memory_space<vmem_shared>>
    tpu.enqueue_indirect_dma source(%dma_start3A_101 : memref<10240x32xf32, #tpu.memory_space<vmem_shared>>) target(%dma_start3A_95 : memref<128x32xf32, #tpu.memory_space<vmem>>) offsets(%dma_start3A_98 : memref<128xi32, #tpu.memory_space<vmem>>) semaphore(%arg12 : memref<!tpu.dma_semaphore, #tpu.memory_space<semaphore_mem>>)
    %dma_start3A_102 = arith.constant 7 : i32
    %dma_start3A_103 = arith.constant 3 : i32
    %dma_start3A_104 = arith.constant 1 : i32
    %dma_start3A_105 = arith.constant 0 : i32
    %dma_start3A_106 = arith.constant 0 : i32
    %dma_start3A_107 = tpu.memref_slice %arg9[%dma_start3A_103, %dma_start3A_104, %dma_start3A_105, %dma_start3A_106] : memref<5x2x128x32xf32, #tpu.memory_space<vmem>> -> memref<1x1x128x32xf32, #tpu.memory_space<vmem>>
    %dma_start3A_108 = tpu.memref_squeeze %dma_start3A_107 : memref<1x1x128x32xf32, #tpu.memory_space<vmem>> -> memref<128x32xf32, #tpu.memory_space<vmem>>
    %dma_start3A_109 = arith.constant 0 : i32
    %dma_start3A_110 = tpu.memref_slice %arg7[%dma_start3A_102, %dma_start3A_109] : memref<160x128xi32, #tpu.memory_space<vmem>> -> memref<1x128xi32, #tpu.memory_space<vmem>>
    %dma_start3A_111 = tpu.memref_squeeze %dma_start3A_110 : memref<1x128xi32, #tpu.memory_space<vmem>> -> memref<128xi32, #tpu.memory_space<vmem>>
    %dma_start3A_112 = arith.constant 0 : i32
    %dma_start3A_113 = arith.constant 0 : i32
    %dma_start3A_114 = tpu.memref_slice %arg10[%dma_start3A_112, %dma_start3A_113] : memref<10240x32xf32, #tpu.memory_space<vmem_shared>> -> memref<10240x32xf32, #tpu.memory_space<vmem_shared>>
    tpu.enqueue_indirect_dma source(%dma_start3A_114 : memref<10240x32xf32, #tpu.memory_space<vmem_shared>>) target(%dma_start3A_108 : memref<128x32xf32, #tpu.memory_space<vmem>>) offsets(%dma_start3A_111 : memref<128xi32, #tpu.memory_space<vmem>>) semaphore(%arg12 : memref<!tpu.dma_semaphore, #tpu.memory_space<semaphore_mem>>)
    %scan3A = arith.constant 0 : i32
    %scan3A_115 = arith.constant 0 : i32
    %scan3A_116 = arith.constant 80 : i32
    %scan3A_117 = arith.addi %scan3A_115, %scan3A_116 : i32
    %scan3A_118 = arith.constant 1 : i32
    scf.for %scan3A_510 = %scan3A_115 to %scan3A_117 step %scan3A_118  : i32 {
      %rem3A = arith.constant 5 : i32
      %rem3A_511 = arith.remsi %scan3A_510, %rem3A : i32
      %mul3A_512 = arith.constant 2 : i32
      %mul3A_513 = arith.muli %scan3A_510, %mul3A_512 : i32
      %add3A_514 = arith.constant 0 : i32
      %add3A_515 = arith.addi %mul3A_513, %add3A_514 : i32
      %dma_wait3A_516 = arith.constant 0 : i32
      %dma_wait3A_517 = arith.constant 0 : i32
      %dma_wait3A_518 = arith.constant 0 : i32
      %dma_wait3A_519 = tpu.memref_slice %arg9[%rem3A_511, %dma_wait3A_516, %dma_wait3A_517, %dma_wait3A_518] : memref<5x2x128x32xf32, #tpu.memory_space<vmem>> -> memref<1x1x128x32xf32, #tpu.memory_space<vmem>>
      %dma_wait3A_520 = tpu.memref_squeeze %dma_wait3A_519 : memref<1x1x128x32xf32, #tpu.memory_space<vmem>> -> memref<128x32xf32, #tpu.memory_space<vmem>>
      %dma_wait3A_521 = arith.constant 0 : i32
      %dma_wait3A_522 = tpu.memref_slice %arg7[%add3A_515, %dma_wait3A_521] : memref<160x128xi32, #tpu.memory_space<vmem>> -> memref<1x128xi32, #tpu.memory_space<vmem>>
      %dma_wait3A_523 = tpu.memref_squeeze %dma_wait3A_522 : memref<1x128xi32, #tpu.memory_space<vmem>> -> memref<128xi32, #tpu.memory_space<vmem>>
      %dma_wait3A_524 = arith.constant 0 : i32
      %dma_wait3A_525 = arith.constant 0 : i32
      %dma_wait3A_526 = tpu.memref_slice %arg10[%dma_wait3A_524, %dma_wait3A_525] : memref<10240x32xf32, #tpu.memory_space<vmem_shared>> -> memref<10240x32xf32, #tpu.memory_space<vmem_shared>>
      tpu.wait_indirect_dma semaphore(%arg12 : memref<!tpu.dma_semaphore, #tpu.memory_space<semaphore_mem>>) src(%dma_wait3A_526 : memref<10240x32xf32, #tpu.memory_space<vmem_shared>>) dst(%dma_wait3A_520 : memref<128x32xf32, #tpu.memory_space<vmem>>)
      %mul3A_527 = arith.constant 2 : i32
      %mul3A_528 = arith.muli %scan3A_510, %mul3A_527 : i32
      %add3A_529 = arith.constant 1 : i32
      %add3A_530 = arith.addi %mul3A_528, %add3A_529 : i32
      %dma_wait3A_531 = arith.constant 1 : i32
      %dma_wait3A_532 = arith.constant 0 : i32
      %dma_wait3A_533 = arith.constant 0 : i32
      %dma_wait3A_534 = tpu.memref_slice %arg9[%rem3A_511, %dma_wait3A_531, %dma_wait3A_532, %dma_wait3A_533] : memref<5x2x128x32xf32, #tpu.memory_space<vmem>> -> memref<1x1x128x32xf32, #tpu.memory_space<vmem>>
      %dma_wait3A_535 = tpu.memref_squeeze %dma_wait3A_534 : memref<1x1x128x32xf32, #tpu.memory_space<vmem>> -> memref<128x32xf32, #tpu.memory_space<vmem>>
      %dma_wait3A_536 = arith.constant 0 : i32
      %dma_wait3A_537 = tpu.memref_slice %arg7[%add3A_530, %dma_wait3A_536] : memref<160x128xi32, #tpu.memory_space<vmem>> -> memref<1x128xi32, #tpu.memory_space<vmem>>
      %dma_wait3A_538 = tpu.memref_squeeze %dma_wait3A_537 : memref<1x128xi32, #tpu.memory_space<vmem>> -> memref<128xi32, #tpu.memory_space<vmem>>
      %dma_wait3A_539 = arith.constant 0 : i32
      %dma_wait3A_540 = arith.constant 0 : i32
      %dma_wait3A_541 = tpu.memref_slice %arg10[%dma_wait3A_539, %dma_wait3A_540] : memref<10240x32xf32, #tpu.memory_space<vmem_shared>> -> memref<10240x32xf32, #tpu.memory_space<vmem_shared>>
      tpu.wait_indirect_dma semaphore(%arg12 : memref<!tpu.dma_semaphore, #tpu.memory_space<semaphore_mem>>) src(%dma_wait3A_541 : memref<10240x32xf32, #tpu.memory_space<vmem_shared>>) dst(%dma_wait3A_535 : memref<128x32xf32, #tpu.memory_space<vmem>>)
      %mul3A_542 = arith.constant 2 : i32
      %mul3A_543 = arith.muli %scan3A_510, %mul3A_542 : i32
      %add3A_544 = arith.constant 0 : i32
      %add3A_545 = arith.addi %mul3A_543, %add3A_544 : i32
      %dma_start3A_546 = arith.constant 0 : i32
      %dma_start3A_547 = arith.constant 0 : i32
      %dma_start3A_548 = arith.constant 0 : i32
      %dma_start3A_549 = tpu.memref_slice %arg9[%rem3A_511, %dma_start3A_546, %dma_start3A_547, %dma_start3A_548] : memref<5x2x128x32xf32, #tpu.memory_space<vmem>> -> memref<1x1x128x32xf32, #tpu.memory_space<vmem>>
      %dma_start3A_550 = tpu.memref_squeeze %dma_start3A_549 : memref<1x1x128x32xf32, #tpu.memory_space<vmem>> -> memref<128x32xf32, #tpu.memory_space<vmem>>
      %dma_start3A_551 = arith.constant 0 : i32
      %dma_start3A_552 = tpu.memref_slice %arg8[%add3A_545, %dma_start3A_551] : memref<160x128xi32, #tpu.memory_space<vmem>> -> memref<1x128xi32, #tpu.memory_space<vmem>>
      %dma_start3A_553 = tpu.memref_squeeze %dma_start3A_552 : memref<1x128xi32, #tpu.memory_space<vmem>> -> memref<128xi32, #tpu.memory_space<vmem>>
      %dma_start3A_554 = arith.constant 0 : i32
      %dma_start3A_555 = arith.constant 0 : i32
      %dma_start3A_556 = tpu.memref_slice %arg11[%dma_start3A_554, %dma_start3A_555] : memref<10240x32xf32, #tpu.memory_space<vmem_shared>> -> memref<10240x32xf32, #tpu.memory_space<vmem_shared>>
      tpu.enqueue_indirect_dma source(%dma_start3A_550 : memref<128x32xf32, #tpu.memory_space<vmem>>) target(%dma_start3A_556 : memref<10240x32xf32, #tpu.memory_space<vmem_shared>>) offsets(%dma_start3A_553 : memref<128xi32, #tpu.memory_space<vmem>>) semaphore(%arg13 : memref<!tpu.dma_semaphore, #tpu.memory_space<semaphore_mem>>) {add = true}
      %mul3A_557 = arith.constant 2 : i32
      %mul3A_558 = arith.muli %scan3A_510, %mul3A_557 : i32
      %add3A_559 = arith.constant 1 : i32
      %add3A_560 = arith.addi %mul3A_558, %add3A_559 : i32
      %dma_start3A_561 = arith.constant 1 : i32
      %dma_start3A_562 = arith.constant 0 : i32
      %dma_start3A_563 = arith.constant 0 : i32
      %dma_start3A_564 = tpu.memref_slice %arg9[%rem3A_511, %dma_start3A_561, %dma_start3A_562, %dma_start3A_563] : memref<5x2x128x32xf32, #tpu.memory_space<vmem>> -> memref<1x1x128x32xf32, #tpu.memory_space<vmem>>
      %dma_start3A_565 = tpu.memref_squeeze %dma_start3A_564 : memref<1x1x128x32xf32, #tpu.memory_space<vmem>> -> memref<128x32xf32, #tpu.memory_space<vmem>>
      %dma_start3A_566 = arith.constant 0 : i32
      %dma_start3A_567 = tpu.memref_slice %arg8[%add3A_560, %dma_start3A_566] : memref<160x128xi32, #tpu.memory_space<vmem>> -> memref<1x128xi32, #tpu.memory_space<vmem>>
      %dma_start3A_568 = tpu.memref_squeeze %dma_start3A_567 : memref<1x128xi32, #tpu.memory_space<vmem>> -> memref<128xi32, #tpu.memory_space<vmem>>
      %dma_start3A_569 = arith.constant 0 : i32
      %dma_start3A_570 = arith.constant 0 : i32
      %dma_start3A_571 = tpu.memref_slice %arg11[%dma_start3A_569, %dma_start3A_570] : memref<10240x32xf32, #tpu.memory_space<vmem_shared>> -> memref<10240x32xf32, #tpu.memory_space<vmem_shared>>
      tpu.enqueue_indirect_dma source(%dma_start3A_565 : memref<128x32xf32, #tpu.memory_space<vmem>>) target(%dma_start3A_571 : memref<10240x32xf32, #tpu.memory_space<vmem_shared>>) offsets(%dma_start3A_568 : memref<128xi32, #tpu.memory_space<vmem>>) semaphore(%arg13 : memref<!tpu.dma_semaphore, #tpu.memory_space<semaphore_mem>>) {add = true}
      %add3A_572 = arith.constant 4 : i32
      %add3A_573 = arith.addi %scan3A_510, %add3A_572 : i32
      %rem3A_574 = arith.constant 5 : i32
      %rem3A_575 = arith.remsi %add3A_573, %rem3A_574 : i32
      %lt3A = arith.constant 80 : i32
      %lt3A_576 = arith.cmpi slt, %add3A_573, %lt3A : i32
      %ge3A = arith.constant 5 : i32
      %ge3A_577 = arith.cmpi sge, %add3A_573, %ge3A : i32
      %and3A = arith.andi %lt3A_576, %ge3A_577 : i1
      %convert_element_type3A = arith.extui %and3A : i1 to i32
      %cond3A = arith.constant 0 : i32
      %cond3A_578 = arith.cmpi ne, %convert_element_type3A, %cond3A : i32
      scf.if %cond3A_578 {
        %sub3A = arith.constant 5 : i32
        %sub3A_584 = arith.subi %add3A_573, %sub3A : i32
        %mul3A_585 = arith.constant 2 : i32
        %mul3A_586 = arith.muli %sub3A_584, %mul3A_585 : i32
        %add3A_587 = arith.constant 0 : i32
        %add3A_588 = arith.addi %mul3A_586, %add3A_587 : i32
        %dma_wait3A_589 = arith.constant 0 : i32
        %dma_wait3A_590 = arith.constant 0 : i32
        %dma_wait3A_591 = arith.constant 0 : i32
        %dma_wait3A_592 = tpu.memref_slice %arg9[%rem3A_575, %dma_wait3A_589, %dma_wait3A_590, %dma_wait3A_591] : memref<5x2x128x32xf32, #tpu.memory_space<vmem>> -> memref<1x1x128x32xf32, #tpu.memory_space<vmem>>
        %dma_wait3A_593 = tpu.memref_squeeze %dma_wait3A_592 : memref<1x1x128x32xf32, #tpu.memory_space<vmem>> -> memref<128x32xf32, #tpu.memory_space<vmem>>
        %dma_wait3A_594 = arith.constant 0 : i32
        %dma_wait3A_595 = tpu.memref_slice %arg8[%add3A_588, %dma_wait3A_594] : memref<160x128xi32, #tpu.memory_space<vmem>> -> memref<1x128xi32, #tpu.memory_space<vmem>>
        %dma_wait3A_596 = tpu.memref_squeeze %dma_wait3A_595 : memref<1x128xi32, #tpu.memory_space<vmem>> -> memref<128xi32, #tpu.memory_space<vmem>>
        %dma_wait3A_597 = arith.constant 0 : i32
        %dma_wait3A_598 = arith.constant 0 : i32
        %dma_wait3A_599 = tpu.memref_slice %arg11[%dma_wait3A_597, %dma_wait3A_598] : memref<10240x32xf32, #tpu.memory_space<vmem_shared>> -> memref<10240x32xf32, #tpu.memory_space<vmem_shared>>
        tpu.wait_indirect_dma semaphore(%arg13 : memref<!tpu.dma_semaphore, #tpu.memory_space<semaphore_mem>>) src(%dma_wait3A_593 : memref<128x32xf32, #tpu.memory_space<vmem>>) dst(%dma_wait3A_599 : memref<10240x32xf32, #tpu.memory_space<vmem_shared>>)
        %mul3A_600 = arith.constant 2 : i32
        %mul3A_601 = arith.muli %sub3A_584, %mul3A_600 : i32
        %add3A_602 = arith.constant 1 : i32
        %add3A_603 = arith.addi %mul3A_601, %add3A_602 : i32
        %dma_wait3A_604 = arith.constant 1 : i32
        %dma_wait3A_605 = arith.constant 0 : i32
        %dma_wait3A_606 = arith.constant 0 : i32
        %dma_wait3A_607 = tpu.memref_slice %arg9[%rem3A_575, %dma_wait3A_604, %dma_wait3A_605, %dma_wait3A_606] : memref<5x2x128x32xf32, #tpu.memory_space<vmem>> -> memref<1x1x128x32xf32, #tpu.memory_space<vmem>>
        %dma_wait3A_608 = tpu.memref_squeeze %dma_wait3A_607 : memref<1x1x128x32xf32, #tpu.memory_space<vmem>> -> memref<128x32xf32, #tpu.memory_space<vmem>>
        %dma_wait3A_609 = arith.constant 0 : i32
        %dma_wait3A_610 = tpu.memref_slice %arg8[%add3A_603, %dma_wait3A_609] : memref<160x128xi32, #tpu.memory_space<vmem>> -> memref<1x128xi32, #tpu.memory_space<vmem>>
        %dma_wait3A_611 = tpu.memref_squeeze %dma_wait3A_610 : memref<1x128xi32, #tpu.memory_space<vmem>> -> memref<128xi32, #tpu.memory_space<vmem>>
        %dma_wait3A_612 = arith.constant 0 : i32
        %dma_wait3A_613 = arith.constant 0 : i32
        %dma_wait3A_614 = tpu.memref_slice %arg11[%dma_wait3A_612, %dma_wait3A_613] : memref<10240x32xf32, #tpu.memory_space<vmem_shared>> -> memref<10240x32xf32, #tpu.memory_space<vmem_shared>>
        tpu.wait_indirect_dma semaphore(%arg13 : memref<!tpu.dma_semaphore, #tpu.memory_space<semaphore_mem>>) src(%dma_wait3A_608 : memref<128x32xf32, #tpu.memory_space<vmem>>) dst(%dma_wait3A_614 : memref<10240x32xf32, #tpu.memory_space<vmem_shared>>)
      } else {
      }
      %lt3A_579 = arith.constant 80 : i32
      %lt3A_580 = arith.cmpi slt, %add3A_573, %lt3A_579 : i32
      %convert_element_type3A_581 = arith.extui %lt3A_580 : i1 to i32
      %cond3A_582 = arith.constant 0 : i32
      %cond3A_583 = arith.cmpi ne, %convert_element_type3A_581, %cond3A_582 : i32
      scf.if %cond3A_583 {
        %mul3A_584 = arith.constant 2 : i32
        %mul3A_585 = arith.muli %add3A_573, %mul3A_584 : i32
        %add3A_586 = arith.constant 0 : i32
        %add3A_587 = arith.addi %mul3A_585, %add3A_586 : i32
        %dma_start3A_588 = arith.constant 0 : i32
        %dma_start3A_589 = arith.constant 0 : i32
        %dma_start3A_590 = arith.constant 0 : i32
        %dma_start3A_591 = tpu.memref_slice %arg9[%rem3A_575, %dma_start3A_588, %dma_start3A_589, %dma_start3A_590] : memref<5x2x128x32xf32, #tpu.memory_space<vmem>> -> memref<1x1x128x32xf32, #tpu.memory_space<vmem>>
        %dma_start3A_592 = tpu.memref_squeeze %dma_start3A_591 : memref<1x1x128x32xf32, #tpu.memory_space<vmem>> -> memref<128x32xf32, #tpu.memory_space<vmem>>
        %dma_start3A_593 = arith.constant 0 : i32
        %dma_start3A_594 = tpu.memref_slice %arg7[%add3A_587, %dma_start3A_593] : memref<160x128xi32, #tpu.memory_space<vmem>> -> memref<1x128xi32, #tpu.memory_space<vmem>>
        %dma_start3A_595 = tpu.memref_squeeze %dma_start3A_594 : memref<1x128xi32, #tpu.memory_space<vmem>> -> memref<128xi32, #tpu.memory_space<vmem>>
        %dma_start3A_596 = arith.constant 0 : i32
        %dma_start3A_597 = arith.constant 0 : i32
        %dma_start3A_598 = tpu.memref_slice %arg10[%dma_start3A_596, %dma_start3A_597] : memref<10240x32xf32, #tpu.memory_space<vmem_shared>> -> memref<10240x32xf32, #tpu.memory_space<vmem_shared>>
        tpu.enqueue_indirect_dma source(%dma_start3A_598 : memref<10240x32xf32, #tpu.memory_space<vmem_shared>>) target(%dma_start3A_592 : memref<128x32xf32, #tpu.memory_space<vmem>>) offsets(%dma_start3A_595 : memref<128xi32, #tpu.memory_space<vmem>>) semaphore(%arg12 : memref<!tpu.dma_semaphore, #tpu.memory_space<semaphore_mem>>)
        %mul3A_599 = arith.constant 2 : i32
        %mul3A_600 = arith.muli %add3A_573, %mul3A_599 : i32
        %add3A_601 = arith.constant 1 : i32
        %add3A_602 = arith.addi %mul3A_600, %add3A_601 : i32
        %dma_start3A_603 = arith.constant 1 : i32
        %dma_start3A_604 = arith.constant 0 : i32
        %dma_start3A_605 = arith.constant 0 : i32
        %dma_start3A_606 = tpu.memref_slice %arg9[%rem3A_575, %dma_start3A_603, %dma_start3A_604, %dma_start3A_605] : memref<5x2x128x32xf32, #tpu.memory_space<vmem>> -> memref<1x1x128x32xf32, #tpu.memory_space<vmem>>
        %dma_start3A_607 = tpu.memref_squeeze %dma_start3A_606 : memref<1x1x128x32xf32, #tpu.memory_space<vmem>> -> memref<128x32xf32, #tpu.memory_space<vmem>>
        %dma_start3A_608 = arith.constant 0 : i32
        %dma_start3A_609 = tpu.memref_slice %arg7[%add3A_602, %dma_start3A_608] : memref<160x128xi32, #tpu.memory_space<vmem>> -> memref<1x128xi32, #tpu.memory_space<vmem>>
        %dma_start3A_610 = tpu.memref_squeeze %dma_start3A_609 : memref<1x128xi32, #tpu.memory_space<vmem>> -> memref<128xi32, #tpu.memory_space<vmem>>
        %dma_start3A_611 = arith.constant 0 : i32
        %dma_start3A_612 = arith.constant 0 : i32
        %dma_start3A_613 = tpu.memref_slice %arg10[%dma_start3A_611, %dma_start3A_612] : memref<10240x32xf32, #tpu.memory_space<vmem_shared>> -> memref<10240x32xf32, #tpu.memory_space<vmem_shared>>
        tpu.enqueue_indirect_dma source(%dma_start3A_613 : memref<10240x32xf32, #tpu.memory_space<vmem_shared>>) target(%dma_start3A_607 : memref<128x32xf32, #tpu.memory_space<vmem>>) offsets(%dma_start3A_610 : memref<128xi32, #tpu.memory_space<vmem>>) semaphore(%arg12 : memref<!tpu.dma_semaphore, #tpu.memory_space<semaphore_mem>>)
      } else {
      }
    }
    %scan3A_119 = arith.constant 80 : i32
    %dma_wait3A = arith.constant 0 : i32
    %dma_wait3A_120 = arith.constant 0 : i32
    %dma_wait3A_121 = arith.constant 150 : i32
    %dma_wait3A_122 = arith.constant 0 : i32
    %dma_wait3A_123 = arith.constant 0 : i32
    %dma_wait3A_124 = tpu.memref_slice %arg9[%dma_wait3A, %dma_wait3A_120, %dma_wait3A_122, %dma_wait3A_123] : memref<5x2x128x32xf32, #tpu.memory_space<vmem>> -> memref<1x1x128x32xf32, #tpu.memory_space<vmem>>
    %dma_wait3A_125 = tpu.memref_squeeze %dma_wait3A_124 : memref<1x1x128x32xf32, #tpu.memory_space<vmem>> -> memref<128x32xf32, #tpu.memory_space<vmem>>
    %dma_wait3A_126 = arith.constant 0 : i32
    %dma_wait3A_127 = tpu.memref_slice %arg8[%dma_wait3A_121, %dma_wait3A_126] : memref<160x128xi32, #tpu.memory_space<vmem>> -> memref<1x128xi32, #tpu.memory_space<vmem>>
    %dma_wait3A_128 = tpu.memref_squeeze %dma_wait3A_127 : memref<1x128xi32, #tpu.memory_space<vmem>> -> memref<128xi32, #tpu.memory_space<vmem>>
    %dma_wait3A_129 = arith.constant 0 : i32
    %dma_wait3A_130 = arith.constant 0 : i32
    %dma_wait3A_131 = tpu.memref_slice %arg11[%dma_wait3A_129, %dma_wait3A_130] : memref<10240x32xf32, #tpu.memory_space<vmem_shared>> -> memref<10240x32xf32, #tpu.memory_space<vmem_shared>>
    tpu.wait_indirect_dma semaphore(%arg13 : memref<!tpu.dma_semaphore, #tpu.memory_space<semaphore_mem>>) src(%dma_wait3A_125 : memref<128x32xf32, #tpu.memory_space<vmem>>) dst(%dma_wait3A_131 : memref<10240x32xf32, #tpu.memory_space<vmem_shared>>)
    %dma_wait3A_132 = arith.constant 0 : i32
    %dma_wait3A_133 = arith.constant 1 : i32
    %dma_wait3A_134 = arith.constant 151 : i32
    %dma_wait3A_135 = arith.constant 0 : i32
    %dma_wait3A_136 = arith.constant 0 : i32
    %dma_wait3A_137 = tpu.memref_slice %arg9[%dma_wait3A_132, %dma_wait3A_133, %dma_wait3A_135, %dma_wait3A_136] : memref<5x2x128x32xf32, #tpu.memory_space<vmem>> -> memref<1x1x128x32xf32, #tpu.memory_space<vmem>>
    %dma_wait3A_138 = tpu.memref_squeeze %dma_wait3A_137 : memref<1x1x128x32xf32, #tpu.memory_space<vmem>> -> memref<128x32xf32, #tpu.memory_space<vmem>>
    %dma_wait3A_139 = arith.constant 0 : i32
    %dma_wait3A_140 = tpu.memref_slice %arg8[%dma_wait3A_134, %dma_wait3A_139] : memref<160x128xi32, #tpu.memory_space<vmem>> -> memref<1x128xi32, #tpu.memory_space<vmem>>
    %dma_wait3A_141 = tpu.memref_squeeze %dma_wait3A_140 : memref<1x128xi32, #tpu.memory_space<vmem>> -> memref<128xi32, #tpu.memory_space<vmem>>
    %dma_wait3A_142 = arith.constant 0 : i32
    %dma_wait3A_143 = arith.constant 0 : i32
    %dma_wait3A_144 = tpu.memref_slice %arg11[%dma_wait3A_142, %dma_wait3A_143] : memref<10240x32xf32, #tpu.memory_space<vmem_shared>> -> memref<10240x32xf32, #tpu.memory_space<vmem_shared>>
    tpu.wait_indirect_dma semaphore(%arg13 : memref<!tpu.dma_semaphore, #tpu.memory_space<semaphore_mem>>) src(%dma_wait3A_138 : memref<128x32xf32, #tpu.memory_space<vmem>>) dst(%dma_wait3A_144 : memref<10240x32xf32, #tpu.memory_space<vmem_shared>>)
    %dma_wait3A_145 = arith.constant 1 : i32
    %dma_wait3A_146 = arith.constant 0 : i32
    %dma_wait3A_147 = arith.constant 152 : i32
    %dma_wait3A_148 = arith.constant 0 : i32
    %dma_wait3A_149 = arith.constant 0 : i32
    %dma_wait3A_150 = tpu.memref_slice %arg9[%dma_wait3A_145, %dma_wait3A_146, %dma_wait3A_148, %dma_wait3A_149] : memref<5x2x128x32xf32, #tpu.memory_space<vmem>> -> memref<1x1x128x32xf32, #tpu.memory_space<vmem>>
    %dma_wait3A_151 = tpu.memref_squeeze %dma_wait3A_150 : memref<1x1x128x32xf32, #tpu.memory_space<vmem>> -> memref<128x32xf32, #tpu.memory_space<vmem>>
    %dma_wait3A_152 = arith.constant 0 : i32
    %dma_wait3A_153 = tpu.memref_slice %arg8[%dma_wait3A_147, %dma_wait3A_152] : memref<160x128xi32, #tpu.memory_space<vmem>> -> memref<1x128xi32, #tpu.memory_space<vmem>>
    %dma_wait3A_154 = tpu.memref_squeeze %dma_wait3A_153 : memref<1x128xi32, #tpu.memory_space<vmem>> -> memref<128xi32, #tpu.memory_space<vmem>>
    %dma_wait3A_155 = arith.constant 0 : i32
    %dma_wait3A_156 = arith.constant 0 : i32
    %dma_wait3A_157 = tpu.memref_slice %arg11[%dma_wait3A_155, %dma_wait3A_156] : memref<10240x32xf32, #tpu.memory_space<vmem_shared>> -> memref<10240x32xf32, #tpu.memory_space<vmem_shared>>
    tpu.wait_indirect_dma semaphore(%arg13 : memref<!tpu.dma_semaphore, #tpu.memory_space<semaphore_mem>>) src(%dma_wait3A_151 : memref<128x32xf32, #tpu.memory_space<vmem>>) dst(%dma_wait3A_157 : memref<10240x32xf32, #tpu.memory_space<vmem_shared>>)
    %dma_wait3A_158 = arith.constant 1 : i32
    %dma_wait3A_159 = arith.constant 1 : i32
    %dma_wait3A_160 = arith.constant 153 : i32
    %dma_wait3A_161 = arith.constant 0 : i32
    %dma_wait3A_162 = arith.constant 0 : i32
    %dma_wait3A_163 = tpu.memref_slice %arg9[%dma_wait3A_158, %dma_wait3A_159, %dma_wait3A_161, %dma_wait3A_162] : memref<5x2x128x32xf32, #tpu.memory_space<vmem>> -> memref<1x1x128x32xf32, #tpu.memory_space<vmem>>
    %dma_wait3A_164 = tpu.memref_squeeze %dma_wait3A_163 : memref<1x1x128x32xf32, #tpu.memory_space<vmem>> -> memref<128x32xf32, #tpu.memory_space<vmem>>
    %dma_wait3A_165 = arith.constant 0 : i32
    %dma_wait3A_166 = tpu.memref_slice %arg8[%dma_wait3A_160, %dma_wait3A_165] : memref<160x128xi32, #tpu.memory_space<vmem>> -> memref<1x128xi32, #tpu.memory_space<vmem>>
    %dma_wait3A_167 = tpu.memref_squeeze %dma_wait3A_166 : memref<1x128xi32, #tpu.memory_space<vmem>> -> memref<128xi32, #tpu.memory_space<vmem>>
    %dma_wait3A_168 = arith.constant 0 : i32
    %dma_wait3A_169 = arith.constant 0 : i32
    %dma_wait3A_170 = tpu.memref_slice %arg11[%dma_wait3A_168, %dma_wait3A_169] : memref<10240x32xf32, #tpu.memory_space<vmem_shared>> -> memref<10240x32xf32, #tpu.memory_space<vmem_shared>>
    tpu.wait_indirect_dma semaphore(%arg13 : memref<!tpu.dma_semaphore, #tpu.memory_space<semaphore_mem>>) src(%dma_wait3A_164 : memref<128x32xf32, #tpu.memory_space<vmem>>) dst(%dma_wait3A_170 : memref<10240x32xf32, #tpu.memory_space<vmem_shared>>)
    %dma_wait3A_171 = arith.constant 2 : i32
    %dma_wait3A_172 = arith.constant 0 : i32
    %dma_wait3A_173 = arith.constant 154 : i32
    %dma_wait3A_174 = arith.constant 0 : i32
    %dma_wait3A_175 = arith.constant 0 : i32
    %dma_wait3A_176 = tpu.memref_slice %arg9[%dma_wait3A_171, %dma_wait3A_172, %dma_wait3A_174, %dma_wait3A_175] : memref<5x2x128x32xf32, #tpu.memory_space<vmem>> -> memref<1x1x128x32xf32, #tpu.memory_space<vmem>>
    %dma_wait3A_177 = tpu.memref_squeeze %dma_wait3A_176 : memref<1x1x128x32xf32, #tpu.memory_space<vmem>> -> memref<128x32xf32, #tpu.memory_space<vmem>>
    %dma_wait3A_178 = arith.constant 0 : i32
    %dma_wait3A_179 = tpu.memref_slice %arg8[%dma_wait3A_173, %dma_wait3A_178] : memref<160x128xi32, #tpu.memory_space<vmem>> -> memref<1x128xi32, #tpu.memory_space<vmem>>
    %dma_wait3A_180 = tpu.memref_squeeze %dma_wait3A_179 : memref<1x128xi32, #tpu.memory_space<vmem>> -> memref<128xi32, #tpu.memory_space<vmem>>
    %dma_wait3A_181 = arith.constant 0 : i32
    %dma_wait3A_182 = arith.constant 0 : i32
    %dma_wait3A_183 = tpu.memref_slice %arg11[%dma_wait3A_181, %dma_wait3A_182] : memref<10240x32xf32, #tpu.memory_space<vmem_shared>> -> memref<10240x32xf32, #tpu.memory_space<vmem_shared>>
    tpu.wait_indirect_dma semaphore(%arg13 : memref<!tpu.dma_semaphore, #tpu.memory_space<semaphore_mem>>) src(%dma_wait3A_177 : memref<128x32xf32, #tpu.memory_space<vmem>>) dst(%dma_wait3A_183 : memref<10240x32xf32, #tpu.memory_space<vmem_shared>>)
    %dma_wait3A_184 = arith.constant 2 : i32
    %dma_wait3A_185 = arith.constant 1 : i32
    %dma_wait3A_186 = arith.constant 155 : i32
    %dma_wait3A_187 = arith.constant 0 : i32
    %dma_wait3A_188 = arith.constant 0 : i32
    %dma_wait3A_189 = tpu.memref_slice %arg9[%dma_wait3A_184, %dma_wait3A_185, %dma_wait3A_187, %dma_wait3A_188] : memref<5x2x128x32xf32, #tpu.memory_space<vmem>> -> memref<1x1x128x32xf32, #tpu.memory_space<vmem>>
    %dma_wait3A_190 = tpu.memref_squeeze %dma_wait3A_189 : memref<1x1x128x32xf32, #tpu.memory_space<vmem>> -> memref<128x32xf32, #tpu.memory_space<vmem>>
    %dma_wait3A_191 = arith.constant 0 : i32
    %dma_wait3A_192 = tpu.memref_slice %arg8[%dma_wait3A_186, %dma_wait3A_191] : memref<160x128xi32, #tpu.memory_space<vmem>> -> memref<1x128xi32, #tpu.memory_space<vmem>>
    %dma_wait3A_193 = tpu.memref_squeeze %dma_wait3A_192 : memref<1x128xi32, #tpu.memory_space<vmem>> -> memref<128xi32, #tpu.memory_space<vmem>>
    %dma_wait3A_194 = arith.constant 0 : i32
    %dma_wait3A_195 = arith.constant 0 : i32
    %dma_wait3A_196 = tpu.memref_slice %arg11[%dma_wait3A_194, %dma_wait3A_195] : memref<10240x32xf32, #tpu.memory_space<vmem_shared>> -> memref<10240x32xf32, #tpu.memory_space<vmem_shared>>
    tpu.wait_indirect_dma semaphore(%arg13 : memref<!tpu.dma_semaphore, #tpu.memory_space<semaphore_mem>>) src(%dma_wait3A_190 : memref<128x32xf32, #tpu.memory_space<vmem>>) dst(%dma_wait3A_196 : memref<10240x32xf32, #tpu.memory_space<vmem_shared>>)
    %dma_wait3A_197 = arith.constant 3 : i32
    %dma_wait3A_198 = arith.constant 0 : i32
    %dma_wait3A_199 = arith.constant 156 : i32
    %dma_wait3A_200 = arith.constant 0 : i32
    %dma_wait3A_201 = arith.constant 0 : i32
    %dma_wait3A_202 = tpu.memref_slice %arg9[%dma_wait3A_197, %dma_wait3A_198, %dma_wait3A_200, %dma_wait3A_201] : memref<5x2x128x32xf32, #tpu.memory_space<vmem>> -> memref<1x1x128x32xf32, #tpu.memory_space<vmem>>
    %dma_wait3A_203 = tpu.memref_squeeze %dma_wait3A_202 : memref<1x1x128x32xf32, #tpu.memory_space<vmem>> -> memref<128x32xf32, #tpu.memory_space<vmem>>
    %dma_wait3A_204 = arith.constant 0 : i32
    %dma_wait3A_205 = tpu.memref_slice %arg8[%dma_wait3A_199, %dma_wait3A_204] : memref<160x128xi32, #tpu.memory_space<vmem>> -> memref<1x128xi32, #tpu.memory_space<vmem>>
    %dma_wait3A_206 = tpu.memref_squeeze %dma_wait3A_205 : memref<1x128xi32, #tpu.memory_space<vmem>> -> memref<128xi32, #tpu.memory_space<vmem>>
    %dma_wait3A_207 = arith.constant 0 : i32
    %dma_wait3A_208 = arith.constant 0 : i32
    %dma_wait3A_209 = tpu.memref_slice %arg11[%dma_wait3A_207, %dma_wait3A_208] : memref<10240x32xf32, #tpu.memory_space<vmem_shared>> -> memref<10240x32xf32, #tpu.memory_space<vmem_shared>>
    tpu.wait_indirect_dma semaphore(%arg13 : memref<!tpu.dma_semaphore, #tpu.memory_space<semaphore_mem>>) src(%dma_wait3A_203 : memref<128x32xf32, #tpu.memory_space<vmem>>) dst(%dma_wait3A_209 : memref<10240x32xf32, #tpu.memory_space<vmem_shared>>)
    %dma_wait3A_210 = arith.constant 3 : i32
    %dma_wait3A_211 = arith.constant 1 : i32
    %dma_wait3A_212 = arith.constant 157 : i32
    %dma_wait3A_213 = arith.constant 0 : i32
    %dma_wait3A_214 = arith.constant 0 : i32
    %dma_wait3A_215 = tpu.memref_slice %arg9[%dma_wait3A_210, %dma_wait3A_211, %dma_wait3A_213, %dma_wait3A_214] : memref<5x2x128x32xf32, #tpu.memory_space<vmem>> -> memref<1x1x128x32xf32, #tpu.memory_space<vmem>>
    %dma_wait3A_216 = tpu.memref_squeeze %dma_wait3A_215 : memref<1x1x128x32xf32, #tpu.memory_space<vmem>> -> memref<128x32xf32, #tpu.memory_space<vmem>>
    %dma_wait3A_217 = arith.constant 0 : i32
    %dma_wait3A_218 = tpu.memref_slice %arg8[%dma_wait3A_212, %dma_wait3A_217] : memref<160x128xi32, #tpu.memory_space<vmem>> -> memref<1x128xi32, #tpu.memory_space<vmem>>
    %dma_wait3A_219 = tpu.memref_squeeze %dma_wait3A_218 : memref<1x128xi32, #tpu.memory_space<vmem>> -> memref<128xi32, #tpu.memory_space<vmem>>
    %dma_wait3A_220 = arith.constant 0 : i32
    %dma_wait3A_221 = arith.constant 0 : i32
    %dma_wait3A_222 = tpu.memref_slice %arg11[%dma_wait3A_220, %dma_wait3A_221] : memref<10240x32xf32, #tpu.memory_space<vmem_shared>> -> memref<10240x32xf32, #tpu.memory_space<vmem_shared>>
    tpu.wait_indirect_dma semaphore(%arg13 : memref<!tpu.dma_semaphore, #tpu.memory_space<semaphore_mem>>) src(%dma_wait3A_216 : memref<128x32xf32, #tpu.memory_space<vmem>>) dst(%dma_wait3A_222 : memref<10240x32xf32, #tpu.memory_space<vmem_shared>>)
    %dma_wait3A_223 = arith.constant 4 : i32
    %dma_wait3A_224 = arith.constant 0 : i32
    %dma_wait3A_225 = arith.constant 158 : i32
    %dma_wait3A_226 = arith.constant 0 : i32
    %dma_wait3A_227 = arith.constant 0 : i32
    %dma_wait3A_228 = tpu.memref_slice %arg9[%dma_wait3A_223, %dma_wait3A_224, %dma_wait3A_226, %dma_wait3A_227] : memref<5x2x128x32xf32, #tpu.memory_space<vmem>> -> memref<1x1x128x32xf32, #tpu.memory_space<vmem>>
    %dma_wait3A_229 = tpu.memref_squeeze %dma_wait3A_228 : memref<1x1x128x32xf32, #tpu.memory_space<vmem>> -> memref<128x32xf32, #tpu.memory_space<vmem>>
    %dma_wait3A_230 = arith.constant 0 : i32
    %dma_wait3A_231 = tpu.memref_slice %arg8[%dma_wait3A_225, %dma_wait3A_230] : memref<160x128xi32, #tpu.memory_space<vmem>> -> memref<1x128xi32, #tpu.memory_space<vmem>>
    %dma_wait3A_232 = tpu.memref_squeeze %dma_wait3A_231 : memref<1x128xi32, #tpu.memory_space<vmem>> -> memref<128xi32, #tpu.memory_space<vmem>>
    %dma_wait3A_233 = arith.constant 0 : i32
    %dma_wait3A_234 = arith.constant 0 : i32
    %dma_wait3A_235 = tpu.memref_slice %arg11[%dma_wait3A_233, %dma_wait3A_234] : memref<10240x32xf32, #tpu.memory_space<vmem_shared>> -> memref<10240x32xf32, #tpu.memory_space<vmem_shared>>
    tpu.wait_indirect_dma semaphore(%arg13 : memref<!tpu.dma_semaphore, #tpu.memory_space<semaphore_mem>>) src(%dma_wait3A_229 : memref<128x32xf32, #tpu.memory_space<vmem>>) dst(%dma_wait3A_235 : memref<10240x32xf32, #tpu.memory_space<vmem_shared>>)
    %dma_wait3A_236 = arith.constant 4 : i32
    %dma_wait3A_237 = arith.constant 1 : i32
    %dma_wait3A_238 = arith.constant 159 : i32
    %dma_wait3A_239 = arith.constant 0 : i32
    %dma_wait3A_240 = arith.constant 0 : i32
    %dma_wait3A_241 = tpu.memref_slice %arg9[%dma_wait3A_236, %dma_wait3A_237, %dma_wait3A_239, %dma_wait3A_240] : memref<5x2x128x32xf32, #tpu.memory_space<vmem>> -> memref<1x1x128x32xf32, #tpu.memory_space<vmem>>
    %dma_wait3A_242 = tpu.memref_squeeze %dma_wait3A_241 : memref<1x1x128x32xf32, #tpu.memory_space<vmem>> -> memref<128x32xf32, #tpu.memory_space<vmem>>
    %dma_wait3A_243 = arith.constant 0 : i32
    %dma_wait3A_244 = tpu.memref_slice %arg8[%dma_wait3A_238, %dma_wait3A_243] : memref<160x128xi32, #tpu.memory_space<vmem>> -> memref<1x128xi32, #tpu.memory_space<vmem>>
    %dma_wait3A_245 = tpu.memref_squeeze %dma_wait3A_244 : memref<1x128xi32, #tpu.memory_space<vmem>> -> memref<128xi32, #tpu.memory_space<vmem>>
    %dma_wait3A_246 = arith.constant 0 : i32
    %dma_wait3A_247 = arith.constant 0 : i32
    %dma_wait3A_248 = tpu.memref_slice %arg11[%dma_wait3A_246, %dma_wait3A_247] : memref<10240x32xf32, #tpu.memory_space<vmem_shared>> -> memref<10240x32xf32, #tpu.memory_space<vmem_shared>>
    tpu.wait_indirect_dma semaphore(%arg13 : memref<!tpu.dma_semaphore, #tpu.memory_space<semaphore_mem>>) src(%dma_wait3A_242 : memref<128x32xf32, #tpu.memory_space<vmem>>) dst(%dma_wait3A_248 : memref<10240x32xf32, #tpu.memory_space<vmem_shared>>)
    %barrier3A_249 = arith.constant 0 : index
    tpu.barrier barrier_id(%barrier3A_249)
    %mul3A_250 = arith.constant 640 : i32
    %mul3A_251 = arith.muli %arg1, %mul3A_250 : i32
    %mul3A_252 = arith.constant 640 : i32
    %mul3A_253 = arith.muli %arg1, %mul3A_252 : i32
    "tpu.region"() ({
      %run_scoped3A = tpu.sem_alloc : memref<!tpu.dma_semaphore, #tpu.memory_space<semaphore_mem>>
      %dma_start3A_510 = arith.constant 0 : i32
      %dma_start3A_511 = tpu.memref_slice %arg6[%add3A_3, %mul3A_253, %dma_start3A_510] : memref<4x10240x32xf32, #tpu.memory_space<hbm>> -> memref<1x640x32xf32, #tpu.memory_space<hbm>>
      %dma_start3A_512 = tpu.memref_squeeze %dma_start3A_511 : memref<1x640x32xf32, #tpu.memory_space<hbm>> -> memref<640x32xf32, #tpu.memory_space<hbm>>
      %dma_start3A_513 = arith.constant 0 : i32
      %dma_start3A_514 = tpu.memref_slice %arg11[%mul3A_251, %dma_start3A_513] : memref<10240x32xf32, #tpu.memory_space<vmem_shared>> -> memref<640x32xf32, #tpu.memory_space<vmem_shared>>
      tpu.enqueue_dma source(%dma_start3A_514 : memref<640x32xf32, #tpu.memory_space<vmem_shared>>) target(%dma_start3A_512 : memref<640x32xf32, #tpu.memory_space<hbm>>) target_semaphore(%run_scoped3A : memref<!tpu.dma_semaphore, #tpu.memory_space<semaphore_mem>>)
      %dma_wait3A_515 = arith.constant 0 : i32
      %dma_wait3A_516 = tpu.memref_slice %arg6[%add3A_3, %mul3A_253, %dma_wait3A_515] : memref<4x10240x32xf32, #tpu.memory_space<hbm>> -> memref<1x640x32xf32, #tpu.memory_space<hbm>>
      %dma_wait3A_517 = tpu.memref_squeeze %dma_wait3A_516 : memref<1x640x32xf32, #tpu.memory_space<hbm>> -> memref<640x32xf32, #tpu.memory_space<hbm>>
      %dma_wait3A_518 = arith.constant 0 : i32
      %dma_wait3A_519 = tpu.memref_slice %arg11[%mul3A_251, %dma_wait3A_518] : memref<10240x32xf32, #tpu.memory_space<vmem_shared>> -> memref<640x32xf32, #tpu.memory_space<vmem_shared>>
      tpu.wait_dma2 semaphore(%run_scoped3A : memref<!tpu.dma_semaphore, #tpu.memory_space<semaphore_mem>>) src(%dma_wait3A_519 : memref<640x32xf32, #tpu.memory_space<vmem_shared>>) dst(%dma_wait3A_517 : memref<640x32xf32, #tpu.memory_space<hbm>>)
      tpu.yield
    }) : () -> ()
    %add3A_254 = arith.constant 2 : i32
    %add3A_255 = arith.addi %add3A_254, %arg0 : i32
    %mul3A_256 = arith.constant 640 : i32
    %mul3A_257 = arith.muli %arg1, %mul3A_256 : i32
    %mul3A_258 = arith.constant 640 : i32
    %mul3A_259 = arith.muli %arg1, %mul3A_258 : i32
    "tpu.region"() ({
      %run_scoped3A = tpu.sem_alloc : memref<!tpu.dma_semaphore, #tpu.memory_space<semaphore_mem>>
      %dma_start3A_510 = arith.constant 0 : i32
      %dma_start3A_511 = tpu.memref_slice %arg11[%mul3A_259, %dma_start3A_510] : memref<10240x32xf32, #tpu.memory_space<vmem_shared>> -> memref<640x32xf32, #tpu.memory_space<vmem_shared>>
      %dma_start3A_512 = arith.constant 0 : i32
      %dma_start3A_513 = tpu.memref_slice %arg5[%mul3A_257, %dma_start3A_512] : memref<10240x32xf32, #tpu.memory_space<hbm>> -> memref<640x32xf32, #tpu.memory_space<hbm>>
      tpu.enqueue_dma source(%dma_start3A_513 : memref<640x32xf32, #tpu.memory_space<hbm>>) target(%dma_start3A_511 : memref<640x32xf32, #tpu.memory_space<vmem_shared>>) target_semaphore(%run_scoped3A : memref<!tpu.dma_semaphore, #tpu.memory_space<semaphore_mem>>)
      %dma_wait3A_514 = arith.constant 0 : i32
      %dma_wait3A_515 = tpu.memref_slice %arg11[%mul3A_259, %dma_wait3A_514] : memref<10240x32xf32, #tpu.memory_space<vmem_shared>> -> memref<640x32xf32, #tpu.memory_space<vmem_shared>>
      %dma_wait3A_516 = arith.constant 0 : i32
      %dma_wait3A_517 = tpu.memref_slice %arg5[%mul3A_257, %dma_wait3A_516] : memref<10240x32xf32, #tpu.memory_space<hbm>> -> memref<640x32xf32, #tpu.memory_space<hbm>>
      tpu.wait_dma2 semaphore(%run_scoped3A : memref<!tpu.dma_semaphore, #tpu.memory_space<semaphore_mem>>) src(%dma_wait3A_517 : memref<640x32xf32, #tpu.memory_space<hbm>>) dst(%dma_wait3A_515 : memref<640x32xf32, #tpu.memory_space<vmem_shared>>)
      tpu.yield
    }) : () -> ()
    %mul3A_260 = arith.constant 640 : i32
    %mul3A_261 = arith.muli %arg1, %mul3A_260 : i32
    %mul3A_262 = arith.constant 640 : i32
    %mul3A_263 = arith.muli %arg1, %mul3A_262 : i32
    "tpu.region"() ({
      %run_scoped3A = tpu.sem_alloc : memref<!tpu.dma_semaphore, #tpu.memory_space<semaphore_mem>>
      %dma_start3A_510 = arith.constant 0 : i32
      %dma_start3A_511 = tpu.memref_slice %arg10[%mul3A_263, %dma_start3A_510] : memref<10240x32xf32, #tpu.memory_space<vmem_shared>> -> memref<640x32xf32, #tpu.memory_space<vmem_shared>>
      %dma_start3A_512 = arith.constant 0 : i32
      %dma_start3A_513 = tpu.memref_slice %arg2[%add3A_255, %mul3A_261, %dma_start3A_512] : memref<4x10240x32xf32, #tpu.memory_space<hbm>> -> memref<1x640x32xf32, #tpu.memory_space<hbm>>
      %dma_start3A_514 = tpu.memref_squeeze %dma_start3A_513 : memref<1x640x32xf32, #tpu.memory_space<hbm>> -> memref<640x32xf32, #tpu.memory_space<hbm>>
      tpu.enqueue_dma source(%dma_start3A_514 : memref<640x32xf32, #tpu.memory_space<hbm>>) target(%dma_start3A_511 : memref<640x32xf32, #tpu.memory_space<vmem_shared>>) target_semaphore(%run_scoped3A : memref<!tpu.dma_semaphore, #tpu.memory_space<semaphore_mem>>)
      %dma_wait3A_515 = arith.constant 0 : i32
      %dma_wait3A_516 = tpu.memref_slice %arg10[%mul3A_263, %dma_wait3A_515] : memref<10240x32xf32, #tpu.memory_space<vmem_shared>> -> memref<640x32xf32, #tpu.memory_space<vmem_shared>>
      %dma_wait3A_517 = arith.constant 0 : i32
      %dma_wait3A_518 = tpu.memref_slice %arg2[%add3A_255, %mul3A_261, %dma_wait3A_517] : memref<4x10240x32xf32, #tpu.memory_space<hbm>> -> memref<1x640x32xf32, #tpu.memory_space<hbm>>
      %dma_wait3A_519 = tpu.memref_squeeze %dma_wait3A_518 : memref<1x640x32xf32, #tpu.memory_space<hbm>> -> memref<640x32xf32, #tpu.memory_space<hbm>>
      tpu.wait_dma2 semaphore(%run_scoped3A : memref<!tpu.dma_semaphore, #tpu.memory_space<semaphore_mem>>) src(%dma_wait3A_519 : memref<640x32xf32, #tpu.memory_space<hbm>>) dst(%dma_wait3A_516 : memref<640x32xf32, #tpu.memory_space<vmem_shared>>)
      tpu.yield
    }) : () -> ()
    %barrier3A_264 = arith.constant 0 : index
    tpu.barrier barrier_id(%barrier3A_264)
    %dma_start3A_265 = arith.constant 0 : i32
    %dma_start3A_266 = arith.constant 0 : i32
    %dma_start3A_267 = arith.constant 0 : i32
    %dma_start3A_268 = arith.constant 0 : i32
    %dma_start3A_269 = arith.constant 0 : i32
    %dma_start3A_270 = tpu.memref_slice %arg9[%dma_start3A_266, %dma_start3A_267, %dma_start3A_268, %dma_start3A_269] : memref<5x2x128x32xf32, #tpu.memory_space<vmem>> -> memref<1x1x128x32xf32, #tpu.memory_space<vmem>>
    %dma_start3A_271 = tpu.memref_squeeze %dma_start3A_270 : memref<1x1x128x32xf32, #tpu.memory_space<vmem>> -> memref<128x32xf32, #tpu.memory_space<vmem>>
    %dma_start3A_272 = arith.constant 0 : i32
    %dma_start3A_273 = tpu.memref_slice %arg7[%dma_start3A_265, %dma_start3A_272] : memref<160x128xi32, #tpu.memory_space<vmem>> -> memref<1x128xi32, #tpu.memory_space<vmem>>
    %dma_start3A_274 = tpu.memref_squeeze %dma_start3A_273 : memref<1x128xi32, #tpu.memory_space<vmem>> -> memref<128xi32, #tpu.memory_space<vmem>>
    %dma_start3A_275 = arith.constant 0 : i32
    %dma_start3A_276 = arith.constant 0 : i32
    %dma_start3A_277 = tpu.memref_slice %arg10[%dma_start3A_275, %dma_start3A_276] : memref<10240x32xf32, #tpu.memory_space<vmem_shared>> -> memref<10240x32xf32, #tpu.memory_space<vmem_shared>>
    tpu.enqueue_indirect_dma source(%dma_start3A_277 : memref<10240x32xf32, #tpu.memory_space<vmem_shared>>) target(%dma_start3A_271 : memref<128x32xf32, #tpu.memory_space<vmem>>) offsets(%dma_start3A_274 : memref<128xi32, #tpu.memory_space<vmem>>) semaphore(%arg12 : memref<!tpu.dma_semaphore, #tpu.memory_space<semaphore_mem>>)
    %dma_start3A_278 = arith.constant 1 : i32
    %dma_start3A_279 = arith.constant 0 : i32
    %dma_start3A_280 = arith.constant 1 : i32
    %dma_start3A_281 = arith.constant 0 : i32
    %dma_start3A_282 = arith.constant 0 : i32
    %dma_start3A_283 = tpu.memref_slice %arg9[%dma_start3A_279, %dma_start3A_280, %dma_start3A_281, %dma_start3A_282] : memref<5x2x128x32xf32, #tpu.memory_space<vmem>> -> memref<1x1x128x32xf32, #tpu.memory_space<vmem>>
    %dma_start3A_284 = tpu.memref_squeeze %dma_start3A_283 : memref<1x1x128x32xf32, #tpu.memory_space<vmem>> -> memref<128x32xf32, #tpu.memory_space<vmem>>
    %dma_start3A_285 = arith.constant 0 : i32
    %dma_start3A_286 = tpu.memref_slice %arg7[%dma_start3A_278, %dma_start3A_285] : memref<160x128xi32, #tpu.memory_space<vmem>> -> memref<1x128xi32, #tpu.memory_space<vmem>>
    %dma_start3A_287 = tpu.memref_squeeze %dma_start3A_286 : memref<1x128xi32, #tpu.memory_space<vmem>> -> memref<128xi32, #tpu.memory_space<vmem>>
    %dma_start3A_288 = arith.constant 0 : i32
    %dma_start3A_289 = arith.constant 0 : i32
    %dma_start3A_290 = tpu.memref_slice %arg10[%dma_start3A_288, %dma_start3A_289] : memref<10240x32xf32, #tpu.memory_space<vmem_shared>> -> memref<10240x32xf32, #tpu.memory_space<vmem_shared>>
    tpu.enqueue_indirect_dma source(%dma_start3A_290 : memref<10240x32xf32, #tpu.memory_space<vmem_shared>>) target(%dma_start3A_284 : memref<128x32xf32, #tpu.memory_space<vmem>>) offsets(%dma_start3A_287 : memref<128xi32, #tpu.memory_space<vmem>>) semaphore(%arg12 : memref<!tpu.dma_semaphore, #tpu.memory_space<semaphore_mem>>)
    %dma_start3A_291 = arith.constant 2 : i32
    %dma_start3A_292 = arith.constant 1 : i32
    %dma_start3A_293 = arith.constant 0 : i32
    %dma_start3A_294 = arith.constant 0 : i32
    %dma_start3A_295 = arith.constant 0 : i32
    %dma_start3A_296 = tpu.memref_slice %arg9[%dma_start3A_292, %dma_start3A_293, %dma_start3A_294, %dma_start3A_295] : memref<5x2x128x32xf32, #tpu.memory_space<vmem>> -> memref<1x1x128x32xf32, #tpu.memory_space<vmem>>
    %dma_start3A_297 = tpu.memref_squeeze %dma_start3A_296 : memref<1x1x128x32xf32, #tpu.memory_space<vmem>> -> memref<128x32xf32, #tpu.memory_space<vmem>>
    %dma_start3A_298 = arith.constant 0 : i32
    %dma_start3A_299 = tpu.memref_slice %arg7[%dma_start3A_291, %dma_start3A_298] : memref<160x128xi32, #tpu.memory_space<vmem>> -> memref<1x128xi32, #tpu.memory_space<vmem>>
    %dma_start3A_300 = tpu.memref_squeeze %dma_start3A_299 : memref<1x128xi32, #tpu.memory_space<vmem>> -> memref<128xi32, #tpu.memory_space<vmem>>
    %dma_start3A_301 = arith.constant 0 : i32
    %dma_start3A_302 = arith.constant 0 : i32
    %dma_start3A_303 = tpu.memref_slice %arg10[%dma_start3A_301, %dma_start3A_302] : memref<10240x32xf32, #tpu.memory_space<vmem_shared>> -> memref<10240x32xf32, #tpu.memory_space<vmem_shared>>
    tpu.enqueue_indirect_dma source(%dma_start3A_303 : memref<10240x32xf32, #tpu.memory_space<vmem_shared>>) target(%dma_start3A_297 : memref<128x32xf32, #tpu.memory_space<vmem>>) offsets(%dma_start3A_300 : memref<128xi32, #tpu.memory_space<vmem>>) semaphore(%arg12 : memref<!tpu.dma_semaphore, #tpu.memory_space<semaphore_mem>>)
    %dma_start3A_304 = arith.constant 3 : i32
    %dma_start3A_305 = arith.constant 1 : i32
    %dma_start3A_306 = arith.constant 1 : i32
    %dma_start3A_307 = arith.constant 0 : i32
    %dma_start3A_308 = arith.constant 0 : i32
    %dma_start3A_309 = tpu.memref_slice %arg9[%dma_start3A_305, %dma_start3A_306, %dma_start3A_307, %dma_start3A_308] : memref<5x2x128x32xf32, #tpu.memory_space<vmem>> -> memref<1x1x128x32xf32, #tpu.memory_space<vmem>>
    %dma_start3A_310 = tpu.memref_squeeze %dma_start3A_309 : memref<1x1x128x32xf32, #tpu.memory_space<vmem>> -> memref<128x32xf32, #tpu.memory_space<vmem>>
    %dma_start3A_311 = arith.constant 0 : i32
    %dma_start3A_312 = tpu.memref_slice %arg7[%dma_start3A_304, %dma_start3A_311] : memref<160x128xi32, #tpu.memory_space<vmem>> -> memref<1x128xi32, #tpu.memory_space<vmem>>
    %dma_start3A_313 = tpu.memref_squeeze %dma_start3A_312 : memref<1x128xi32, #tpu.memory_space<vmem>> -> memref<128xi32, #tpu.memory_space<vmem>>
    %dma_start3A_314 = arith.constant 0 : i32
    %dma_start3A_315 = arith.constant 0 : i32
    %dma_start3A_316 = tpu.memref_slice %arg10[%dma_start3A_314, %dma_start3A_315] : memref<10240x32xf32, #tpu.memory_space<vmem_shared>> -> memref<10240x32xf32, #tpu.memory_space<vmem_shared>>
    tpu.enqueue_indirect_dma source(%dma_start3A_316 : memref<10240x32xf32, #tpu.memory_space<vmem_shared>>) target(%dma_start3A_310 : memref<128x32xf32, #tpu.memory_space<vmem>>) offsets(%dma_start3A_313 : memref<128xi32, #tpu.memory_space<vmem>>) semaphore(%arg12 : memref<!tpu.dma_semaphore, #tpu.memory_space<semaphore_mem>>)
    %dma_start3A_317 = arith.constant 4 : i32
    %dma_start3A_318 = arith.constant 2 : i32
    %dma_start3A_319 = arith.constant 0 : i32
    %dma_start3A_320 = arith.constant 0 : i32
    %dma_start3A_321 = arith.constant 0 : i32
    %dma_start3A_322 = tpu.memref_slice %arg9[%dma_start3A_318, %dma_start3A_319, %dma_start3A_320, %dma_start3A_321] : memref<5x2x128x32xf32, #tpu.memory_space<vmem>> -> memref<1x1x128x32xf32, #tpu.memory_space<vmem>>
    %dma_start3A_323 = tpu.memref_squeeze %dma_start3A_322 : memref<1x1x128x32xf32, #tpu.memory_space<vmem>> -> memref<128x32xf32, #tpu.memory_space<vmem>>
    %dma_start3A_324 = arith.constant 0 : i32
    %dma_start3A_325 = tpu.memref_slice %arg7[%dma_start3A_317, %dma_start3A_324] : memref<160x128xi32, #tpu.memory_space<vmem>> -> memref<1x128xi32, #tpu.memory_space<vmem>>
    %dma_start3A_326 = tpu.memref_squeeze %dma_start3A_325 : memref<1x128xi32, #tpu.memory_space<vmem>> -> memref<128xi32, #tpu.memory_space<vmem>>
    %dma_start3A_327 = arith.constant 0 : i32
    %dma_start3A_328 = arith.constant 0 : i32
    %dma_start3A_329 = tpu.memref_slice %arg10[%dma_start3A_327, %dma_start3A_328] : memref<10240x32xf32, #tpu.memory_space<vmem_shared>> -> memref<10240x32xf32, #tpu.memory_space<vmem_shared>>
    tpu.enqueue_indirect_dma source(%dma_start3A_329 : memref<10240x32xf32, #tpu.memory_space<vmem_shared>>) target(%dma_start3A_323 : memref<128x32xf32, #tpu.memory_space<vmem>>) offsets(%dma_start3A_326 : memref<128xi32, #tpu.memory_space<vmem>>) semaphore(%arg12 : memref<!tpu.dma_semaphore, #tpu.memory_space<semaphore_mem>>)
    %dma_start3A_330 = arith.constant 5 : i32
    %dma_start3A_331 = arith.constant 2 : i32
    %dma_start3A_332 = arith.constant 1 : i32
    %dma_start3A_333 = arith.constant 0 : i32
    %dma_start3A_334 = arith.constant 0 : i32
    %dma_start3A_335 = tpu.memref_slice %arg9[%dma_start3A_331, %dma_start3A_332, %dma_start3A_333, %dma_start3A_334] : memref<5x2x128x32xf32, #tpu.memory_space<vmem>> -> memref<1x1x128x32xf32, #tpu.memory_space<vmem>>
    %dma_start3A_336 = tpu.memref_squeeze %dma_start3A_335 : memref<1x1x128x32xf32, #tpu.memory_space<vmem>> -> memref<128x32xf32, #tpu.memory_space<vmem>>
    %dma_start3A_337 = arith.constant 0 : i32
    %dma_start3A_338 = tpu.memref_slice %arg7[%dma_start3A_330, %dma_start3A_337] : memref<160x128xi32, #tpu.memory_space<vmem>> -> memref<1x128xi32, #tpu.memory_space<vmem>>
    %dma_start3A_339 = tpu.memref_squeeze %dma_start3A_338 : memref<1x128xi32, #tpu.memory_space<vmem>> -> memref<128xi32, #tpu.memory_space<vmem>>
    %dma_start3A_340 = arith.constant 0 : i32
    %dma_start3A_341 = arith.constant 0 : i32
    %dma_start3A_342 = tpu.memref_slice %arg10[%dma_start3A_340, %dma_start3A_341] : memref<10240x32xf32, #tpu.memory_space<vmem_shared>> -> memref<10240x32xf32, #tpu.memory_space<vmem_shared>>
    tpu.enqueue_indirect_dma source(%dma_start3A_342 : memref<10240x32xf32, #tpu.memory_space<vmem_shared>>) target(%dma_start3A_336 : memref<128x32xf32, #tpu.memory_space<vmem>>) offsets(%dma_start3A_339 : memref<128xi32, #tpu.memory_space<vmem>>) semaphore(%arg12 : memref<!tpu.dma_semaphore, #tpu.memory_space<semaphore_mem>>)
    %dma_start3A_343 = arith.constant 6 : i32
    %dma_start3A_344 = arith.constant 3 : i32
    %dma_start3A_345 = arith.constant 0 : i32
    %dma_start3A_346 = arith.constant 0 : i32
    %dma_start3A_347 = arith.constant 0 : i32
    %dma_start3A_348 = tpu.memref_slice %arg9[%dma_start3A_344, %dma_start3A_345, %dma_start3A_346, %dma_start3A_347] : memref<5x2x128x32xf32, #tpu.memory_space<vmem>> -> memref<1x1x128x32xf32, #tpu.memory_space<vmem>>
    %dma_start3A_349 = tpu.memref_squeeze %dma_start3A_348 : memref<1x1x128x32xf32, #tpu.memory_space<vmem>> -> memref<128x32xf32, #tpu.memory_space<vmem>>
    %dma_start3A_350 = arith.constant 0 : i32
    %dma_start3A_351 = tpu.memref_slice %arg7[%dma_start3A_343, %dma_start3A_350] : memref<160x128xi32, #tpu.memory_space<vmem>> -> memref<1x128xi32, #tpu.memory_space<vmem>>
    %dma_start3A_352 = tpu.memref_squeeze %dma_start3A_351 : memref<1x128xi32, #tpu.memory_space<vmem>> -> memref<128xi32, #tpu.memory_space<vmem>>
    %dma_start3A_353 = arith.constant 0 : i32
    %dma_start3A_354 = arith.constant 0 : i32
    %dma_start3A_355 = tpu.memref_slice %arg10[%dma_start3A_353, %dma_start3A_354] : memref<10240x32xf32, #tpu.memory_space<vmem_shared>> -> memref<10240x32xf32, #tpu.memory_space<vmem_shared>>
    tpu.enqueue_indirect_dma source(%dma_start3A_355 : memref<10240x32xf32, #tpu.memory_space<vmem_shared>>) target(%dma_start3A_349 : memref<128x32xf32, #tpu.memory_space<vmem>>) offsets(%dma_start3A_352 : memref<128xi32, #tpu.memory_space<vmem>>) semaphore(%arg12 : memref<!tpu.dma_semaphore, #tpu.memory_space<semaphore_mem>>)
    %dma_start3A_356 = arith.constant 7 : i32
    %dma_start3A_357 = arith.constant 3 : i32
    %dma_start3A_358 = arith.constant 1 : i32
    %dma_start3A_359 = arith.constant 0 : i32
    %dma_start3A_360 = arith.constant 0 : i32
    %dma_start3A_361 = tpu.memref_slice %arg9[%dma_start3A_357, %dma_start3A_358, %dma_start3A_359, %dma_start3A_360] : memref<5x2x128x32xf32, #tpu.memory_space<vmem>> -> memref<1x1x128x32xf32, #tpu.memory_space<vmem>>
    %dma_start3A_362 = tpu.memref_squeeze %dma_start3A_361 : memref<1x1x128x32xf32, #tpu.memory_space<vmem>> -> memref<128x32xf32, #tpu.memory_space<vmem>>
    %dma_start3A_363 = arith.constant 0 : i32
    %dma_start3A_364 = tpu.memref_slice %arg7[%dma_start3A_356, %dma_start3A_363] : memref<160x128xi32, #tpu.memory_space<vmem>> -> memref<1x128xi32, #tpu.memory_space<vmem>>
    %dma_start3A_365 = tpu.memref_squeeze %dma_start3A_364 : memref<1x128xi32, #tpu.memory_space<vmem>> -> memref<128xi32, #tpu.memory_space<vmem>>
    %dma_start3A_366 = arith.constant 0 : i32
    %dma_start3A_367 = arith.constant 0 : i32
    %dma_start3A_368 = tpu.memref_slice %arg10[%dma_start3A_366, %dma_start3A_367] : memref<10240x32xf32, #tpu.memory_space<vmem_shared>> -> memref<10240x32xf32, #tpu.memory_space<vmem_shared>>
    tpu.enqueue_indirect_dma source(%dma_start3A_368 : memref<10240x32xf32, #tpu.memory_space<vmem_shared>>) target(%dma_start3A_362 : memref<128x32xf32, #tpu.memory_space<vmem>>) offsets(%dma_start3A_365 : memref<128xi32, #tpu.memory_space<vmem>>) semaphore(%arg12 : memref<!tpu.dma_semaphore, #tpu.memory_space<semaphore_mem>>)
    %scan3A_369 = arith.constant 0 : i32
    %scan3A_370 = arith.constant 0 : i32
    %scan3A_371 = arith.constant 80 : i32
    %scan3A_372 = arith.addi %scan3A_370, %scan3A_371 : i32
    %scan3A_373 = arith.constant 1 : i32
    scf.for %scan3A_510 = %scan3A_370 to %scan3A_372 step %scan3A_373  : i32 {
      %rem3A = arith.constant 5 : i32
      %rem3A_511 = arith.remsi %scan3A_510, %rem3A : i32
      %mul3A_512 = arith.constant 2 : i32
      %mul3A_513 = arith.muli %scan3A_510, %mul3A_512 : i32
      %add3A_514 = arith.constant 0 : i32
      %add3A_515 = arith.addi %mul3A_513, %add3A_514 : i32
      %dma_wait3A_516 = arith.constant 0 : i32
      %dma_wait3A_517 = arith.constant 0 : i32
      %dma_wait3A_518 = arith.constant 0 : i32
      %dma_wait3A_519 = tpu.memref_slice %arg9[%rem3A_511, %dma_wait3A_516, %dma_wait3A_517, %dma_wait3A_518] : memref<5x2x128x32xf32, #tpu.memory_space<vmem>> -> memref<1x1x128x32xf32, #tpu.memory_space<vmem>>
      %dma_wait3A_520 = tpu.memref_squeeze %dma_wait3A_519 : memref<1x1x128x32xf32, #tpu.memory_space<vmem>> -> memref<128x32xf32, #tpu.memory_space<vmem>>
      %dma_wait3A_521 = arith.constant 0 : i32
      %dma_wait3A_522 = tpu.memref_slice %arg7[%add3A_515, %dma_wait3A_521] : memref<160x128xi32, #tpu.memory_space<vmem>> -> memref<1x128xi32, #tpu.memory_space<vmem>>
      %dma_wait3A_523 = tpu.memref_squeeze %dma_wait3A_522 : memref<1x128xi32, #tpu.memory_space<vmem>> -> memref<128xi32, #tpu.memory_space<vmem>>
      %dma_wait3A_524 = arith.constant 0 : i32
      %dma_wait3A_525 = arith.constant 0 : i32
      %dma_wait3A_526 = tpu.memref_slice %arg10[%dma_wait3A_524, %dma_wait3A_525] : memref<10240x32xf32, #tpu.memory_space<vmem_shared>> -> memref<10240x32xf32, #tpu.memory_space<vmem_shared>>
      tpu.wait_indirect_dma semaphore(%arg12 : memref<!tpu.dma_semaphore, #tpu.memory_space<semaphore_mem>>) src(%dma_wait3A_526 : memref<10240x32xf32, #tpu.memory_space<vmem_shared>>) dst(%dma_wait3A_520 : memref<128x32xf32, #tpu.memory_space<vmem>>)
      %mul3A_527 = arith.constant 2 : i32
      %mul3A_528 = arith.muli %scan3A_510, %mul3A_527 : i32
      %add3A_529 = arith.constant 1 : i32
      %add3A_530 = arith.addi %mul3A_528, %add3A_529 : i32
      %dma_wait3A_531 = arith.constant 1 : i32
      %dma_wait3A_532 = arith.constant 0 : i32
      %dma_wait3A_533 = arith.constant 0 : i32
      %dma_wait3A_534 = tpu.memref_slice %arg9[%rem3A_511, %dma_wait3A_531, %dma_wait3A_532, %dma_wait3A_533] : memref<5x2x128x32xf32, #tpu.memory_space<vmem>> -> memref<1x1x128x32xf32, #tpu.memory_space<vmem>>
      %dma_wait3A_535 = tpu.memref_squeeze %dma_wait3A_534 : memref<1x1x128x32xf32, #tpu.memory_space<vmem>> -> memref<128x32xf32, #tpu.memory_space<vmem>>
      %dma_wait3A_536 = arith.constant 0 : i32
      %dma_wait3A_537 = tpu.memref_slice %arg7[%add3A_530, %dma_wait3A_536] : memref<160x128xi32, #tpu.memory_space<vmem>> -> memref<1x128xi32, #tpu.memory_space<vmem>>
      %dma_wait3A_538 = tpu.memref_squeeze %dma_wait3A_537 : memref<1x128xi32, #tpu.memory_space<vmem>> -> memref<128xi32, #tpu.memory_space<vmem>>
      %dma_wait3A_539 = arith.constant 0 : i32
      %dma_wait3A_540 = arith.constant 0 : i32
      %dma_wait3A_541 = tpu.memref_slice %arg10[%dma_wait3A_539, %dma_wait3A_540] : memref<10240x32xf32, #tpu.memory_space<vmem_shared>> -> memref<10240x32xf32, #tpu.memory_space<vmem_shared>>
      tpu.wait_indirect_dma semaphore(%arg12 : memref<!tpu.dma_semaphore, #tpu.memory_space<semaphore_mem>>) src(%dma_wait3A_541 : memref<10240x32xf32, #tpu.memory_space<vmem_shared>>) dst(%dma_wait3A_535 : memref<128x32xf32, #tpu.memory_space<vmem>>)
      %mul3A_542 = arith.constant 2 : i32
      %mul3A_543 = arith.muli %scan3A_510, %mul3A_542 : i32
      %add3A_544 = arith.constant 0 : i32
      %add3A_545 = arith.addi %mul3A_543, %add3A_544 : i32
      %dma_start3A_546 = arith.constant 0 : i32
      %dma_start3A_547 = arith.constant 0 : i32
      %dma_start3A_548 = arith.constant 0 : i32
      %dma_start3A_549 = tpu.memref_slice %arg9[%rem3A_511, %dma_start3A_546, %dma_start3A_547, %dma_start3A_548] : memref<5x2x128x32xf32, #tpu.memory_space<vmem>> -> memref<1x1x128x32xf32, #tpu.memory_space<vmem>>
      %dma_start3A_550 = tpu.memref_squeeze %dma_start3A_549 : memref<1x1x128x32xf32, #tpu.memory_space<vmem>> -> memref<128x32xf32, #tpu.memory_space<vmem>>
      %dma_start3A_551 = arith.constant 0 : i32
      %dma_start3A_552 = tpu.memref_slice %arg8[%add3A_545, %dma_start3A_551] : memref<160x128xi32, #tpu.memory_space<vmem>> -> memref<1x128xi32, #tpu.memory_space<vmem>>
      %dma_start3A_553 = tpu.memref_squeeze %dma_start3A_552 : memref<1x128xi32, #tpu.memory_space<vmem>> -> memref<128xi32, #tpu.memory_space<vmem>>
      %dma_start3A_554 = arith.constant 0 : i32
      %dma_start3A_555 = arith.constant 0 : i32
      %dma_start3A_556 = tpu.memref_slice %arg11[%dma_start3A_554, %dma_start3A_555] : memref<10240x32xf32, #tpu.memory_space<vmem_shared>> -> memref<10240x32xf32, #tpu.memory_space<vmem_shared>>
      tpu.enqueue_indirect_dma source(%dma_start3A_550 : memref<128x32xf32, #tpu.memory_space<vmem>>) target(%dma_start3A_556 : memref<10240x32xf32, #tpu.memory_space<vmem_shared>>) offsets(%dma_start3A_553 : memref<128xi32, #tpu.memory_space<vmem>>) semaphore(%arg13 : memref<!tpu.dma_semaphore, #tpu.memory_space<semaphore_mem>>) {add = true}
      %mul3A_557 = arith.constant 2 : i32
      %mul3A_558 = arith.muli %scan3A_510, %mul3A_557 : i32
      %add3A_559 = arith.constant 1 : i32
      %add3A_560 = arith.addi %mul3A_558, %add3A_559 : i32
      %dma_start3A_561 = arith.constant 1 : i32
      %dma_start3A_562 = arith.constant 0 : i32
      %dma_start3A_563 = arith.constant 0 : i32
      %dma_start3A_564 = tpu.memref_slice %arg9[%rem3A_511, %dma_start3A_561, %dma_start3A_562, %dma_start3A_563] : memref<5x2x128x32xf32, #tpu.memory_space<vmem>> -> memref<1x1x128x32xf32, #tpu.memory_space<vmem>>
      %dma_start3A_565 = tpu.memref_squeeze %dma_start3A_564 : memref<1x1x128x32xf32, #tpu.memory_space<vmem>> -> memref<128x32xf32, #tpu.memory_space<vmem>>
      %dma_start3A_566 = arith.constant 0 : i32
      %dma_start3A_567 = tpu.memref_slice %arg8[%add3A_560, %dma_start3A_566] : memref<160x128xi32, #tpu.memory_space<vmem>> -> memref<1x128xi32, #tpu.memory_space<vmem>>
      %dma_start3A_568 = tpu.memref_squeeze %dma_start3A_567 : memref<1x128xi32, #tpu.memory_space<vmem>> -> memref<128xi32, #tpu.memory_space<vmem>>
      %dma_start3A_569 = arith.constant 0 : i32
      %dma_start3A_570 = arith.constant 0 : i32
      %dma_start3A_571 = tpu.memref_slice %arg11[%dma_start3A_569, %dma_start3A_570] : memref<10240x32xf32, #tpu.memory_space<vmem_shared>> -> memref<10240x32xf32, #tpu.memory_space<vmem_shared>>
      tpu.enqueue_indirect_dma source(%dma_start3A_565 : memref<128x32xf32, #tpu.memory_space<vmem>>) target(%dma_start3A_571 : memref<10240x32xf32, #tpu.memory_space<vmem_shared>>) offsets(%dma_start3A_568 : memref<128xi32, #tpu.memory_space<vmem>>) semaphore(%arg13 : memref<!tpu.dma_semaphore, #tpu.memory_space<semaphore_mem>>) {add = true}
      %add3A_572 = arith.constant 4 : i32
      %add3A_573 = arith.addi %scan3A_510, %add3A_572 : i32
      %rem3A_574 = arith.constant 5 : i32
      %rem3A_575 = arith.remsi %add3A_573, %rem3A_574 : i32
      %lt3A = arith.constant 80 : i32
      %lt3A_576 = arith.cmpi slt, %add3A_573, %lt3A : i32
      %ge3A = arith.constant 5 : i32
      %ge3A_577 = arith.cmpi sge, %add3A_573, %ge3A : i32
      %and3A = arith.andi %lt3A_576, %ge3A_577 : i1
      %convert_element_type3A = arith.extui %and3A : i1 to i32
      %cond3A = arith.constant 0 : i32
      %cond3A_578 = arith.cmpi ne, %convert_element_type3A, %cond3A : i32
      scf.if %cond3A_578 {
        %sub3A = arith.constant 5 : i32
        %sub3A_584 = arith.subi %add3A_573, %sub3A : i32
        %mul3A_585 = arith.constant 2 : i32
        %mul3A_586 = arith.muli %sub3A_584, %mul3A_585 : i32
        %add3A_587 = arith.constant 0 : i32
        %add3A_588 = arith.addi %mul3A_586, %add3A_587 : i32
        %dma_wait3A_589 = arith.constant 0 : i32
        %dma_wait3A_590 = arith.constant 0 : i32
        %dma_wait3A_591 = arith.constant 0 : i32
        %dma_wait3A_592 = tpu.memref_slice %arg9[%rem3A_575, %dma_wait3A_589, %dma_wait3A_590, %dma_wait3A_591] : memref<5x2x128x32xf32, #tpu.memory_space<vmem>> -> memref<1x1x128x32xf32, #tpu.memory_space<vmem>>
        %dma_wait3A_593 = tpu.memref_squeeze %dma_wait3A_592 : memref<1x1x128x32xf32, #tpu.memory_space<vmem>> -> memref<128x32xf32, #tpu.memory_space<vmem>>
        %dma_wait3A_594 = arith.constant 0 : i32
        %dma_wait3A_595 = tpu.memref_slice %arg8[%add3A_588, %dma_wait3A_594] : memref<160x128xi32, #tpu.memory_space<vmem>> -> memref<1x128xi32, #tpu.memory_space<vmem>>
        %dma_wait3A_596 = tpu.memref_squeeze %dma_wait3A_595 : memref<1x128xi32, #tpu.memory_space<vmem>> -> memref<128xi32, #tpu.memory_space<vmem>>
        %dma_wait3A_597 = arith.constant 0 : i32
        %dma_wait3A_598 = arith.constant 0 : i32
        %dma_wait3A_599 = tpu.memref_slice %arg11[%dma_wait3A_597, %dma_wait3A_598] : memref<10240x32xf32, #tpu.memory_space<vmem_shared>> -> memref<10240x32xf32, #tpu.memory_space<vmem_shared>>
        tpu.wait_indirect_dma semaphore(%arg13 : memref<!tpu.dma_semaphore, #tpu.memory_space<semaphore_mem>>) src(%dma_wait3A_593 : memref<128x32xf32, #tpu.memory_space<vmem>>) dst(%dma_wait3A_599 : memref<10240x32xf32, #tpu.memory_space<vmem_shared>>)
        %mul3A_600 = arith.constant 2 : i32
        %mul3A_601 = arith.muli %sub3A_584, %mul3A_600 : i32
        %add3A_602 = arith.constant 1 : i32
        %add3A_603 = arith.addi %mul3A_601, %add3A_602 : i32
        %dma_wait3A_604 = arith.constant 1 : i32
        %dma_wait3A_605 = arith.constant 0 : i32
        %dma_wait3A_606 = arith.constant 0 : i32
        %dma_wait3A_607 = tpu.memref_slice %arg9[%rem3A_575, %dma_wait3A_604, %dma_wait3A_605, %dma_wait3A_606] : memref<5x2x128x32xf32, #tpu.memory_space<vmem>> -> memref<1x1x128x32xf32, #tpu.memory_space<vmem>>
        %dma_wait3A_608 = tpu.memref_squeeze %dma_wait3A_607 : memref<1x1x128x32xf32, #tpu.memory_space<vmem>> -> memref<128x32xf32, #tpu.memory_space<vmem>>
        %dma_wait3A_609 = arith.constant 0 : i32
        %dma_wait3A_610 = tpu.memref_slice %arg8[%add3A_603, %dma_wait3A_609] : memref<160x128xi32, #tpu.memory_space<vmem>> -> memref<1x128xi32, #tpu.memory_space<vmem>>
        %dma_wait3A_611 = tpu.memref_squeeze %dma_wait3A_610 : memref<1x128xi32, #tpu.memory_space<vmem>> -> memref<128xi32, #tpu.memory_space<vmem>>
        %dma_wait3A_612 = arith.constant 0 : i32
        %dma_wait3A_613 = arith.constant 0 : i32
        %dma_wait3A_614 = tpu.memref_slice %arg11[%dma_wait3A_612, %dma_wait3A_613] : memref<10240x32xf32, #tpu.memory_space<vmem_shared>> -> memref<10240x32xf32, #tpu.memory_space<vmem_shared>>
        tpu.wait_indirect_dma semaphore(%arg13 : memref<!tpu.dma_semaphore, #tpu.memory_space<semaphore_mem>>) src(%dma_wait3A_608 : memref<128x32xf32, #tpu.memory_space<vmem>>) dst(%dma_wait3A_614 : memref<10240x32xf32, #tpu.memory_space<vmem_shared>>)
      } else {
      }
      %lt3A_579 = arith.constant 80 : i32
      %lt3A_580 = arith.cmpi slt, %add3A_573, %lt3A_579 : i32
      %convert_element_type3A_581 = arith.extui %lt3A_580 : i1 to i32
      %cond3A_582 = arith.constant 0 : i32
      %cond3A_583 = arith.cmpi ne, %convert_element_type3A_581, %cond3A_582 : i32
      scf.if %cond3A_583 {
        %mul3A_584 = arith.constant 2 : i32
        %mul3A_585 = arith.muli %add3A_573, %mul3A_584 : i32
        %add3A_586 = arith.constant 0 : i32
        %add3A_587 = arith.addi %mul3A_585, %add3A_586 : i32
        %dma_start3A_588 = arith.constant 0 : i32
        %dma_start3A_589 = arith.constant 0 : i32
        %dma_start3A_590 = arith.constant 0 : i32
        %dma_start3A_591 = tpu.memref_slice %arg9[%rem3A_575, %dma_start3A_588, %dma_start3A_589, %dma_start3A_590] : memref<5x2x128x32xf32, #tpu.memory_space<vmem>> -> memref<1x1x128x32xf32, #tpu.memory_space<vmem>>
        %dma_start3A_592 = tpu.memref_squeeze %dma_start3A_591 : memref<1x1x128x32xf32, #tpu.memory_space<vmem>> -> memref<128x32xf32, #tpu.memory_space<vmem>>
        %dma_start3A_593 = arith.constant 0 : i32
        %dma_start3A_594 = tpu.memref_slice %arg7[%add3A_587, %dma_start3A_593] : memref<160x128xi32, #tpu.memory_space<vmem>> -> memref<1x128xi32, #tpu.memory_space<vmem>>
        %dma_start3A_595 = tpu.memref_squeeze %dma_start3A_594 : memref<1x128xi32, #tpu.memory_space<vmem>> -> memref<128xi32, #tpu.memory_space<vmem>>
        %dma_start3A_596 = arith.constant 0 : i32
        %dma_start3A_597 = arith.constant 0 : i32
        %dma_start3A_598 = tpu.memref_slice %arg10[%dma_start3A_596, %dma_start3A_597] : memref<10240x32xf32, #tpu.memory_space<vmem_shared>> -> memref<10240x32xf32, #tpu.memory_space<vmem_shared>>
        tpu.enqueue_indirect_dma source(%dma_start3A_598 : memref<10240x32xf32, #tpu.memory_space<vmem_shared>>) target(%dma_start3A_592 : memref<128x32xf32, #tpu.memory_space<vmem>>) offsets(%dma_start3A_595 : memref<128xi32, #tpu.memory_space<vmem>>) semaphore(%arg12 : memref<!tpu.dma_semaphore, #tpu.memory_space<semaphore_mem>>)
        %mul3A_599 = arith.constant 2 : i32
        %mul3A_600 = arith.muli %add3A_573, %mul3A_599 : i32
        %add3A_601 = arith.constant 1 : i32
        %add3A_602 = arith.addi %mul3A_600, %add3A_601 : i32
        %dma_start3A_603 = arith.constant 1 : i32
        %dma_start3A_604 = arith.constant 0 : i32
        %dma_start3A_605 = arith.constant 0 : i32
        %dma_start3A_606 = tpu.memref_slice %arg9[%rem3A_575, %dma_start3A_603, %dma_start3A_604, %dma_start3A_605] : memref<5x2x128x32xf32, #tpu.memory_space<vmem>> -> memref<1x1x128x32xf32, #tpu.memory_space<vmem>>
        %dma_start3A_607 = tpu.memref_squeeze %dma_start3A_606 : memref<1x1x128x32xf32, #tpu.memory_space<vmem>> -> memref<128x32xf32, #tpu.memory_space<vmem>>
        %dma_start3A_608 = arith.constant 0 : i32
        %dma_start3A_609 = tpu.memref_slice %arg7[%add3A_602, %dma_start3A_608] : memref<160x128xi32, #tpu.memory_space<vmem>> -> memref<1x128xi32, #tpu.memory_space<vmem>>
        %dma_start3A_610 = tpu.memref_squeeze %dma_start3A_609 : memref<1x128xi32, #tpu.memory_space<vmem>> -> memref<128xi32, #tpu.memory_space<vmem>>
        %dma_start3A_611 = arith.constant 0 : i32
        %dma_start3A_612 = arith.constant 0 : i32
        %dma_start3A_613 = tpu.memref_slice %arg10[%dma_start3A_611, %dma_start3A_612] : memref<10240x32xf32, #tpu.memory_space<vmem_shared>> -> memref<10240x32xf32, #tpu.memory_space<vmem_shared>>
        tpu.enqueue_indirect_dma source(%dma_start3A_613 : memref<10240x32xf32, #tpu.memory_space<vmem_shared>>) target(%dma_start3A_607 : memref<128x32xf32, #tpu.memory_space<vmem>>) offsets(%dma_start3A_610 : memref<128xi32, #tpu.memory_space<vmem>>) semaphore(%arg12 : memref<!tpu.dma_semaphore, #tpu.memory_space<semaphore_mem>>)
      } else {
      }
    }
    %scan3A_374 = arith.constant 80 : i32
    %dma_wait3A_375 = arith.constant 0 : i32
    %dma_wait3A_376 = arith.constant 0 : i32
    %dma_wait3A_377 = arith.constant 150 : i32
    %dma_wait3A_378 = arith.constant 0 : i32
    %dma_wait3A_379 = arith.constant 0 : i32
    %dma_wait3A_380 = tpu.memref_slice %arg9[%dma_wait3A_375, %dma_wait3A_376, %dma_wait3A_378, %dma_wait3A_379] : memref<5x2x128x32xf32, #tpu.memory_space<vmem>> -> memref<1x1x128x32xf32, #tpu.memory_space<vmem>>
    %dma_wait3A_381 = tpu.memref_squeeze %dma_wait3A_380 : memref<1x1x128x32xf32, #tpu.memory_space<vmem>> -> memref<128x32xf32, #tpu.memory_space<vmem>>
    %dma_wait3A_382 = arith.constant 0 : i32
    %dma_wait3A_383 = tpu.memref_slice %arg8[%dma_wait3A_377, %dma_wait3A_382] : memref<160x128xi32, #tpu.memory_space<vmem>> -> memref<1x128xi32, #tpu.memory_space<vmem>>
    %dma_wait3A_384 = tpu.memref_squeeze %dma_wait3A_383 : memref<1x128xi32, #tpu.memory_space<vmem>> -> memref<128xi32, #tpu.memory_space<vmem>>
    %dma_wait3A_385 = arith.constant 0 : i32
    %dma_wait3A_386 = arith.constant 0 : i32
    %dma_wait3A_387 = tpu.memref_slice %arg11[%dma_wait3A_385, %dma_wait3A_386] : memref<10240x32xf32, #tpu.memory_space<vmem_shared>> -> memref<10240x32xf32, #tpu.memory_space<vmem_shared>>
    tpu.wait_indirect_dma semaphore(%arg13 : memref<!tpu.dma_semaphore, #tpu.memory_space<semaphore_mem>>) src(%dma_wait3A_381 : memref<128x32xf32, #tpu.memory_space<vmem>>) dst(%dma_wait3A_387 : memref<10240x32xf32, #tpu.memory_space<vmem_shared>>)
    %dma_wait3A_388 = arith.constant 0 : i32
    %dma_wait3A_389 = arith.constant 1 : i32
    %dma_wait3A_390 = arith.constant 151 : i32
    %dma_wait3A_391 = arith.constant 0 : i32
    %dma_wait3A_392 = arith.constant 0 : i32
    %dma_wait3A_393 = tpu.memref_slice %arg9[%dma_wait3A_388, %dma_wait3A_389, %dma_wait3A_391, %dma_wait3A_392] : memref<5x2x128x32xf32, #tpu.memory_space<vmem>> -> memref<1x1x128x32xf32, #tpu.memory_space<vmem>>
    %dma_wait3A_394 = tpu.memref_squeeze %dma_wait3A_393 : memref<1x1x128x32xf32, #tpu.memory_space<vmem>> -> memref<128x32xf32, #tpu.memory_space<vmem>>
    %dma_wait3A_395 = arith.constant 0 : i32
    %dma_wait3A_396 = tpu.memref_slice %arg8[%dma_wait3A_390, %dma_wait3A_395] : memref<160x128xi32, #tpu.memory_space<vmem>> -> memref<1x128xi32, #tpu.memory_space<vmem>>
    %dma_wait3A_397 = tpu.memref_squeeze %dma_wait3A_396 : memref<1x128xi32, #tpu.memory_space<vmem>> -> memref<128xi32, #tpu.memory_space<vmem>>
    %dma_wait3A_398 = arith.constant 0 : i32
    %dma_wait3A_399 = arith.constant 0 : i32
    %dma_wait3A_400 = tpu.memref_slice %arg11[%dma_wait3A_398, %dma_wait3A_399] : memref<10240x32xf32, #tpu.memory_space<vmem_shared>> -> memref<10240x32xf32, #tpu.memory_space<vmem_shared>>
    tpu.wait_indirect_dma semaphore(%arg13 : memref<!tpu.dma_semaphore, #tpu.memory_space<semaphore_mem>>) src(%dma_wait3A_394 : memref<128x32xf32, #tpu.memory_space<vmem>>) dst(%dma_wait3A_400 : memref<10240x32xf32, #tpu.memory_space<vmem_shared>>)
    %dma_wait3A_401 = arith.constant 1 : i32
    %dma_wait3A_402 = arith.constant 0 : i32
    %dma_wait3A_403 = arith.constant 152 : i32
    %dma_wait3A_404 = arith.constant 0 : i32
    %dma_wait3A_405 = arith.constant 0 : i32
    %dma_wait3A_406 = tpu.memref_slice %arg9[%dma_wait3A_401, %dma_wait3A_402, %dma_wait3A_404, %dma_wait3A_405] : memref<5x2x128x32xf32, #tpu.memory_space<vmem>> -> memref<1x1x128x32xf32, #tpu.memory_space<vmem>>
    %dma_wait3A_407 = tpu.memref_squeeze %dma_wait3A_406 : memref<1x1x128x32xf32, #tpu.memory_space<vmem>> -> memref<128x32xf32, #tpu.memory_space<vmem>>
    %dma_wait3A_408 = arith.constant 0 : i32
    %dma_wait3A_409 = tpu.memref_slice %arg8[%dma_wait3A_403, %dma_wait3A_408] : memref<160x128xi32, #tpu.memory_space<vmem>> -> memref<1x128xi32, #tpu.memory_space<vmem>>
    %dma_wait3A_410 = tpu.memref_squeeze %dma_wait3A_409 : memref<1x128xi32, #tpu.memory_space<vmem>> -> memref<128xi32, #tpu.memory_space<vmem>>
    %dma_wait3A_411 = arith.constant 0 : i32
    %dma_wait3A_412 = arith.constant 0 : i32
    %dma_wait3A_413 = tpu.memref_slice %arg11[%dma_wait3A_411, %dma_wait3A_412] : memref<10240x32xf32, #tpu.memory_space<vmem_shared>> -> memref<10240x32xf32, #tpu.memory_space<vmem_shared>>
    tpu.wait_indirect_dma semaphore(%arg13 : memref<!tpu.dma_semaphore, #tpu.memory_space<semaphore_mem>>) src(%dma_wait3A_407 : memref<128x32xf32, #tpu.memory_space<vmem>>) dst(%dma_wait3A_413 : memref<10240x32xf32, #tpu.memory_space<vmem_shared>>)
    %dma_wait3A_414 = arith.constant 1 : i32
    %dma_wait3A_415 = arith.constant 1 : i32
    %dma_wait3A_416 = arith.constant 153 : i32
    %dma_wait3A_417 = arith.constant 0 : i32
    %dma_wait3A_418 = arith.constant 0 : i32
    %dma_wait3A_419 = tpu.memref_slice %arg9[%dma_wait3A_414, %dma_wait3A_415, %dma_wait3A_417, %dma_wait3A_418] : memref<5x2x128x32xf32, #tpu.memory_space<vmem>> -> memref<1x1x128x32xf32, #tpu.memory_space<vmem>>
    %dma_wait3A_420 = tpu.memref_squeeze %dma_wait3A_419 : memref<1x1x128x32xf32, #tpu.memory_space<vmem>> -> memref<128x32xf32, #tpu.memory_space<vmem>>
    %dma_wait3A_421 = arith.constant 0 : i32
    %dma_wait3A_422 = tpu.memref_slice %arg8[%dma_wait3A_416, %dma_wait3A_421] : memref<160x128xi32, #tpu.memory_space<vmem>> -> memref<1x128xi32, #tpu.memory_space<vmem>>
    %dma_wait3A_423 = tpu.memref_squeeze %dma_wait3A_422 : memref<1x128xi32, #tpu.memory_space<vmem>> -> memref<128xi32, #tpu.memory_space<vmem>>
    %dma_wait3A_424 = arith.constant 0 : i32
    %dma_wait3A_425 = arith.constant 0 : i32
    %dma_wait3A_426 = tpu.memref_slice %arg11[%dma_wait3A_424, %dma_wait3A_425] : memref<10240x32xf32, #tpu.memory_space<vmem_shared>> -> memref<10240x32xf32, #tpu.memory_space<vmem_shared>>
    tpu.wait_indirect_dma semaphore(%arg13 : memref<!tpu.dma_semaphore, #tpu.memory_space<semaphore_mem>>) src(%dma_wait3A_420 : memref<128x32xf32, #tpu.memory_space<vmem>>) dst(%dma_wait3A_426 : memref<10240x32xf32, #tpu.memory_space<vmem_shared>>)
    %dma_wait3A_427 = arith.constant 2 : i32
    %dma_wait3A_428 = arith.constant 0 : i32
    %dma_wait3A_429 = arith.constant 154 : i32
    %dma_wait3A_430 = arith.constant 0 : i32
    %dma_wait3A_431 = arith.constant 0 : i32
    %dma_wait3A_432 = tpu.memref_slice %arg9[%dma_wait3A_427, %dma_wait3A_428, %dma_wait3A_430, %dma_wait3A_431] : memref<5x2x128x32xf32, #tpu.memory_space<vmem>> -> memref<1x1x128x32xf32, #tpu.memory_space<vmem>>
    %dma_wait3A_433 = tpu.memref_squeeze %dma_wait3A_432 : memref<1x1x128x32xf32, #tpu.memory_space<vmem>> -> memref<128x32xf32, #tpu.memory_space<vmem>>
    %dma_wait3A_434 = arith.constant 0 : i32
    %dma_wait3A_435 = tpu.memref_slice %arg8[%dma_wait3A_429, %dma_wait3A_434] : memref<160x128xi32, #tpu.memory_space<vmem>> -> memref<1x128xi32, #tpu.memory_space<vmem>>
    %dma_wait3A_436 = tpu.memref_squeeze %dma_wait3A_435 : memref<1x128xi32, #tpu.memory_space<vmem>> -> memref<128xi32, #tpu.memory_space<vmem>>
    %dma_wait3A_437 = arith.constant 0 : i32
    %dma_wait3A_438 = arith.constant 0 : i32
    %dma_wait3A_439 = tpu.memref_slice %arg11[%dma_wait3A_437, %dma_wait3A_438] : memref<10240x32xf32, #tpu.memory_space<vmem_shared>> -> memref<10240x32xf32, #tpu.memory_space<vmem_shared>>
    tpu.wait_indirect_dma semaphore(%arg13 : memref<!tpu.dma_semaphore, #tpu.memory_space<semaphore_mem>>) src(%dma_wait3A_433 : memref<128x32xf32, #tpu.memory_space<vmem>>) dst(%dma_wait3A_439 : memref<10240x32xf32, #tpu.memory_space<vmem_shared>>)
    %dma_wait3A_440 = arith.constant 2 : i32
    %dma_wait3A_441 = arith.constant 1 : i32
    %dma_wait3A_442 = arith.constant 155 : i32
    %dma_wait3A_443 = arith.constant 0 : i32
    %dma_wait3A_444 = arith.constant 0 : i32
    %dma_wait3A_445 = tpu.memref_slice %arg9[%dma_wait3A_440, %dma_wait3A_441, %dma_wait3A_443, %dma_wait3A_444] : memref<5x2x128x32xf32, #tpu.memory_space<vmem>> -> memref<1x1x128x32xf32, #tpu.memory_space<vmem>>
    %dma_wait3A_446 = tpu.memref_squeeze %dma_wait3A_445 : memref<1x1x128x32xf32, #tpu.memory_space<vmem>> -> memref<128x32xf32, #tpu.memory_space<vmem>>
    %dma_wait3A_447 = arith.constant 0 : i32
    %dma_wait3A_448 = tpu.memref_slice %arg8[%dma_wait3A_442, %dma_wait3A_447] : memref<160x128xi32, #tpu.memory_space<vmem>> -> memref<1x128xi32, #tpu.memory_space<vmem>>
    %dma_wait3A_449 = tpu.memref_squeeze %dma_wait3A_448 : memref<1x128xi32, #tpu.memory_space<vmem>> -> memref<128xi32, #tpu.memory_space<vmem>>
    %dma_wait3A_450 = arith.constant 0 : i32
    %dma_wait3A_451 = arith.constant 0 : i32
    %dma_wait3A_452 = tpu.memref_slice %arg11[%dma_wait3A_450, %dma_wait3A_451] : memref<10240x32xf32, #tpu.memory_space<vmem_shared>> -> memref<10240x32xf32, #tpu.memory_space<vmem_shared>>
    tpu.wait_indirect_dma semaphore(%arg13 : memref<!tpu.dma_semaphore, #tpu.memory_space<semaphore_mem>>) src(%dma_wait3A_446 : memref<128x32xf32, #tpu.memory_space<vmem>>) dst(%dma_wait3A_452 : memref<10240x32xf32, #tpu.memory_space<vmem_shared>>)
    %dma_wait3A_453 = arith.constant 3 : i32
    %dma_wait3A_454 = arith.constant 0 : i32
    %dma_wait3A_455 = arith.constant 156 : i32
    %dma_wait3A_456 = arith.constant 0 : i32
    %dma_wait3A_457 = arith.constant 0 : i32
    %dma_wait3A_458 = tpu.memref_slice %arg9[%dma_wait3A_453, %dma_wait3A_454, %dma_wait3A_456, %dma_wait3A_457] : memref<5x2x128x32xf32, #tpu.memory_space<vmem>> -> memref<1x1x128x32xf32, #tpu.memory_space<vmem>>
    %dma_wait3A_459 = tpu.memref_squeeze %dma_wait3A_458 : memref<1x1x128x32xf32, #tpu.memory_space<vmem>> -> memref<128x32xf32, #tpu.memory_space<vmem>>
    %dma_wait3A_460 = arith.constant 0 : i32
    %dma_wait3A_461 = tpu.memref_slice %arg8[%dma_wait3A_455, %dma_wait3A_460] : memref<160x128xi32, #tpu.memory_space<vmem>> -> memref<1x128xi32, #tpu.memory_space<vmem>>
    %dma_wait3A_462 = tpu.memref_squeeze %dma_wait3A_461 : memref<1x128xi32, #tpu.memory_space<vmem>> -> memref<128xi32, #tpu.memory_space<vmem>>
    %dma_wait3A_463 = arith.constant 0 : i32
    %dma_wait3A_464 = arith.constant 0 : i32
    %dma_wait3A_465 = tpu.memref_slice %arg11[%dma_wait3A_463, %dma_wait3A_464] : memref<10240x32xf32, #tpu.memory_space<vmem_shared>> -> memref<10240x32xf32, #tpu.memory_space<vmem_shared>>
    tpu.wait_indirect_dma semaphore(%arg13 : memref<!tpu.dma_semaphore, #tpu.memory_space<semaphore_mem>>) src(%dma_wait3A_459 : memref<128x32xf32, #tpu.memory_space<vmem>>) dst(%dma_wait3A_465 : memref<10240x32xf32, #tpu.memory_space<vmem_shared>>)
    %dma_wait3A_466 = arith.constant 3 : i32
    %dma_wait3A_467 = arith.constant 1 : i32
    %dma_wait3A_468 = arith.constant 157 : i32
    %dma_wait3A_469 = arith.constant 0 : i32
    %dma_wait3A_470 = arith.constant 0 : i32
    %dma_wait3A_471 = tpu.memref_slice %arg9[%dma_wait3A_466, %dma_wait3A_467, %dma_wait3A_469, %dma_wait3A_470] : memref<5x2x128x32xf32, #tpu.memory_space<vmem>> -> memref<1x1x128x32xf32, #tpu.memory_space<vmem>>
    %dma_wait3A_472 = tpu.memref_squeeze %dma_wait3A_471 : memref<1x1x128x32xf32, #tpu.memory_space<vmem>> -> memref<128x32xf32, #tpu.memory_space<vmem>>
    %dma_wait3A_473 = arith.constant 0 : i32
    %dma_wait3A_474 = tpu.memref_slice %arg8[%dma_wait3A_468, %dma_wait3A_473] : memref<160x128xi32, #tpu.memory_space<vmem>> -> memref<1x128xi32, #tpu.memory_space<vmem>>
    %dma_wait3A_475 = tpu.memref_squeeze %dma_wait3A_474 : memref<1x128xi32, #tpu.memory_space<vmem>> -> memref<128xi32, #tpu.memory_space<vmem>>
    %dma_wait3A_476 = arith.constant 0 : i32
    %dma_wait3A_477 = arith.constant 0 : i32
    %dma_wait3A_478 = tpu.memref_slice %arg11[%dma_wait3A_476, %dma_wait3A_477] : memref<10240x32xf32, #tpu.memory_space<vmem_shared>> -> memref<10240x32xf32, #tpu.memory_space<vmem_shared>>
    tpu.wait_indirect_dma semaphore(%arg13 : memref<!tpu.dma_semaphore, #tpu.memory_space<semaphore_mem>>) src(%dma_wait3A_472 : memref<128x32xf32, #tpu.memory_space<vmem>>) dst(%dma_wait3A_478 : memref<10240x32xf32, #tpu.memory_space<vmem_shared>>)
    %dma_wait3A_479 = arith.constant 4 : i32
    %dma_wait3A_480 = arith.constant 0 : i32
    %dma_wait3A_481 = arith.constant 158 : i32
    %dma_wait3A_482 = arith.constant 0 : i32
    %dma_wait3A_483 = arith.constant 0 : i32
    %dma_wait3A_484 = tpu.memref_slice %arg9[%dma_wait3A_479, %dma_wait3A_480, %dma_wait3A_482, %dma_wait3A_483] : memref<5x2x128x32xf32, #tpu.memory_space<vmem>> -> memref<1x1x128x32xf32, #tpu.memory_space<vmem>>
    %dma_wait3A_485 = tpu.memref_squeeze %dma_wait3A_484 : memref<1x1x128x32xf32, #tpu.memory_space<vmem>> -> memref<128x32xf32, #tpu.memory_space<vmem>>
    %dma_wait3A_486 = arith.constant 0 : i32
    %dma_wait3A_487 = tpu.memref_slice %arg8[%dma_wait3A_481, %dma_wait3A_486] : memref<160x128xi32, #tpu.memory_space<vmem>> -> memref<1x128xi32, #tpu.memory_space<vmem>>
    %dma_wait3A_488 = tpu.memref_squeeze %dma_wait3A_487 : memref<1x128xi32, #tpu.memory_space<vmem>> -> memref<128xi32, #tpu.memory_space<vmem>>
    %dma_wait3A_489 = arith.constant 0 : i32
    %dma_wait3A_490 = arith.constant 0 : i32
    %dma_wait3A_491 = tpu.memref_slice %arg11[%dma_wait3A_489, %dma_wait3A_490] : memref<10240x32xf32, #tpu.memory_space<vmem_shared>> -> memref<10240x32xf32, #tpu.memory_space<vmem_shared>>
    tpu.wait_indirect_dma semaphore(%arg13 : memref<!tpu.dma_semaphore, #tpu.memory_space<semaphore_mem>>) src(%dma_wait3A_485 : memref<128x32xf32, #tpu.memory_space<vmem>>) dst(%dma_wait3A_491 : memref<10240x32xf32, #tpu.memory_space<vmem_shared>>)
    %dma_wait3A_492 = arith.constant 4 : i32
    %dma_wait3A_493 = arith.constant 1 : i32
    %dma_wait3A_494 = arith.constant 159 : i32
    %dma_wait3A_495 = arith.constant 0 : i32
    %dma_wait3A_496 = arith.constant 0 : i32
    %dma_wait3A_497 = tpu.memref_slice %arg9[%dma_wait3A_492, %dma_wait3A_493, %dma_wait3A_495, %dma_wait3A_496] : memref<5x2x128x32xf32, #tpu.memory_space<vmem>> -> memref<1x1x128x32xf32, #tpu.memory_space<vmem>>
    %dma_wait3A_498 = tpu.memref_squeeze %dma_wait3A_497 : memref<1x1x128x32xf32, #tpu.memory_space<vmem>> -> memref<128x32xf32, #tpu.memory_space<vmem>>
    %dma_wait3A_499 = arith.constant 0 : i32
    %dma_wait3A_500 = tpu.memref_slice %arg8[%dma_wait3A_494, %dma_wait3A_499] : memref<160x128xi32, #tpu.memory_space<vmem>> -> memref<1x128xi32, #tpu.memory_space<vmem>>
    %dma_wait3A_501 = tpu.memref_squeeze %dma_wait3A_500 : memref<1x128xi32, #tpu.memory_space<vmem>> -> memref<128xi32, #tpu.memory_space<vmem>>
    %dma_wait3A_502 = arith.constant 0 : i32
    %dma_wait3A_503 = arith.constant 0 : i32
    %dma_wait3A_504 = tpu.memref_slice %arg11[%dma_wait3A_502, %dma_wait3A_503] : memref<10240x32xf32, #tpu.memory_space<vmem_shared>> -> memref<10240x32xf32, #tpu.memory_space<vmem_shared>>
    tpu.wait_indirect_dma semaphore(%arg13 : memref<!tpu.dma_semaphore, #tpu.memory_space<semaphore_mem>>) src(%dma_wait3A_498 : memref<128x32xf32, #tpu.memory_space<vmem>>) dst(%dma_wait3A_504 : memref<10240x32xf32, #tpu.memory_space<vmem_shared>>)
    %barrier3A_505 = arith.constant 0 : index
    tpu.barrier barrier_id(%barrier3A_505)
    %mul3A_506 = arith.constant 640 : i32
    %mul3A_507 = arith.muli %arg1, %mul3A_506 : i32
    %mul3A_508 = arith.constant 640 : i32
    %mul3A_509 = arith.muli %arg1, %mul3A_508 : i32
    "tpu.region"() ({
      %run_scoped3A = tpu.sem_alloc : memref<!tpu.dma_semaphore, #tpu.memory_space<semaphore_mem>>
      %dma_start3A_510 = arith.constant 0 : i32
      %dma_start3A_511 = tpu.memref_slice %arg6[%add3A_255, %mul3A_509, %dma_start3A_510] : memref<4x10240x32xf32, #tpu.memory_space<hbm>> -> memref<1x640x32xf32, #tpu.memory_space<hbm>>
      %dma_start3A_512 = tpu.memref_squeeze %dma_start3A_511 : memref<1x640x32xf32, #tpu.memory_space<hbm>> -> memref<640x32xf32, #tpu.memory_space<hbm>>
      %dma_start3A_513 = arith.constant 0 : i32
      %dma_start3A_514 = tpu.memref_slice %arg11[%mul3A_507, %dma_start3A_513] : memref<10240x32xf32, #tpu.memory_space<vmem_shared>> -> memref<640x32xf32, #tpu.memory_space<vmem_shared>>
      tpu.enqueue_dma source(%dma_start3A_514 : memref<640x32xf32, #tpu.memory_space<vmem_shared>>) target(%dma_start3A_512 : memref<640x32xf32, #tpu.memory_space<hbm>>) target_semaphore(%run_scoped3A : memref<!tpu.dma_semaphore, #tpu.memory_space<semaphore_mem>>)
      %dma_wait3A_515 = arith.constant 0 : i32
      %dma_wait3A_516 = tpu.memref_slice %arg6[%add3A_255, %mul3A_509, %dma_wait3A_515] : memref<4x10240x32xf32, #tpu.memory_space<hbm>> -> memref<1x640x32xf32, #tpu.memory_space<hbm>>
      %dma_wait3A_517 = tpu.memref_squeeze %dma_wait3A_516 : memref<1x640x32xf32, #tpu.memory_space<hbm>> -> memref<640x32xf32, #tpu.memory_space<hbm>>
      %dma_wait3A_518 = arith.constant 0 : i32
      %dma_wait3A_519 = tpu.memref_slice %arg11[%mul3A_507, %dma_wait3A_518] : memref<10240x32xf32, #tpu.memory_space<vmem_shared>> -> memref<640x32xf32, #tpu.memory_space<vmem_shared>>
      tpu.wait_dma2 semaphore(%run_scoped3A : memref<!tpu.dma_semaphore, #tpu.memory_space<semaphore_mem>>) src(%dma_wait3A_519 : memref<640x32xf32, #tpu.memory_space<vmem_shared>>) dst(%dma_wait3A_517 : memref<640x32xf32, #tpu.memory_space<hbm>>)
      tpu.yield
    }) : () -> ()
    return
  }
}

#map = affine_map<(d0, d1) -> (0, 0)>
#map1 = affine_map<(d0, d1) -> (0, 0, 0)>
module attributes {stable_mosaic.version = 14 : i64} {
  func.func @k(%arg0: i32, %arg1: i32, %arg2: memref<2560x128xi32, #tpu.memory_space<hbm>>, %arg3: memref<10240x16xf32, #tpu.memory_space<hbm>>, %arg4: memref<128x16xf32, #tpu.memory_space<hbm>>, %arg5: memref<2x10240x16xf32, #tpu.memory_space<hbm>>, %arg6: memref<80x128xi32, #tpu.memory_space<vmem>>, %arg7: memref<128x16xf32, #tpu.memory_space<vmem>>, %arg8: memref<10240x16xf32, #tpu.memory_space<vmem_shared>>, %arg9: memref<!tpu.dma_semaphore, #tpu.memory_space<semaphore_mem>>) attributes {dimension_semantics = [#tpu.dimension_semantics<core_parallel>, #tpu.dimension_semantics<subcore_parallel>], iteration_bounds = array<i64: 2, 16>, scalar_prefetch = 0 : i64, scratch_operands = 4 : i64, tpu.core_type = #tpu.core_type<sc_vector_subcore>, window_params = [{transform_indices = #map}, {transform_indices = #map}, {transform_indices = #map}, {transform_indices = #map1}]} {
    %mul3A = arith.constant 16 : i32
    %mul3A_0 = arith.muli %arg0, %mul3A : i32
    %add3A = arith.addi %mul3A_0, %arg1 : i32
    %mul3A_1 = arith.constant 80 : i32
    %mul3A_2 = arith.muli %add3A, %mul3A_1 : i32
    %mul3A_3 = arith.constant 640 : i32
    %mul3A_4 = arith.muli %arg1, %mul3A_3 : i32
    %mul3A_5 = arith.constant 640 : i32
    %mul3A_6 = arith.muli %arg1, %mul3A_5 : i32
    "tpu.region"() ({
      %run_scoped3A = tpu.sem_alloc : memref<!tpu.dma_semaphore, #tpu.memory_space<semaphore_mem>>
      %dma_start3A = arith.constant 0 : i32
      %dma_start3A_17 = tpu.memref_slice %arg8[%mul3A_6, %dma_start3A] : memref<10240x16xf32, #tpu.memory_space<vmem_shared>> -> memref<640x16xf32, #tpu.memory_space<vmem_shared>>
      %dma_start3A_18 = arith.constant 0 : i32
      %dma_start3A_19 = tpu.memref_slice %arg3[%mul3A_4, %dma_start3A_18] : memref<10240x16xf32, #tpu.memory_space<hbm>> -> memref<640x16xf32, #tpu.memory_space<hbm>>
      tpu.enqueue_dma source(%dma_start3A_19 : memref<640x16xf32, #tpu.memory_space<hbm>>) target(%dma_start3A_17 : memref<640x16xf32, #tpu.memory_space<vmem_shared>>) target_semaphore(%run_scoped3A : memref<!tpu.dma_semaphore, #tpu.memory_space<semaphore_mem>>)
      %dma_wait3A = arith.constant 0 : i32
      %dma_wait3A_20 = tpu.memref_slice %arg8[%mul3A_6, %dma_wait3A] : memref<10240x16xf32, #tpu.memory_space<vmem_shared>> -> memref<640x16xf32, #tpu.memory_space<vmem_shared>>
      %dma_wait3A_21 = arith.constant 0 : i32
      %dma_wait3A_22 = tpu.memref_slice %arg3[%mul3A_4, %dma_wait3A_21] : memref<10240x16xf32, #tpu.memory_space<hbm>> -> memref<640x16xf32, #tpu.memory_space<hbm>>
      tpu.wait_dma2 semaphore(%run_scoped3A : memref<!tpu.dma_semaphore, #tpu.memory_space<semaphore_mem>>) src(%dma_wait3A_22 : memref<640x16xf32, #tpu.memory_space<hbm>>) dst(%dma_wait3A_20 : memref<640x16xf32, #tpu.memory_space<vmem_shared>>)
      tpu.yield
    }) : () -> ()
    "tpu.region"() ({
      %run_scoped3A = tpu.sem_alloc : memref<!tpu.dma_semaphore, #tpu.memory_space<semaphore_mem>>
      %dma_start3A = arith.constant 0 : i32
      %dma_start3A_17 = tpu.memref_slice %arg2[%mul3A_2, %dma_start3A] : memref<2560x128xi32, #tpu.memory_space<hbm>> -> memref<80x128xi32, #tpu.memory_space<hbm>>
      %dma_start3A_18 = arith.constant 0 : i32
      %dma_start3A_19 = tpu.memref_slice %arg2[%mul3A_2, %dma_start3A_18] : memref<2560x128xi32, #tpu.memory_space<hbm>> -> memref<80x128xi32, #tpu.memory_space<hbm>>
      tpu.enqueue_dma source(%dma_start3A_19 : memref<80x128xi32, #tpu.memory_space<hbm>>) target(%arg6 : memref<80x128xi32, #tpu.memory_space<vmem>>) target_semaphore(%run_scoped3A : memref<!tpu.dma_semaphore, #tpu.memory_space<semaphore_mem>>)
      %dma_wait3A = arith.constant 0 : i32
      %dma_wait3A_20 = tpu.memref_slice %arg2[%mul3A_2, %dma_wait3A] : memref<2560x128xi32, #tpu.memory_space<hbm>> -> memref<80x128xi32, #tpu.memory_space<hbm>>
      %dma_wait3A_21 = arith.constant 0 : i32
      %dma_wait3A_22 = tpu.memref_slice %arg2[%mul3A_2, %dma_wait3A_21] : memref<2560x128xi32, #tpu.memory_space<hbm>> -> memref<80x128xi32, #tpu.memory_space<hbm>>
      tpu.wait_dma2 semaphore(%run_scoped3A : memref<!tpu.dma_semaphore, #tpu.memory_space<semaphore_mem>>) src(%dma_wait3A_22 : memref<80x128xi32, #tpu.memory_space<hbm>>) dst(%arg6 : memref<80x128xi32, #tpu.memory_space<vmem>>)
      tpu.yield
    }) : () -> ()
    "tpu.region"() ({
      %run_scoped3A = tpu.sem_alloc : memref<!tpu.dma_semaphore, #tpu.memory_space<semaphore_mem>>
      tpu.enqueue_dma source(%arg4 : memref<128x16xf32, #tpu.memory_space<hbm>>) target(%arg7 : memref<128x16xf32, #tpu.memory_space<vmem>>) target_semaphore(%run_scoped3A : memref<!tpu.dma_semaphore, #tpu.memory_space<semaphore_mem>>)
      tpu.wait_dma2 semaphore(%run_scoped3A : memref<!tpu.dma_semaphore, #tpu.memory_space<semaphore_mem>>) src(%arg4 : memref<128x16xf32, #tpu.memory_space<hbm>>) dst(%arg7 : memref<128x16xf32, #tpu.memory_space<vmem>>)
      tpu.yield
    }) : () -> ()
    %barrier3A = arith.constant 0 : index
    tpu.barrier barrier_id(%barrier3A)
    %scan3A = arith.constant 0 : i32
    %scan3A_7 = arith.constant 0 : i32
    %scan3A_8 = arith.constant 10 : i32
    %scan3A_9 = arith.addi %scan3A_7, %scan3A_8 : i32
    %scan3A_10 = arith.constant 1 : i32
    scf.for %scan3A_17 = %scan3A_7 to %scan3A_9 step %scan3A_10  : i32 {
      %mul3A_18 = arith.constant 8 : i32
      %mul3A_19 = arith.muli %scan3A_17, %mul3A_18 : i32
      %add3A_20 = arith.constant 0 : i32
      %add3A_21 = arith.addi %mul3A_19, %add3A_20 : i32
      %dma_start3A = arith.constant 0 : i32
      %dma_start3A_22 = tpu.memref_slice %arg6[%add3A_21, %dma_start3A] : memref<80x128xi32, #tpu.memory_space<vmem>> -> memref<1x128xi32, #tpu.memory_space<vmem>>
      %dma_start3A_23 = tpu.memref_squeeze %dma_start3A_22 : memref<1x128xi32, #tpu.memory_space<vmem>> -> memref<128xi32, #tpu.memory_space<vmem>>
      %dma_start3A_24 = arith.constant 0 : i32
      %dma_start3A_25 = arith.constant 0 : i32
      %dma_start3A_26 = tpu.memref_slice %arg8[%dma_start3A_24, %dma_start3A_25] : memref<10240x16xf32, #tpu.memory_space<vmem_shared>> -> memref<10240x16xf32, #tpu.memory_space<vmem_shared>>
      tpu.enqueue_indirect_dma source(%arg7 : memref<128x16xf32, #tpu.memory_space<vmem>>) target(%dma_start3A_26 : memref<10240x16xf32, #tpu.memory_space<vmem_shared>>) offsets(%dma_start3A_23 : memref<128xi32, #tpu.memory_space<vmem>>) semaphore(%arg9 : memref<!tpu.dma_semaphore, #tpu.memory_space<semaphore_mem>>) {add = true}
      %mul3A_27 = arith.constant 8 : i32
      %mul3A_28 = arith.muli %scan3A_17, %mul3A_27 : i32
      %add3A_29 = arith.constant 1 : i32
      %add3A_30 = arith.addi %mul3A_28, %add3A_29 : i32
      %dma_start3A_31 = arith.constant 0 : i32
      %dma_start3A_32 = tpu.memref_slice %arg6[%add3A_30, %dma_start3A_31] : memref<80x128xi32, #tpu.memory_space<vmem>> -> memref<1x128xi32, #tpu.memory_space<vmem>>
      %dma_start3A_33 = tpu.memref_squeeze %dma_start3A_32 : memref<1x128xi32, #tpu.memory_space<vmem>> -> memref<128xi32, #tpu.memory_space<vmem>>
      %dma_start3A_34 = arith.constant 0 : i32
      %dma_start3A_35 = arith.constant 0 : i32
      %dma_start3A_36 = tpu.memref_slice %arg8[%dma_start3A_34, %dma_start3A_35] : memref<10240x16xf32, #tpu.memory_space<vmem_shared>> -> memref<10240x16xf32, #tpu.memory_space<vmem_shared>>
      tpu.enqueue_indirect_dma source(%arg7 : memref<128x16xf32, #tpu.memory_space<vmem>>) target(%dma_start3A_36 : memref<10240x16xf32, #tpu.memory_space<vmem_shared>>) offsets(%dma_start3A_33 : memref<128xi32, #tpu.memory_space<vmem>>) semaphore(%arg9 : memref<!tpu.dma_semaphore, #tpu.memory_space<semaphore_mem>>) {add = true}
      %mul3A_37 = arith.constant 8 : i32
      %mul3A_38 = arith.muli %scan3A_17, %mul3A_37 : i32
      %add3A_39 = arith.constant 2 : i32
      %add3A_40 = arith.addi %mul3A_38, %add3A_39 : i32
      %dma_start3A_41 = arith.constant 0 : i32
      %dma_start3A_42 = tpu.memref_slice %arg6[%add3A_40, %dma_start3A_41] : memref<80x128xi32, #tpu.memory_space<vmem>> -> memref<1x128xi32, #tpu.memory_space<vmem>>
      %dma_start3A_43 = tpu.memref_squeeze %dma_start3A_42 : memref<1x128xi32, #tpu.memory_space<vmem>> -> memref<128xi32, #tpu.memory_space<vmem>>
      %dma_start3A_44 = arith.constant 0 : i32
      %dma_start3A_45 = arith.constant 0 : i32
      %dma_start3A_46 = tpu.memref_slice %arg8[%dma_start3A_44, %dma_start3A_45] : memref<10240x16xf32, #tpu.memory_space<vmem_shared>> -> memref<10240x16xf32, #tpu.memory_space<vmem_shared>>
      tpu.enqueue_indirect_dma source(%arg7 : memref<128x16xf32, #tpu.memory_space<vmem>>) target(%dma_start3A_46 : memref<10240x16xf32, #tpu.memory_space<vmem_shared>>) offsets(%dma_start3A_43 : memref<128xi32, #tpu.memory_space<vmem>>) semaphore(%arg9 : memref<!tpu.dma_semaphore, #tpu.memory_space<semaphore_mem>>) {add = true}
      %mul3A_47 = arith.constant 8 : i32
      %mul3A_48 = arith.muli %scan3A_17, %mul3A_47 : i32
      %add3A_49 = arith.constant 3 : i32
      %add3A_50 = arith.addi %mul3A_48, %add3A_49 : i32
      %dma_start3A_51 = arith.constant 0 : i32
      %dma_start3A_52 = tpu.memref_slice %arg6[%add3A_50, %dma_start3A_51] : memref<80x128xi32, #tpu.memory_space<vmem>> -> memref<1x128xi32, #tpu.memory_space<vmem>>
      %dma_start3A_53 = tpu.memref_squeeze %dma_start3A_52 : memref<1x128xi32, #tpu.memory_space<vmem>> -> memref<128xi32, #tpu.memory_space<vmem>>
      %dma_start3A_54 = arith.constant 0 : i32
      %dma_start3A_55 = arith.constant 0 : i32
      %dma_start3A_56 = tpu.memref_slice %arg8[%dma_start3A_54, %dma_start3A_55] : memref<10240x16xf32, #tpu.memory_space<vmem_shared>> -> memref<10240x16xf32, #tpu.memory_space<vmem_shared>>
      tpu.enqueue_indirect_dma source(%arg7 : memref<128x16xf32, #tpu.memory_space<vmem>>) target(%dma_start3A_56 : memref<10240x16xf32, #tpu.memory_space<vmem_shared>>) offsets(%dma_start3A_53 : memref<128xi32, #tpu.memory_space<vmem>>) semaphore(%arg9 : memref<!tpu.dma_semaphore, #tpu.memory_space<semaphore_mem>>) {add = true}
      %mul3A_57 = arith.constant 8 : i32
      %mul3A_58 = arith.muli %scan3A_17, %mul3A_57 : i32
      %add3A_59 = arith.constant 4 : i32
      %add3A_60 = arith.addi %mul3A_58, %add3A_59 : i32
      %dma_start3A_61 = arith.constant 0 : i32
      %dma_start3A_62 = tpu.memref_slice %arg6[%add3A_60, %dma_start3A_61] : memref<80x128xi32, #tpu.memory_space<vmem>> -> memref<1x128xi32, #tpu.memory_space<vmem>>
      %dma_start3A_63 = tpu.memref_squeeze %dma_start3A_62 : memref<1x128xi32, #tpu.memory_space<vmem>> -> memref<128xi32, #tpu.memory_space<vmem>>
      %dma_start3A_64 = arith.constant 0 : i32
      %dma_start3A_65 = arith.constant 0 : i32
      %dma_start3A_66 = tpu.memref_slice %arg8[%dma_start3A_64, %dma_start3A_65] : memref<10240x16xf32, #tpu.memory_space<vmem_shared>> -> memref<10240x16xf32, #tpu.memory_space<vmem_shared>>
      tpu.enqueue_indirect_dma source(%arg7 : memref<128x16xf32, #tpu.memory_space<vmem>>) target(%dma_start3A_66 : memref<10240x16xf32, #tpu.memory_space<vmem_shared>>) offsets(%dma_start3A_63 : memref<128xi32, #tpu.memory_space<vmem>>) semaphore(%arg9 : memref<!tpu.dma_semaphore, #tpu.memory_space<semaphore_mem>>) {add = true}
      %mul3A_67 = arith.constant 8 : i32
      %mul3A_68 = arith.muli %scan3A_17, %mul3A_67 : i32
      %add3A_69 = arith.constant 5 : i32
      %add3A_70 = arith.addi %mul3A_68, %add3A_69 : i32
      %dma_start3A_71 = arith.constant 0 : i32
      %dma_start3A_72 = tpu.memref_slice %arg6[%add3A_70, %dma_start3A_71] : memref<80x128xi32, #tpu.memory_space<vmem>> -> memref<1x128xi32, #tpu.memory_space<vmem>>
      %dma_start3A_73 = tpu.memref_squeeze %dma_start3A_72 : memref<1x128xi32, #tpu.memory_space<vmem>> -> memref<128xi32, #tpu.memory_space<vmem>>
      %dma_start3A_74 = arith.constant 0 : i32
      %dma_start3A_75 = arith.constant 0 : i32
      %dma_start3A_76 = tpu.memref_slice %arg8[%dma_start3A_74, %dma_start3A_75] : memref<10240x16xf32, #tpu.memory_space<vmem_shared>> -> memref<10240x16xf32, #tpu.memory_space<vmem_shared>>
      tpu.enqueue_indirect_dma source(%arg7 : memref<128x16xf32, #tpu.memory_space<vmem>>) target(%dma_start3A_76 : memref<10240x16xf32, #tpu.memory_space<vmem_shared>>) offsets(%dma_start3A_73 : memref<128xi32, #tpu.memory_space<vmem>>) semaphore(%arg9 : memref<!tpu.dma_semaphore, #tpu.memory_space<semaphore_mem>>) {add = true}
      %mul3A_77 = arith.constant 8 : i32
      %mul3A_78 = arith.muli %scan3A_17, %mul3A_77 : i32
      %add3A_79 = arith.constant 6 : i32
      %add3A_80 = arith.addi %mul3A_78, %add3A_79 : i32
      %dma_start3A_81 = arith.constant 0 : i32
      %dma_start3A_82 = tpu.memref_slice %arg6[%add3A_80, %dma_start3A_81] : memref<80x128xi32, #tpu.memory_space<vmem>> -> memref<1x128xi32, #tpu.memory_space<vmem>>
      %dma_start3A_83 = tpu.memref_squeeze %dma_start3A_82 : memref<1x128xi32, #tpu.memory_space<vmem>> -> memref<128xi32, #tpu.memory_space<vmem>>
      %dma_start3A_84 = arith.constant 0 : i32
      %dma_start3A_85 = arith.constant 0 : i32
      %dma_start3A_86 = tpu.memref_slice %arg8[%dma_start3A_84, %dma_start3A_85] : memref<10240x16xf32, #tpu.memory_space<vmem_shared>> -> memref<10240x16xf32, #tpu.memory_space<vmem_shared>>
      tpu.enqueue_indirect_dma source(%arg7 : memref<128x16xf32, #tpu.memory_space<vmem>>) target(%dma_start3A_86 : memref<10240x16xf32, #tpu.memory_space<vmem_shared>>) offsets(%dma_start3A_83 : memref<128xi32, #tpu.memory_space<vmem>>) semaphore(%arg9 : memref<!tpu.dma_semaphore, #tpu.memory_space<semaphore_mem>>) {add = true}
      %mul3A_87 = arith.constant 8 : i32
      %mul3A_88 = arith.muli %scan3A_17, %mul3A_87 : i32
      %add3A_89 = arith.constant 7 : i32
      %add3A_90 = arith.addi %mul3A_88, %add3A_89 : i32
      %dma_start3A_91 = arith.constant 0 : i32
      %dma_start3A_92 = tpu.memref_slice %arg6[%add3A_90, %dma_start3A_91] : memref<80x128xi32, #tpu.memory_space<vmem>> -> memref<1x128xi32, #tpu.memory_space<vmem>>
      %dma_start3A_93 = tpu.memref_squeeze %dma_start3A_92 : memref<1x128xi32, #tpu.memory_space<vmem>> -> memref<128xi32, #tpu.memory_space<vmem>>
      %dma_start3A_94 = arith.constant 0 : i32
      %dma_start3A_95 = arith.constant 0 : i32
      %dma_start3A_96 = tpu.memref_slice %arg8[%dma_start3A_94, %dma_start3A_95] : memref<10240x16xf32, #tpu.memory_space<vmem_shared>> -> memref<10240x16xf32, #tpu.memory_space<vmem_shared>>
      tpu.enqueue_indirect_dma source(%arg7 : memref<128x16xf32, #tpu.memory_space<vmem>>) target(%dma_start3A_96 : memref<10240x16xf32, #tpu.memory_space<vmem_shared>>) offsets(%dma_start3A_93 : memref<128xi32, #tpu.memory_space<vmem>>) semaphore(%arg9 : memref<!tpu.dma_semaphore, #tpu.memory_space<semaphore_mem>>) {add = true}
      %mul3A_97 = arith.constant 8 : i32
      %mul3A_98 = arith.muli %scan3A_17, %mul3A_97 : i32
      %add3A_99 = arith.constant 0 : i32
      %add3A_100 = arith.addi %mul3A_98, %add3A_99 : i32
      %dma_wait3A = arith.constant 0 : i32
      %dma_wait3A_101 = tpu.memref_slice %arg6[%add3A_100, %dma_wait3A] : memref<80x128xi32, #tpu.memory_space<vmem>> -> memref<1x128xi32, #tpu.memory_space<vmem>>
      %dma_wait3A_102 = tpu.memref_squeeze %dma_wait3A_101 : memref<1x128xi32, #tpu.memory_space<vmem>> -> memref<128xi32, #tpu.memory_space<vmem>>
      %dma_wait3A_103 = arith.constant 0 : i32
      %dma_wait3A_104 = arith.constant 0 : i32
      %dma_wait3A_105 = tpu.memref_slice %arg8[%dma_wait3A_103, %dma_wait3A_104] : memref<10240x16xf32, #tpu.memory_space<vmem_shared>> -> memref<10240x16xf32, #tpu.memory_space<vmem_shared>>
      tpu.wait_indirect_dma semaphore(%arg9 : memref<!tpu.dma_semaphore, #tpu.memory_space<semaphore_mem>>) src(%arg7 : memref<128x16xf32, #tpu.memory_space<vmem>>) dst(%dma_wait3A_105 : memref<10240x16xf32, #tpu.memory_space<vmem_shared>>)
      %mul3A_106 = arith.constant 8 : i32
      %mul3A_107 = arith.muli %scan3A_17, %mul3A_106 : i32
      %add3A_108 = arith.constant 1 : i32
      %add3A_109 = arith.addi %mul3A_107, %add3A_108 : i32
      %dma_wait3A_110 = arith.constant 0 : i32
      %dma_wait3A_111 = tpu.memref_slice %arg6[%add3A_109, %dma_wait3A_110] : memref<80x128xi32, #tpu.memory_space<vmem>> -> memref<1x128xi32, #tpu.memory_space<vmem>>
      %dma_wait3A_112 = tpu.memref_squeeze %dma_wait3A_111 : memref<1x128xi32, #tpu.memory_space<vmem>> -> memref<128xi32, #tpu.memory_space<vmem>>
      %dma_wait3A_113 = arith.constant 0 : i32
      %dma_wait3A_114 = arith.constant 0 : i32
      %dma_wait3A_115 = tpu.memref_slice %arg8[%dma_wait3A_113, %dma_wait3A_114] : memref<10240x16xf32, #tpu.memory_space<vmem_shared>> -> memref<10240x16xf32, #tpu.memory_space<vmem_shared>>
      tpu.wait_indirect_dma semaphore(%arg9 : memref<!tpu.dma_semaphore, #tpu.memory_space<semaphore_mem>>) src(%arg7 : memref<128x16xf32, #tpu.memory_space<vmem>>) dst(%dma_wait3A_115 : memref<10240x16xf32, #tpu.memory_space<vmem_shared>>)
      %mul3A_116 = arith.constant 8 : i32
      %mul3A_117 = arith.muli %scan3A_17, %mul3A_116 : i32
      %add3A_118 = arith.constant 2 : i32
      %add3A_119 = arith.addi %mul3A_117, %add3A_118 : i32
      %dma_wait3A_120 = arith.constant 0 : i32
      %dma_wait3A_121 = tpu.memref_slice %arg6[%add3A_119, %dma_wait3A_120] : memref<80x128xi32, #tpu.memory_space<vmem>> -> memref<1x128xi32, #tpu.memory_space<vmem>>
      %dma_wait3A_122 = tpu.memref_squeeze %dma_wait3A_121 : memref<1x128xi32, #tpu.memory_space<vmem>> -> memref<128xi32, #tpu.memory_space<vmem>>
      %dma_wait3A_123 = arith.constant 0 : i32
      %dma_wait3A_124 = arith.constant 0 : i32
      %dma_wait3A_125 = tpu.memref_slice %arg8[%dma_wait3A_123, %dma_wait3A_124] : memref<10240x16xf32, #tpu.memory_space<vmem_shared>> -> memref<10240x16xf32, #tpu.memory_space<vmem_shared>>
      tpu.wait_indirect_dma semaphore(%arg9 : memref<!tpu.dma_semaphore, #tpu.memory_space<semaphore_mem>>) src(%arg7 : memref<128x16xf32, #tpu.memory_space<vmem>>) dst(%dma_wait3A_125 : memref<10240x16xf32, #tpu.memory_space<vmem_shared>>)
      %mul3A_126 = arith.constant 8 : i32
      %mul3A_127 = arith.muli %scan3A_17, %mul3A_126 : i32
      %add3A_128 = arith.constant 3 : i32
      %add3A_129 = arith.addi %mul3A_127, %add3A_128 : i32
      %dma_wait3A_130 = arith.constant 0 : i32
      %dma_wait3A_131 = tpu.memref_slice %arg6[%add3A_129, %dma_wait3A_130] : memref<80x128xi32, #tpu.memory_space<vmem>> -> memref<1x128xi32, #tpu.memory_space<vmem>>
      %dma_wait3A_132 = tpu.memref_squeeze %dma_wait3A_131 : memref<1x128xi32, #tpu.memory_space<vmem>> -> memref<128xi32, #tpu.memory_space<vmem>>
      %dma_wait3A_133 = arith.constant 0 : i32
      %dma_wait3A_134 = arith.constant 0 : i32
      %dma_wait3A_135 = tpu.memref_slice %arg8[%dma_wait3A_133, %dma_wait3A_134] : memref<10240x16xf32, #tpu.memory_space<vmem_shared>> -> memref<10240x16xf32, #tpu.memory_space<vmem_shared>>
      tpu.wait_indirect_dma semaphore(%arg9 : memref<!tpu.dma_semaphore, #tpu.memory_space<semaphore_mem>>) src(%arg7 : memref<128x16xf32, #tpu.memory_space<vmem>>) dst(%dma_wait3A_135 : memref<10240x16xf32, #tpu.memory_space<vmem_shared>>)
      %mul3A_136 = arith.constant 8 : i32
      %mul3A_137 = arith.muli %scan3A_17, %mul3A_136 : i32
      %add3A_138 = arith.constant 4 : i32
      %add3A_139 = arith.addi %mul3A_137, %add3A_138 : i32
      %dma_wait3A_140 = arith.constant 0 : i32
      %dma_wait3A_141 = tpu.memref_slice %arg6[%add3A_139, %dma_wait3A_140] : memref<80x128xi32, #tpu.memory_space<vmem>> -> memref<1x128xi32, #tpu.memory_space<vmem>>
      %dma_wait3A_142 = tpu.memref_squeeze %dma_wait3A_141 : memref<1x128xi32, #tpu.memory_space<vmem>> -> memref<128xi32, #tpu.memory_space<vmem>>
      %dma_wait3A_143 = arith.constant 0 : i32
      %dma_wait3A_144 = arith.constant 0 : i32
      %dma_wait3A_145 = tpu.memref_slice %arg8[%dma_wait3A_143, %dma_wait3A_144] : memref<10240x16xf32, #tpu.memory_space<vmem_shared>> -> memref<10240x16xf32, #tpu.memory_space<vmem_shared>>
      tpu.wait_indirect_dma semaphore(%arg9 : memref<!tpu.dma_semaphore, #tpu.memory_space<semaphore_mem>>) src(%arg7 : memref<128x16xf32, #tpu.memory_space<vmem>>) dst(%dma_wait3A_145 : memref<10240x16xf32, #tpu.memory_space<vmem_shared>>)
      %mul3A_146 = arith.constant 8 : i32
      %mul3A_147 = arith.muli %scan3A_17, %mul3A_146 : i32
      %add3A_148 = arith.constant 5 : i32
      %add3A_149 = arith.addi %mul3A_147, %add3A_148 : i32
      %dma_wait3A_150 = arith.constant 0 : i32
      %dma_wait3A_151 = tpu.memref_slice %arg6[%add3A_149, %dma_wait3A_150] : memref<80x128xi32, #tpu.memory_space<vmem>> -> memref<1x128xi32, #tpu.memory_space<vmem>>
      %dma_wait3A_152 = tpu.memref_squeeze %dma_wait3A_151 : memref<1x128xi32, #tpu.memory_space<vmem>> -> memref<128xi32, #tpu.memory_space<vmem>>
      %dma_wait3A_153 = arith.constant 0 : i32
      %dma_wait3A_154 = arith.constant 0 : i32
      %dma_wait3A_155 = tpu.memref_slice %arg8[%dma_wait3A_153, %dma_wait3A_154] : memref<10240x16xf32, #tpu.memory_space<vmem_shared>> -> memref<10240x16xf32, #tpu.memory_space<vmem_shared>>
      tpu.wait_indirect_dma semaphore(%arg9 : memref<!tpu.dma_semaphore, #tpu.memory_space<semaphore_mem>>) src(%arg7 : memref<128x16xf32, #tpu.memory_space<vmem>>) dst(%dma_wait3A_155 : memref<10240x16xf32, #tpu.memory_space<vmem_shared>>)
      %mul3A_156 = arith.constant 8 : i32
      %mul3A_157 = arith.muli %scan3A_17, %mul3A_156 : i32
      %add3A_158 = arith.constant 6 : i32
      %add3A_159 = arith.addi %mul3A_157, %add3A_158 : i32
      %dma_wait3A_160 = arith.constant 0 : i32
      %dma_wait3A_161 = tpu.memref_slice %arg6[%add3A_159, %dma_wait3A_160] : memref<80x128xi32, #tpu.memory_space<vmem>> -> memref<1x128xi32, #tpu.memory_space<vmem>>
      %dma_wait3A_162 = tpu.memref_squeeze %dma_wait3A_161 : memref<1x128xi32, #tpu.memory_space<vmem>> -> memref<128xi32, #tpu.memory_space<vmem>>
      %dma_wait3A_163 = arith.constant 0 : i32
      %dma_wait3A_164 = arith.constant 0 : i32
      %dma_wait3A_165 = tpu.memref_slice %arg8[%dma_wait3A_163, %dma_wait3A_164] : memref<10240x16xf32, #tpu.memory_space<vmem_shared>> -> memref<10240x16xf32, #tpu.memory_space<vmem_shared>>
      tpu.wait_indirect_dma semaphore(%arg9 : memref<!tpu.dma_semaphore, #tpu.memory_space<semaphore_mem>>) src(%arg7 : memref<128x16xf32, #tpu.memory_space<vmem>>) dst(%dma_wait3A_165 : memref<10240x16xf32, #tpu.memory_space<vmem_shared>>)
      %mul3A_166 = arith.constant 8 : i32
      %mul3A_167 = arith.muli %scan3A_17, %mul3A_166 : i32
      %add3A_168 = arith.constant 7 : i32
      %add3A_169 = arith.addi %mul3A_167, %add3A_168 : i32
      %dma_wait3A_170 = arith.constant 0 : i32
      %dma_wait3A_171 = tpu.memref_slice %arg6[%add3A_169, %dma_wait3A_170] : memref<80x128xi32, #tpu.memory_space<vmem>> -> memref<1x128xi32, #tpu.memory_space<vmem>>
      %dma_wait3A_172 = tpu.memref_squeeze %dma_wait3A_171 : memref<1x128xi32, #tpu.memory_space<vmem>> -> memref<128xi32, #tpu.memory_space<vmem>>
      %dma_wait3A_173 = arith.constant 0 : i32
      %dma_wait3A_174 = arith.constant 0 : i32
      %dma_wait3A_175 = tpu.memref_slice %arg8[%dma_wait3A_173, %dma_wait3A_174] : memref<10240x16xf32, #tpu.memory_space<vmem_shared>> -> memref<10240x16xf32, #tpu.memory_space<vmem_shared>>
      tpu.wait_indirect_dma semaphore(%arg9 : memref<!tpu.dma_semaphore, #tpu.memory_space<semaphore_mem>>) src(%arg7 : memref<128x16xf32, #tpu.memory_space<vmem>>) dst(%dma_wait3A_175 : memref<10240x16xf32, #tpu.memory_space<vmem_shared>>)
    }
    %scan3A_11 = arith.constant 10 : i32
    %barrier3A_12 = arith.constant 0 : index
    tpu.barrier barrier_id(%barrier3A_12)
    %mul3A_13 = arith.constant 640 : i32
    %mul3A_14 = arith.muli %arg1, %mul3A_13 : i32
    %mul3A_15 = arith.constant 640 : i32
    %mul3A_16 = arith.muli %arg1, %mul3A_15 : i32
    "tpu.region"() ({
      %run_scoped3A = tpu.sem_alloc : memref<!tpu.dma_semaphore, #tpu.memory_space<semaphore_mem>>
      %dma_start3A = arith.constant 0 : i32
      %dma_start3A_17 = tpu.memref_slice %arg5[%arg0, %mul3A_16, %dma_start3A] : memref<2x10240x16xf32, #tpu.memory_space<hbm>> -> memref<1x640x16xf32, #tpu.memory_space<hbm>>
      %dma_start3A_18 = tpu.memref_squeeze %dma_start3A_17 : memref<1x640x16xf32, #tpu.memory_space<hbm>> -> memref<640x16xf32, #tpu.memory_space<hbm>>
      %dma_start3A_19 = arith.constant 0 : i32
      %dma_start3A_20 = tpu.memref_slice %arg8[%mul3A_14, %dma_start3A_19] : memref<10240x16xf32, #tpu.memory_space<vmem_shared>> -> memref<640x16xf32, #tpu.memory_space<vmem_shared>>
      tpu.enqueue_dma source(%dma_start3A_20 : memref<640x16xf32, #tpu.memory_space<vmem_shared>>) target(%dma_start3A_18 : memref<640x16xf32, #tpu.memory_space<hbm>>) target_semaphore(%run_scoped3A : memref<!tpu.dma_semaphore, #tpu.memory_space<semaphore_mem>>)
      %dma_wait3A = arith.constant 0 : i32
      %dma_wait3A_21 = tpu.memref_slice %arg5[%arg0, %mul3A_16, %dma_wait3A] : memref<2x10240x16xf32, #tpu.memory_space<hbm>> -> memref<1x640x16xf32, #tpu.memory_space<hbm>>
      %dma_wait3A_22 = tpu.memref_squeeze %dma_wait3A_21 : memref<1x640x16xf32, #tpu.memory_space<hbm>> -> memref<640x16xf32, #tpu.memory_space<hbm>>
      %dma_wait3A_23 = arith.constant 0 : i32
      %dma_wait3A_24 = tpu.memref_slice %arg8[%mul3A_14, %dma_wait3A_23] : memref<10240x16xf32, #tpu.memory_space<vmem_shared>> -> memref<640x16xf32, #tpu.memory_space<vmem_shared>>
      tpu.wait_dma2 semaphore(%run_scoped3A : memref<!tpu.dma_semaphore, #tpu.memory_space<semaphore_mem>>) src(%dma_wait3A_24 : memref<640x16xf32, #tpu.memory_space<vmem_shared>>) dst(%dma_wait3A_22 : memref<640x16xf32, #tpu.memory_space<hbm>>)
      tpu.yield
    }) : () -> ()
    return
  }
}

#map = affine_map<(d0, d1) -> (0, 0)>
#map1 = affine_map<(d0, d1) -> (0, 0, 0)>
module attributes {stable_mosaic.version = 14 : i64} {
  func.func @k(%arg0: i32, %arg1: i32, %arg2: memref<10240x16xf32, #tpu.memory_space<hbm>>, %arg3: memref<2560x128xi32, #tpu.memory_space<hbm>>, %arg4: memref<2560x128xi32, #tpu.memory_space<hbm>>, %arg5: memref<10240x16xf32, #tpu.memory_space<hbm>>, %arg6: memref<2x10240x16xf32, #tpu.memory_space<hbm>>, %arg7: memref<80x128xi32, #tpu.memory_space<vmem>>, %arg8: memref<80x128xi32, #tpu.memory_space<vmem>>, %arg9: memref<5x2x128x16xf32, #tpu.memory_space<vmem>>, %arg10: memref<10240x16xf32, #tpu.memory_space<vmem_shared>>, %arg11: memref<10240x16xf32, #tpu.memory_space<vmem_shared>>, %arg12: memref<!tpu.dma_semaphore, #tpu.memory_space<semaphore_mem>>, %arg13: memref<!tpu.dma_semaphore, #tpu.memory_space<semaphore_mem>>) attributes {dimension_semantics = [#tpu.dimension_semantics<core_parallel>, #tpu.dimension_semantics<subcore_parallel>], iteration_bounds = array<i64: 2, 16>, scalar_prefetch = 0 : i64, scratch_operands = 7 : i64, tpu.core_type = #tpu.core_type<sc_vector_subcore>, window_params = [{transform_indices = #map}, {transform_indices = #map}, {transform_indices = #map}, {transform_indices = #map}, {transform_indices = #map1}]} {
    %mul3A = arith.constant 16 : i32
    %mul3A_0 = arith.muli %arg0, %mul3A : i32
    %add3A = arith.addi %mul3A_0, %arg1 : i32
    %mul3A_1 = arith.constant 80 : i32
    %mul3A_2 = arith.muli %add3A, %mul3A_1 : i32
    %mul3A_3 = arith.constant 640 : i32
    %mul3A_4 = arith.muli %arg1, %mul3A_3 : i32
    %mul3A_5 = arith.constant 640 : i32
    %mul3A_6 = arith.muli %arg1, %mul3A_5 : i32
    "tpu.region"() ({
      %run_scoped3A = tpu.sem_alloc : memref<!tpu.dma_semaphore, #tpu.memory_space<semaphore_mem>>
      %dma_start3A_253 = arith.constant 0 : i32
      %dma_start3A_254 = tpu.memref_slice %arg11[%mul3A_6, %dma_start3A_253] : memref<10240x16xf32, #tpu.memory_space<vmem_shared>> -> memref<640x16xf32, #tpu.memory_space<vmem_shared>>
      %dma_start3A_255 = arith.constant 0 : i32
      %dma_start3A_256 = tpu.memref_slice %arg5[%mul3A_4, %dma_start3A_255] : memref<10240x16xf32, #tpu.memory_space<hbm>> -> memref<640x16xf32, #tpu.memory_space<hbm>>
      tpu.enqueue_dma source(%dma_start3A_256 : memref<640x16xf32, #tpu.memory_space<hbm>>) target(%dma_start3A_254 : memref<640x16xf32, #tpu.memory_space<vmem_shared>>) target_semaphore(%run_scoped3A : memref<!tpu.dma_semaphore, #tpu.memory_space<semaphore_mem>>)
      %dma_wait3A_257 = arith.constant 0 : i32
      %dma_wait3A_258 = tpu.memref_slice %arg11[%mul3A_6, %dma_wait3A_257] : memref<10240x16xf32, #tpu.memory_space<vmem_shared>> -> memref<640x16xf32, #tpu.memory_space<vmem_shared>>
      %dma_wait3A_259 = arith.constant 0 : i32
      %dma_wait3A_260 = tpu.memref_slice %arg5[%mul3A_4, %dma_wait3A_259] : memref<10240x16xf32, #tpu.memory_space<hbm>> -> memref<640x16xf32, #tpu.memory_space<hbm>>
      tpu.wait_dma2 semaphore(%run_scoped3A : memref<!tpu.dma_semaphore, #tpu.memory_space<semaphore_mem>>) src(%dma_wait3A_260 : memref<640x16xf32, #tpu.memory_space<hbm>>) dst(%dma_wait3A_258 : memref<640x16xf32, #tpu.memory_space<vmem_shared>>)
      tpu.yield
    }) : () -> ()
    %mul3A_7 = arith.constant 640 : i32
    %mul3A_8 = arith.muli %arg1, %mul3A_7 : i32
    %mul3A_9 = arith.constant 640 : i32
    %mul3A_10 = arith.muli %arg1, %mul3A_9 : i32
    "tpu.region"() ({
      %run_scoped3A = tpu.sem_alloc : memref<!tpu.dma_semaphore, #tpu.memory_space<semaphore_mem>>
      %dma_start3A_253 = arith.constant 0 : i32
      %dma_start3A_254 = tpu.memref_slice %arg10[%mul3A_10, %dma_start3A_253] : memref<10240x16xf32, #tpu.memory_space<vmem_shared>> -> memref<640x16xf32, #tpu.memory_space<vmem_shared>>
      %dma_start3A_255 = arith.constant 0 : i32
      %dma_start3A_256 = tpu.memref_slice %arg2[%mul3A_8, %dma_start3A_255] : memref<10240x16xf32, #tpu.memory_space<hbm>> -> memref<640x16xf32, #tpu.memory_space<hbm>>
      tpu.enqueue_dma source(%dma_start3A_256 : memref<640x16xf32, #tpu.memory_space<hbm>>) target(%dma_start3A_254 : memref<640x16xf32, #tpu.memory_space<vmem_shared>>) target_semaphore(%run_scoped3A : memref<!tpu.dma_semaphore, #tpu.memory_space<semaphore_mem>>)
      %dma_wait3A_257 = arith.constant 0 : i32
      %dma_wait3A_258 = tpu.memref_slice %arg10[%mul3A_10, %dma_wait3A_257] : memref<10240x16xf32, #tpu.memory_space<vmem_shared>> -> memref<640x16xf32, #tpu.memory_space<vmem_shared>>
      %dma_wait3A_259 = arith.constant 0 : i32
      %dma_wait3A_260 = tpu.memref_slice %arg2[%mul3A_8, %dma_wait3A_259] : memref<10240x16xf32, #tpu.memory_space<hbm>> -> memref<640x16xf32, #tpu.memory_space<hbm>>
      tpu.wait_dma2 semaphore(%run_scoped3A : memref<!tpu.dma_semaphore, #tpu.memory_space<semaphore_mem>>) src(%dma_wait3A_260 : memref<640x16xf32, #tpu.memory_space<hbm>>) dst(%dma_wait3A_258 : memref<640x16xf32, #tpu.memory_space<vmem_shared>>)
      tpu.yield
    }) : () -> ()
    "tpu.region"() ({
      %run_scoped3A = tpu.sem_alloc : memref<!tpu.dma_semaphore, #tpu.memory_space<semaphore_mem>>
      %dma_start3A_253 = arith.constant 0 : i32
      %dma_start3A_254 = tpu.memref_slice %arg3[%mul3A_2, %dma_start3A_253] : memref<2560x128xi32, #tpu.memory_space<hbm>> -> memref<80x128xi32, #tpu.memory_space<hbm>>
      %dma_start3A_255 = arith.constant 0 : i32
      %dma_start3A_256 = tpu.memref_slice %arg3[%mul3A_2, %dma_start3A_255] : memref<2560x128xi32, #tpu.memory_space<hbm>> -> memref<80x128xi32, #tpu.memory_space<hbm>>
      tpu.enqueue_dma source(%dma_start3A_256 : memref<80x128xi32, #tpu.memory_space<hbm>>) target(%arg7 : memref<80x128xi32, #tpu.memory_space<vmem>>) target_semaphore(%run_scoped3A : memref<!tpu.dma_semaphore, #tpu.memory_space<semaphore_mem>>)
      %dma_wait3A_257 = arith.constant 0 : i32
      %dma_wait3A_258 = tpu.memref_slice %arg3[%mul3A_2, %dma_wait3A_257] : memref<2560x128xi32, #tpu.memory_space<hbm>> -> memref<80x128xi32, #tpu.memory_space<hbm>>
      %dma_wait3A_259 = arith.constant 0 : i32
      %dma_wait3A_260 = tpu.memref_slice %arg3[%mul3A_2, %dma_wait3A_259] : memref<2560x128xi32, #tpu.memory_space<hbm>> -> memref<80x128xi32, #tpu.memory_space<hbm>>
      tpu.wait_dma2 semaphore(%run_scoped3A : memref<!tpu.dma_semaphore, #tpu.memory_space<semaphore_mem>>) src(%dma_wait3A_260 : memref<80x128xi32, #tpu.memory_space<hbm>>) dst(%arg7 : memref<80x128xi32, #tpu.memory_space<vmem>>)
      tpu.yield
    }) : () -> ()
    "tpu.region"() ({
      %run_scoped3A = tpu.sem_alloc : memref<!tpu.dma_semaphore, #tpu.memory_space<semaphore_mem>>
      %dma_start3A_253 = arith.constant 0 : i32
      %dma_start3A_254 = tpu.memref_slice %arg4[%mul3A_2, %dma_start3A_253] : memref<2560x128xi32, #tpu.memory_space<hbm>> -> memref<80x128xi32, #tpu.memory_space<hbm>>
      %dma_start3A_255 = arith.constant 0 : i32
      %dma_start3A_256 = tpu.memref_slice %arg4[%mul3A_2, %dma_start3A_255] : memref<2560x128xi32, #tpu.memory_space<hbm>> -> memref<80x128xi32, #tpu.memory_space<hbm>>
      tpu.enqueue_dma source(%dma_start3A_256 : memref<80x128xi32, #tpu.memory_space<hbm>>) target(%arg8 : memref<80x128xi32, #tpu.memory_space<vmem>>) target_semaphore(%run_scoped3A : memref<!tpu.dma_semaphore, #tpu.memory_space<semaphore_mem>>)
      %dma_wait3A_257 = arith.constant 0 : i32
      %dma_wait3A_258 = tpu.memref_slice %arg4[%mul3A_2, %dma_wait3A_257] : memref<2560x128xi32, #tpu.memory_space<hbm>> -> memref<80x128xi32, #tpu.memory_space<hbm>>
      %dma_wait3A_259 = arith.constant 0 : i32
      %dma_wait3A_260 = tpu.memref_slice %arg4[%mul3A_2, %dma_wait3A_259] : memref<2560x128xi32, #tpu.memory_space<hbm>> -> memref<80x128xi32, #tpu.memory_space<hbm>>
      tpu.wait_dma2 semaphore(%run_scoped3A : memref<!tpu.dma_semaphore, #tpu.memory_space<semaphore_mem>>) src(%dma_wait3A_260 : memref<80x128xi32, #tpu.memory_space<hbm>>) dst(%arg8 : memref<80x128xi32, #tpu.memory_space<vmem>>)
      tpu.yield
    }) : () -> ()
    %barrier3A = arith.constant 0 : index
    tpu.barrier barrier_id(%barrier3A)
    %dma_start3A = arith.constant 0 : i32
    %dma_start3A_11 = arith.constant 0 : i32
    %dma_start3A_12 = arith.constant 0 : i32
    %dma_start3A_13 = arith.constant 0 : i32
    %dma_start3A_14 = arith.constant 0 : i32
    %dma_start3A_15 = tpu.memref_slice %arg9[%dma_start3A_11, %dma_start3A_12, %dma_start3A_13, %dma_start3A_14] : memref<5x2x128x16xf32, #tpu.memory_space<vmem>> -> memref<1x1x128x16xf32, #tpu.memory_space<vmem>>
    %dma_start3A_16 = tpu.memref_squeeze %dma_start3A_15 : memref<1x1x128x16xf32, #tpu.memory_space<vmem>> -> memref<128x16xf32, #tpu.memory_space<vmem>>
    %dma_start3A_17 = arith.constant 0 : i32
    %dma_start3A_18 = tpu.memref_slice %arg7[%dma_start3A, %dma_start3A_17] : memref<80x128xi32, #tpu.memory_space<vmem>> -> memref<1x128xi32, #tpu.memory_space<vmem>>
    %dma_start3A_19 = tpu.memref_squeeze %dma_start3A_18 : memref<1x128xi32, #tpu.memory_space<vmem>> -> memref<128xi32, #tpu.memory_space<vmem>>
    %dma_start3A_20 = arith.constant 0 : i32
    %dma_start3A_21 = arith.constant 0 : i32
    %dma_start3A_22 = tpu.memref_slice %arg10[%dma_start3A_20, %dma_start3A_21] : memref<10240x16xf32, #tpu.memory_space<vmem_shared>> -> memref<10240x16xf32, #tpu.memory_space<vmem_shared>>
    tpu.enqueue_indirect_dma source(%dma_start3A_22 : memref<10240x16xf32, #tpu.memory_space<vmem_shared>>) target(%dma_start3A_16 : memref<128x16xf32, #tpu.memory_space<vmem>>) offsets(%dma_start3A_19 : memref<128xi32, #tpu.memory_space<vmem>>) semaphore(%arg12 : memref<!tpu.dma_semaphore, #tpu.memory_space<semaphore_mem>>)
    %dma_start3A_23 = arith.constant 1 : i32
    %dma_start3A_24 = arith.constant 0 : i32
    %dma_start3A_25 = arith.constant 1 : i32
    %dma_start3A_26 = arith.constant 0 : i32
    %dma_start3A_27 = arith.constant 0 : i32
    %dma_start3A_28 = tpu.memref_slice %arg9[%dma_start3A_24, %dma_start3A_25, %dma_start3A_26, %dma_start3A_27] : memref<5x2x128x16xf32, #tpu.memory_space<vmem>> -> memref<1x1x128x16xf32, #tpu.memory_space<vmem>>
    %dma_start3A_29 = tpu.memref_squeeze %dma_start3A_28 : memref<1x1x128x16xf32, #tpu.memory_space<vmem>> -> memref<128x16xf32, #tpu.memory_space<vmem>>
    %dma_start3A_30 = arith.constant 0 : i32
    %dma_start3A_31 = tpu.memref_slice %arg7[%dma_start3A_23, %dma_start3A_30] : memref<80x128xi32, #tpu.memory_space<vmem>> -> memref<1x128xi32, #tpu.memory_space<vmem>>
    %dma_start3A_32 = tpu.memref_squeeze %dma_start3A_31 : memref<1x128xi32, #tpu.memory_space<vmem>> -> memref<128xi32, #tpu.memory_space<vmem>>
    %dma_start3A_33 = arith.constant 0 : i32
    %dma_start3A_34 = arith.constant 0 : i32
    %dma_start3A_35 = tpu.memref_slice %arg10[%dma_start3A_33, %dma_start3A_34] : memref<10240x16xf32, #tpu.memory_space<vmem_shared>> -> memref<10240x16xf32, #tpu.memory_space<vmem_shared>>
    tpu.enqueue_indirect_dma source(%dma_start3A_35 : memref<10240x16xf32, #tpu.memory_space<vmem_shared>>) target(%dma_start3A_29 : memref<128x16xf32, #tpu.memory_space<vmem>>) offsets(%dma_start3A_32 : memref<128xi32, #tpu.memory_space<vmem>>) semaphore(%arg12 : memref<!tpu.dma_semaphore, #tpu.memory_space<semaphore_mem>>)
    %dma_start3A_36 = arith.constant 2 : i32
    %dma_start3A_37 = arith.constant 1 : i32
    %dma_start3A_38 = arith.constant 0 : i32
    %dma_start3A_39 = arith.constant 0 : i32
    %dma_start3A_40 = arith.constant 0 : i32
    %dma_start3A_41 = tpu.memref_slice %arg9[%dma_start3A_37, %dma_start3A_38, %dma_start3A_39, %dma_start3A_40] : memref<5x2x128x16xf32, #tpu.memory_space<vmem>> -> memref<1x1x128x16xf32, #tpu.memory_space<vmem>>
    %dma_start3A_42 = tpu.memref_squeeze %dma_start3A_41 : memref<1x1x128x16xf32, #tpu.memory_space<vmem>> -> memref<128x16xf32, #tpu.memory_space<vmem>>
    %dma_start3A_43 = arith.constant 0 : i32
    %dma_start3A_44 = tpu.memref_slice %arg7[%dma_start3A_36, %dma_start3A_43] : memref<80x128xi32, #tpu.memory_space<vmem>> -> memref<1x128xi32, #tpu.memory_space<vmem>>
    %dma_start3A_45 = tpu.memref_squeeze %dma_start3A_44 : memref<1x128xi32, #tpu.memory_space<vmem>> -> memref<128xi32, #tpu.memory_space<vmem>>
    %dma_start3A_46 = arith.constant 0 : i32
    %dma_start3A_47 = arith.constant 0 : i32
    %dma_start3A_48 = tpu.memref_slice %arg10[%dma_start3A_46, %dma_start3A_47] : memref<10240x16xf32, #tpu.memory_space<vmem_shared>> -> memref<10240x16xf32, #tpu.memory_space<vmem_shared>>
    tpu.enqueue_indirect_dma source(%dma_start3A_48 : memref<10240x16xf32, #tpu.memory_space<vmem_shared>>) target(%dma_start3A_42 : memref<128x16xf32, #tpu.memory_space<vmem>>) offsets(%dma_start3A_45 : memref<128xi32, #tpu.memory_space<vmem>>) semaphore(%arg12 : memref<!tpu.dma_semaphore, #tpu.memory_space<semaphore_mem>>)
    %dma_start3A_49 = arith.constant 3 : i32
    %dma_start3A_50 = arith.constant 1 : i32
    %dma_start3A_51 = arith.constant 1 : i32
    %dma_start3A_52 = arith.constant 0 : i32
    %dma_start3A_53 = arith.constant 0 : i32
    %dma_start3A_54 = tpu.memref_slice %arg9[%dma_start3A_50, %dma_start3A_51, %dma_start3A_52, %dma_start3A_53] : memref<5x2x128x16xf32, #tpu.memory_space<vmem>> -> memref<1x1x128x16xf32, #tpu.memory_space<vmem>>
    %dma_start3A_55 = tpu.memref_squeeze %dma_start3A_54 : memref<1x1x128x16xf32, #tpu.memory_space<vmem>> -> memref<128x16xf32, #tpu.memory_space<vmem>>
    %dma_start3A_56 = arith.constant 0 : i32
    %dma_start3A_57 = tpu.memref_slice %arg7[%dma_start3A_49, %dma_start3A_56] : memref<80x128xi32, #tpu.memory_space<vmem>> -> memref<1x128xi32, #tpu.memory_space<vmem>>
    %dma_start3A_58 = tpu.memref_squeeze %dma_start3A_57 : memref<1x128xi32, #tpu.memory_space<vmem>> -> memref<128xi32, #tpu.memory_space<vmem>>
    %dma_start3A_59 = arith.constant 0 : i32
    %dma_start3A_60 = arith.constant 0 : i32
    %dma_start3A_61 = tpu.memref_slice %arg10[%dma_start3A_59, %dma_start3A_60] : memref<10240x16xf32, #tpu.memory_space<vmem_shared>> -> memref<10240x16xf32, #tpu.memory_space<vmem_shared>>
    tpu.enqueue_indirect_dma source(%dma_start3A_61 : memref<10240x16xf32, #tpu.memory_space<vmem_shared>>) target(%dma_start3A_55 : memref<128x16xf32, #tpu.memory_space<vmem>>) offsets(%dma_start3A_58 : memref<128xi32, #tpu.memory_space<vmem>>) semaphore(%arg12 : memref<!tpu.dma_semaphore, #tpu.memory_space<semaphore_mem>>)
    %dma_start3A_62 = arith.constant 4 : i32
    %dma_start3A_63 = arith.constant 2 : i32
    %dma_start3A_64 = arith.constant 0 : i32
    %dma_start3A_65 = arith.constant 0 : i32
    %dma_start3A_66 = arith.constant 0 : i32
    %dma_start3A_67 = tpu.memref_slice %arg9[%dma_start3A_63, %dma_start3A_64, %dma_start3A_65, %dma_start3A_66] : memref<5x2x128x16xf32, #tpu.memory_space<vmem>> -> memref<1x1x128x16xf32, #tpu.memory_space<vmem>>
    %dma_start3A_68 = tpu.memref_squeeze %dma_start3A_67 : memref<1x1x128x16xf32, #tpu.memory_space<vmem>> -> memref<128x16xf32, #tpu.memory_space<vmem>>
    %dma_start3A_69 = arith.constant 0 : i32
    %dma_start3A_70 = tpu.memref_slice %arg7[%dma_start3A_62, %dma_start3A_69] : memref<80x128xi32, #tpu.memory_space<vmem>> -> memref<1x128xi32, #tpu.memory_space<vmem>>
    %dma_start3A_71 = tpu.memref_squeeze %dma_start3A_70 : memref<1x128xi32, #tpu.memory_space<vmem>> -> memref<128xi32, #tpu.memory_space<vmem>>
    %dma_start3A_72 = arith.constant 0 : i32
    %dma_start3A_73 = arith.constant 0 : i32
    %dma_start3A_74 = tpu.memref_slice %arg10[%dma_start3A_72, %dma_start3A_73] : memref<10240x16xf32, #tpu.memory_space<vmem_shared>> -> memref<10240x16xf32, #tpu.memory_space<vmem_shared>>
    tpu.enqueue_indirect_dma source(%dma_start3A_74 : memref<10240x16xf32, #tpu.memory_space<vmem_shared>>) target(%dma_start3A_68 : memref<128x16xf32, #tpu.memory_space<vmem>>) offsets(%dma_start3A_71 : memref<128xi32, #tpu.memory_space<vmem>>) semaphore(%arg12 : memref<!tpu.dma_semaphore, #tpu.memory_space<semaphore_mem>>)
    %dma_start3A_75 = arith.constant 5 : i32
    %dma_start3A_76 = arith.constant 2 : i32
    %dma_start3A_77 = arith.constant 1 : i32
    %dma_start3A_78 = arith.constant 0 : i32
    %dma_start3A_79 = arith.constant 0 : i32
    %dma_start3A_80 = tpu.memref_slice %arg9[%dma_start3A_76, %dma_start3A_77, %dma_start3A_78, %dma_start3A_79] : memref<5x2x128x16xf32, #tpu.memory_space<vmem>> -> memref<1x1x128x16xf32, #tpu.memory_space<vmem>>
    %dma_start3A_81 = tpu.memref_squeeze %dma_start3A_80 : memref<1x1x128x16xf32, #tpu.memory_space<vmem>> -> memref<128x16xf32, #tpu.memory_space<vmem>>
    %dma_start3A_82 = arith.constant 0 : i32
    %dma_start3A_83 = tpu.memref_slice %arg7[%dma_start3A_75, %dma_start3A_82] : memref<80x128xi32, #tpu.memory_space<vmem>> -> memref<1x128xi32, #tpu.memory_space<vmem>>
    %dma_start3A_84 = tpu.memref_squeeze %dma_start3A_83 : memref<1x128xi32, #tpu.memory_space<vmem>> -> memref<128xi32, #tpu.memory_space<vmem>>
    %dma_start3A_85 = arith.constant 0 : i32
    %dma_start3A_86 = arith.constant 0 : i32
    %dma_start3A_87 = tpu.memref_slice %arg10[%dma_start3A_85, %dma_start3A_86] : memref<10240x16xf32, #tpu.memory_space<vmem_shared>> -> memref<10240x16xf32, #tpu.memory_space<vmem_shared>>
    tpu.enqueue_indirect_dma source(%dma_start3A_87 : memref<10240x16xf32, #tpu.memory_space<vmem_shared>>) target(%dma_start3A_81 : memref<128x16xf32, #tpu.memory_space<vmem>>) offsets(%dma_start3A_84 : memref<128xi32, #tpu.memory_space<vmem>>) semaphore(%arg12 : memref<!tpu.dma_semaphore, #tpu.memory_space<semaphore_mem>>)
    %dma_start3A_88 = arith.constant 6 : i32
    %dma_start3A_89 = arith.constant 3 : i32
    %dma_start3A_90 = arith.constant 0 : i32
    %dma_start3A_91 = arith.constant 0 : i32
    %dma_start3A_92 = arith.constant 0 : i32
    %dma_start3A_93 = tpu.memref_slice %arg9[%dma_start3A_89, %dma_start3A_90, %dma_start3A_91, %dma_start3A_92] : memref<5x2x128x16xf32, #tpu.memory_space<vmem>> -> memref<1x1x128x16xf32, #tpu.memory_space<vmem>>
    %dma_start3A_94 = tpu.memref_squeeze %dma_start3A_93 : memref<1x1x128x16xf32, #tpu.memory_space<vmem>> -> memref<128x16xf32, #tpu.memory_space<vmem>>
    %dma_start3A_95 = arith.constant 0 : i32
    %dma_start3A_96 = tpu.memref_slice %arg7[%dma_start3A_88, %dma_start3A_95] : memref<80x128xi32, #tpu.memory_space<vmem>> -> memref<1x128xi32, #tpu.memory_space<vmem>>
    %dma_start3A_97 = tpu.memref_squeeze %dma_start3A_96 : memref<1x128xi32, #tpu.memory_space<vmem>> -> memref<128xi32, #tpu.memory_space<vmem>>
    %dma_start3A_98 = arith.constant 0 : i32
    %dma_start3A_99 = arith.constant 0 : i32
    %dma_start3A_100 = tpu.memref_slice %arg10[%dma_start3A_98, %dma_start3A_99] : memref<10240x16xf32, #tpu.memory_space<vmem_shared>> -> memref<10240x16xf32, #tpu.memory_space<vmem_shared>>
    tpu.enqueue_indirect_dma source(%dma_start3A_100 : memref<10240x16xf32, #tpu.memory_space<vmem_shared>>) target(%dma_start3A_94 : memref<128x16xf32, #tpu.memory_space<vmem>>) offsets(%dma_start3A_97 : memref<128xi32, #tpu.memory_space<vmem>>) semaphore(%arg12 : memref<!tpu.dma_semaphore, #tpu.memory_space<semaphore_mem>>)
    %dma_start3A_101 = arith.constant 7 : i32
    %dma_start3A_102 = arith.constant 3 : i32
    %dma_start3A_103 = arith.constant 1 : i32
    %dma_start3A_104 = arith.constant 0 : i32
    %dma_start3A_105 = arith.constant 0 : i32
    %dma_start3A_106 = tpu.memref_slice %arg9[%dma_start3A_102, %dma_start3A_103, %dma_start3A_104, %dma_start3A_105] : memref<5x2x128x16xf32, #tpu.memory_space<vmem>> -> memref<1x1x128x16xf32, #tpu.memory_space<vmem>>
    %dma_start3A_107 = tpu.memref_squeeze %dma_start3A_106 : memref<1x1x128x16xf32, #tpu.memory_space<vmem>> -> memref<128x16xf32, #tpu.memory_space<vmem>>
    %dma_start3A_108 = arith.constant 0 : i32
    %dma_start3A_109 = tpu.memref_slice %arg7[%dma_start3A_101, %dma_start3A_108] : memref<80x128xi32, #tpu.memory_space<vmem>> -> memref<1x128xi32, #tpu.memory_space<vmem>>
    %dma_start3A_110 = tpu.memref_squeeze %dma_start3A_109 : memref<1x128xi32, #tpu.memory_space<vmem>> -> memref<128xi32, #tpu.memory_space<vmem>>
    %dma_start3A_111 = arith.constant 0 : i32
    %dma_start3A_112 = arith.constant 0 : i32
    %dma_start3A_113 = tpu.memref_slice %arg10[%dma_start3A_111, %dma_start3A_112] : memref<10240x16xf32, #tpu.memory_space<vmem_shared>> -> memref<10240x16xf32, #tpu.memory_space<vmem_shared>>
    tpu.enqueue_indirect_dma source(%dma_start3A_113 : memref<10240x16xf32, #tpu.memory_space<vmem_shared>>) target(%dma_start3A_107 : memref<128x16xf32, #tpu.memory_space<vmem>>) offsets(%dma_start3A_110 : memref<128xi32, #tpu.memory_space<vmem>>) semaphore(%arg12 : memref<!tpu.dma_semaphore, #tpu.memory_space<semaphore_mem>>)
    %scan3A = arith.constant 0 : i32
    %scan3A_114 = arith.constant 0 : i32
    %scan3A_115 = arith.constant 40 : i32
    %scan3A_116 = arith.addi %scan3A_114, %scan3A_115 : i32
    %scan3A_117 = arith.constant 1 : i32
    scf.for %scan3A_253 = %scan3A_114 to %scan3A_116 step %scan3A_117  : i32 {
      %rem3A = arith.constant 5 : i32
      %rem3A_254 = arith.remsi %scan3A_253, %rem3A : i32
      %mul3A_255 = arith.constant 2 : i32
      %mul3A_256 = arith.muli %scan3A_253, %mul3A_255 : i32
      %add3A_257 = arith.constant 0 : i32
      %add3A_258 = arith.addi %mul3A_256, %add3A_257 : i32
      %dma_wait3A_259 = arith.constant 0 : i32
      %dma_wait3A_260 = arith.constant 0 : i32
      %dma_wait3A_261 = arith.constant 0 : i32
      %dma_wait3A_262 = tpu.memref_slice %arg9[%rem3A_254, %dma_wait3A_259, %dma_wait3A_260, %dma_wait3A_261] : memref<5x2x128x16xf32, #tpu.memory_space<vmem>> -> memref<1x1x128x16xf32, #tpu.memory_space<vmem>>
      %dma_wait3A_263 = tpu.memref_squeeze %dma_wait3A_262 : memref<1x1x128x16xf32, #tpu.memory_space<vmem>> -> memref<128x16xf32, #tpu.memory_space<vmem>>
      %dma_wait3A_264 = arith.constant 0 : i32
      %dma_wait3A_265 = tpu.memref_slice %arg7[%add3A_258, %dma_wait3A_264] : memref<80x128xi32, #tpu.memory_space<vmem>> -> memref<1x128xi32, #tpu.memory_space<vmem>>
      %dma_wait3A_266 = tpu.memref_squeeze %dma_wait3A_265 : memref<1x128xi32, #tpu.memory_space<vmem>> -> memref<128xi32, #tpu.memory_space<vmem>>
      %dma_wait3A_267 = arith.constant 0 : i32
      %dma_wait3A_268 = arith.constant 0 : i32
      %dma_wait3A_269 = tpu.memref_slice %arg10[%dma_wait3A_267, %dma_wait3A_268] : memref<10240x16xf32, #tpu.memory_space<vmem_shared>> -> memref<10240x16xf32, #tpu.memory_space<vmem_shared>>
      tpu.wait_indirect_dma semaphore(%arg12 : memref<!tpu.dma_semaphore, #tpu.memory_space<semaphore_mem>>) src(%dma_wait3A_269 : memref<10240x16xf32, #tpu.memory_space<vmem_shared>>) dst(%dma_wait3A_263 : memref<128x16xf32, #tpu.memory_space<vmem>>)
      %mul3A_270 = arith.constant 2 : i32
      %mul3A_271 = arith.muli %scan3A_253, %mul3A_270 : i32
      %add3A_272 = arith.constant 1 : i32
      %add3A_273 = arith.addi %mul3A_271, %add3A_272 : i32
      %dma_wait3A_274 = arith.constant 1 : i32
      %dma_wait3A_275 = arith.constant 0 : i32
      %dma_wait3A_276 = arith.constant 0 : i32
      %dma_wait3A_277 = tpu.memref_slice %arg9[%rem3A_254, %dma_wait3A_274, %dma_wait3A_275, %dma_wait3A_276] : memref<5x2x128x16xf32, #tpu.memory_space<vmem>> -> memref<1x1x128x16xf32, #tpu.memory_space<vmem>>
      %dma_wait3A_278 = tpu.memref_squeeze %dma_wait3A_277 : memref<1x1x128x16xf32, #tpu.memory_space<vmem>> -> memref<128x16xf32, #tpu.memory_space<vmem>>
      %dma_wait3A_279 = arith.constant 0 : i32
      %dma_wait3A_280 = tpu.memref_slice %arg7[%add3A_273, %dma_wait3A_279] : memref<80x128xi32, #tpu.memory_space<vmem>> -> memref<1x128xi32, #tpu.memory_space<vmem>>
      %dma_wait3A_281 = tpu.memref_squeeze %dma_wait3A_280 : memref<1x128xi32, #tpu.memory_space<vmem>> -> memref<128xi32, #tpu.memory_space<vmem>>
      %dma_wait3A_282 = arith.constant 0 : i32
      %dma_wait3A_283 = arith.constant 0 : i32
      %dma_wait3A_284 = tpu.memref_slice %arg10[%dma_wait3A_282, %dma_wait3A_283] : memref<10240x16xf32, #tpu.memory_space<vmem_shared>> -> memref<10240x16xf32, #tpu.memory_space<vmem_shared>>
      tpu.wait_indirect_dma semaphore(%arg12 : memref<!tpu.dma_semaphore, #tpu.memory_space<semaphore_mem>>) src(%dma_wait3A_284 : memref<10240x16xf32, #tpu.memory_space<vmem_shared>>) dst(%dma_wait3A_278 : memref<128x16xf32, #tpu.memory_space<vmem>>)
      %mul3A_285 = arith.constant 2 : i32
      %mul3A_286 = arith.muli %scan3A_253, %mul3A_285 : i32
      %add3A_287 = arith.constant 0 : i32
      %add3A_288 = arith.addi %mul3A_286, %add3A_287 : i32
      %dma_start3A_289 = arith.constant 0 : i32
      %dma_start3A_290 = arith.constant 0 : i32
      %dma_start3A_291 = arith.constant 0 : i32
      %dma_start3A_292 = tpu.memref_slice %arg9[%rem3A_254, %dma_start3A_289, %dma_start3A_290, %dma_start3A_291] : memref<5x2x128x16xf32, #tpu.memory_space<vmem>> -> memref<1x1x128x16xf32, #tpu.memory_space<vmem>>
      %dma_start3A_293 = tpu.memref_squeeze %dma_start3A_292 : memref<1x1x128x16xf32, #tpu.memory_space<vmem>> -> memref<128x16xf32, #tpu.memory_space<vmem>>
      %dma_start3A_294 = arith.constant 0 : i32
      %dma_start3A_295 = tpu.memref_slice %arg8[%add3A_288, %dma_start3A_294] : memref<80x128xi32, #tpu.memory_space<vmem>> -> memref<1x128xi32, #tpu.memory_space<vmem>>
      %dma_start3A_296 = tpu.memref_squeeze %dma_start3A_295 : memref<1x128xi32, #tpu.memory_space<vmem>> -> memref<128xi32, #tpu.memory_space<vmem>>
      %dma_start3A_297 = arith.constant 0 : i32
      %dma_start3A_298 = arith.constant 0 : i32
      %dma_start3A_299 = tpu.memref_slice %arg11[%dma_start3A_297, %dma_start3A_298] : memref<10240x16xf32, #tpu.memory_space<vmem_shared>> -> memref<10240x16xf32, #tpu.memory_space<vmem_shared>>
      tpu.enqueue_indirect_dma source(%dma_start3A_293 : memref<128x16xf32, #tpu.memory_space<vmem>>) target(%dma_start3A_299 : memref<10240x16xf32, #tpu.memory_space<vmem_shared>>) offsets(%dma_start3A_296 : memref<128xi32, #tpu.memory_space<vmem>>) semaphore(%arg13 : memref<!tpu.dma_semaphore, #tpu.memory_space<semaphore_mem>>) {add = true}
      %mul3A_300 = arith.constant 2 : i32
      %mul3A_301 = arith.muli %scan3A_253, %mul3A_300 : i32
      %add3A_302 = arith.constant 1 : i32
      %add3A_303 = arith.addi %mul3A_301, %add3A_302 : i32
      %dma_start3A_304 = arith.constant 1 : i32
      %dma_start3A_305 = arith.constant 0 : i32
      %dma_start3A_306 = arith.constant 0 : i32
      %dma_start3A_307 = tpu.memref_slice %arg9[%rem3A_254, %dma_start3A_304, %dma_start3A_305, %dma_start3A_306] : memref<5x2x128x16xf32, #tpu.memory_space<vmem>> -> memref<1x1x128x16xf32, #tpu.memory_space<vmem>>
      %dma_start3A_308 = tpu.memref_squeeze %dma_start3A_307 : memref<1x1x128x16xf32, #tpu.memory_space<vmem>> -> memref<128x16xf32, #tpu.memory_space<vmem>>
      %dma_start3A_309 = arith.constant 0 : i32
      %dma_start3A_310 = tpu.memref_slice %arg8[%add3A_303, %dma_start3A_309] : memref<80x128xi32, #tpu.memory_space<vmem>> -> memref<1x128xi32, #tpu.memory_space<vmem>>
      %dma_start3A_311 = tpu.memref_squeeze %dma_start3A_310 : memref<1x128xi32, #tpu.memory_space<vmem>> -> memref<128xi32, #tpu.memory_space<vmem>>
      %dma_start3A_312 = arith.constant 0 : i32
      %dma_start3A_313 = arith.constant 0 : i32
      %dma_start3A_314 = tpu.memref_slice %arg11[%dma_start3A_312, %dma_start3A_313] : memref<10240x16xf32, #tpu.memory_space<vmem_shared>> -> memref<10240x16xf32, #tpu.memory_space<vmem_shared>>
      tpu.enqueue_indirect_dma source(%dma_start3A_308 : memref<128x16xf32, #tpu.memory_space<vmem>>) target(%dma_start3A_314 : memref<10240x16xf32, #tpu.memory_space<vmem_shared>>) offsets(%dma_start3A_311 : memref<128xi32, #tpu.memory_space<vmem>>) semaphore(%arg13 : memref<!tpu.dma_semaphore, #tpu.memory_space<semaphore_mem>>) {add = true}
      %add3A_315 = arith.constant 4 : i32
      %add3A_316 = arith.addi %scan3A_253, %add3A_315 : i32
      %rem3A_317 = arith.constant 5 : i32
      %rem3A_318 = arith.remsi %add3A_316, %rem3A_317 : i32
      %lt3A = arith.constant 40 : i32
      %lt3A_319 = arith.cmpi slt, %add3A_316, %lt3A : i32
      %ge3A = arith.constant 5 : i32
      %ge3A_320 = arith.cmpi sge, %add3A_316, %ge3A : i32
      %and3A = arith.andi %lt3A_319, %ge3A_320 : i1
      %convert_element_type3A = arith.extui %and3A : i1 to i32
      %cond3A = arith.constant 0 : i32
      %cond3A_321 = arith.cmpi ne, %convert_element_type3A, %cond3A : i32
      scf.if %cond3A_321 {
        %sub3A = arith.constant 5 : i32
        %sub3A_327 = arith.subi %add3A_316, %sub3A : i32
        %mul3A_328 = arith.constant 2 : i32
        %mul3A_329 = arith.muli %sub3A_327, %mul3A_328 : i32
        %add3A_330 = arith.constant 0 : i32
        %add3A_331 = arith.addi %mul3A_329, %add3A_330 : i32
        %dma_wait3A_332 = arith.constant 0 : i32
        %dma_wait3A_333 = arith.constant 0 : i32
        %dma_wait3A_334 = arith.constant 0 : i32
        %dma_wait3A_335 = tpu.memref_slice %arg9[%rem3A_318, %dma_wait3A_332, %dma_wait3A_333, %dma_wait3A_334] : memref<5x2x128x16xf32, #tpu.memory_space<vmem>> -> memref<1x1x128x16xf32, #tpu.memory_space<vmem>>
        %dma_wait3A_336 = tpu.memref_squeeze %dma_wait3A_335 : memref<1x1x128x16xf32, #tpu.memory_space<vmem>> -> memref<128x16xf32, #tpu.memory_space<vmem>>
        %dma_wait3A_337 = arith.constant 0 : i32
        %dma_wait3A_338 = tpu.memref_slice %arg8[%add3A_331, %dma_wait3A_337] : memref<80x128xi32, #tpu.memory_space<vmem>> -> memref<1x128xi32, #tpu.memory_space<vmem>>
        %dma_wait3A_339 = tpu.memref_squeeze %dma_wait3A_338 : memref<1x128xi32, #tpu.memory_space<vmem>> -> memref<128xi32, #tpu.memory_space<vmem>>
        %dma_wait3A_340 = arith.constant 0 : i32
        %dma_wait3A_341 = arith.constant 0 : i32
        %dma_wait3A_342 = tpu.memref_slice %arg11[%dma_wait3A_340, %dma_wait3A_341] : memref<10240x16xf32, #tpu.memory_space<vmem_shared>> -> memref<10240x16xf32, #tpu.memory_space<vmem_shared>>
        tpu.wait_indirect_dma semaphore(%arg13 : memref<!tpu.dma_semaphore, #tpu.memory_space<semaphore_mem>>) src(%dma_wait3A_336 : memref<128x16xf32, #tpu.memory_space<vmem>>) dst(%dma_wait3A_342 : memref<10240x16xf32, #tpu.memory_space<vmem_shared>>)
        %mul3A_343 = arith.constant 2 : i32
        %mul3A_344 = arith.muli %sub3A_327, %mul3A_343 : i32
        %add3A_345 = arith.constant 1 : i32
        %add3A_346 = arith.addi %mul3A_344, %add3A_345 : i32
        %dma_wait3A_347 = arith.constant 1 : i32
        %dma_wait3A_348 = arith.constant 0 : i32
        %dma_wait3A_349 = arith.constant 0 : i32
        %dma_wait3A_350 = tpu.memref_slice %arg9[%rem3A_318, %dma_wait3A_347, %dma_wait3A_348, %dma_wait3A_349] : memref<5x2x128x16xf32, #tpu.memory_space<vmem>> -> memref<1x1x128x16xf32, #tpu.memory_space<vmem>>
        %dma_wait3A_351 = tpu.memref_squeeze %dma_wait3A_350 : memref<1x1x128x16xf32, #tpu.memory_space<vmem>> -> memref<128x16xf32, #tpu.memory_space<vmem>>
        %dma_wait3A_352 = arith.constant 0 : i32
        %dma_wait3A_353 = tpu.memref_slice %arg8[%add3A_346, %dma_wait3A_352] : memref<80x128xi32, #tpu.memory_space<vmem>> -> memref<1x128xi32, #tpu.memory_space<vmem>>
        %dma_wait3A_354 = tpu.memref_squeeze %dma_wait3A_353 : memref<1x128xi32, #tpu.memory_space<vmem>> -> memref<128xi32, #tpu.memory_space<vmem>>
        %dma_wait3A_355 = arith.constant 0 : i32
        %dma_wait3A_356 = arith.constant 0 : i32
        %dma_wait3A_357 = tpu.memref_slice %arg11[%dma_wait3A_355, %dma_wait3A_356] : memref<10240x16xf32, #tpu.memory_space<vmem_shared>> -> memref<10240x16xf32, #tpu.memory_space<vmem_shared>>
        tpu.wait_indirect_dma semaphore(%arg13 : memref<!tpu.dma_semaphore, #tpu.memory_space<semaphore_mem>>) src(%dma_wait3A_351 : memref<128x16xf32, #tpu.memory_space<vmem>>) dst(%dma_wait3A_357 : memref<10240x16xf32, #tpu.memory_space<vmem_shared>>)
      } else {
      }
      %lt3A_322 = arith.constant 40 : i32
      %lt3A_323 = arith.cmpi slt, %add3A_316, %lt3A_322 : i32
      %convert_element_type3A_324 = arith.extui %lt3A_323 : i1 to i32
      %cond3A_325 = arith.constant 0 : i32
      %cond3A_326 = arith.cmpi ne, %convert_element_type3A_324, %cond3A_325 : i32
      scf.if %cond3A_326 {
        %mul3A_327 = arith.constant 2 : i32
        %mul3A_328 = arith.muli %add3A_316, %mul3A_327 : i32
        %add3A_329 = arith.constant 0 : i32
        %add3A_330 = arith.addi %mul3A_328, %add3A_329 : i32
        %dma_start3A_331 = arith.constant 0 : i32
        %dma_start3A_332 = arith.constant 0 : i32
        %dma_start3A_333 = arith.constant 0 : i32
        %dma_start3A_334 = tpu.memref_slice %arg9[%rem3A_318, %dma_start3A_331, %dma_start3A_332, %dma_start3A_333] : memref<5x2x128x16xf32, #tpu.memory_space<vmem>> -> memref<1x1x128x16xf32, #tpu.memory_space<vmem>>
        %dma_start3A_335 = tpu.memref_squeeze %dma_start3A_334 : memref<1x1x128x16xf32, #tpu.memory_space<vmem>> -> memref<128x16xf32, #tpu.memory_space<vmem>>
        %dma_start3A_336 = arith.constant 0 : i32
        %dma_start3A_337 = tpu.memref_slice %arg7[%add3A_330, %dma_start3A_336] : memref<80x128xi32, #tpu.memory_space<vmem>> -> memref<1x128xi32, #tpu.memory_space<vmem>>
        %dma_start3A_338 = tpu.memref_squeeze %dma_start3A_337 : memref<1x128xi32, #tpu.memory_space<vmem>> -> memref<128xi32, #tpu.memory_space<vmem>>
        %dma_start3A_339 = arith.constant 0 : i32
        %dma_start3A_340 = arith.constant 0 : i32
        %dma_start3A_341 = tpu.memref_slice %arg10[%dma_start3A_339, %dma_start3A_340] : memref<10240x16xf32, #tpu.memory_space<vmem_shared>> -> memref<10240x16xf32, #tpu.memory_space<vmem_shared>>
        tpu.enqueue_indirect_dma source(%dma_start3A_341 : memref<10240x16xf32, #tpu.memory_space<vmem_shared>>) target(%dma_start3A_335 : memref<128x16xf32, #tpu.memory_space<vmem>>) offsets(%dma_start3A_338 : memref<128xi32, #tpu.memory_space<vmem>>) semaphore(%arg12 : memref<!tpu.dma_semaphore, #tpu.memory_space<semaphore_mem>>)
        %mul3A_342 = arith.constant 2 : i32
        %mul3A_343 = arith.muli %add3A_316, %mul3A_342 : i32
        %add3A_344 = arith.constant 1 : i32
        %add3A_345 = arith.addi %mul3A_343, %add3A_344 : i32
        %dma_start3A_346 = arith.constant 1 : i32
        %dma_start3A_347 = arith.constant 0 : i32
        %dma_start3A_348 = arith.constant 0 : i32
        %dma_start3A_349 = tpu.memref_slice %arg9[%rem3A_318, %dma_start3A_346, %dma_start3A_347, %dma_start3A_348] : memref<5x2x128x16xf32, #tpu.memory_space<vmem>> -> memref<1x1x128x16xf32, #tpu.memory_space<vmem>>
        %dma_start3A_350 = tpu.memref_squeeze %dma_start3A_349 : memref<1x1x128x16xf32, #tpu.memory_space<vmem>> -> memref<128x16xf32, #tpu.memory_space<vmem>>
        %dma_start3A_351 = arith.constant 0 : i32
        %dma_start3A_352 = tpu.memref_slice %arg7[%add3A_345, %dma_start3A_351] : memref<80x128xi32, #tpu.memory_space<vmem>> -> memref<1x128xi32, #tpu.memory_space<vmem>>
        %dma_start3A_353 = tpu.memref_squeeze %dma_start3A_352 : memref<1x128xi32, #tpu.memory_space<vmem>> -> memref<128xi32, #tpu.memory_space<vmem>>
        %dma_start3A_354 = arith.constant 0 : i32
        %dma_start3A_355 = arith.constant 0 : i32
        %dma_start3A_356 = tpu.memref_slice %arg10[%dma_start3A_354, %dma_start3A_355] : memref<10240x16xf32, #tpu.memory_space<vmem_shared>> -> memref<10240x16xf32, #tpu.memory_space<vmem_shared>>
        tpu.enqueue_indirect_dma source(%dma_start3A_356 : memref<10240x16xf32, #tpu.memory_space<vmem_shared>>) target(%dma_start3A_350 : memref<128x16xf32, #tpu.memory_space<vmem>>) offsets(%dma_start3A_353 : memref<128xi32, #tpu.memory_space<vmem>>) semaphore(%arg12 : memref<!tpu.dma_semaphore, #tpu.memory_space<semaphore_mem>>)
      } else {
      }
    }
    %scan3A_118 = arith.constant 40 : i32
    %dma_wait3A = arith.constant 0 : i32
    %dma_wait3A_119 = arith.constant 0 : i32
    %dma_wait3A_120 = arith.constant 70 : i32
    %dma_wait3A_121 = arith.constant 0 : i32
    %dma_wait3A_122 = arith.constant 0 : i32
    %dma_wait3A_123 = tpu.memref_slice %arg9[%dma_wait3A, %dma_wait3A_119, %dma_wait3A_121, %dma_wait3A_122] : memref<5x2x128x16xf32, #tpu.memory_space<vmem>> -> memref<1x1x128x16xf32, #tpu.memory_space<vmem>>
    %dma_wait3A_124 = tpu.memref_squeeze %dma_wait3A_123 : memref<1x1x128x16xf32, #tpu.memory_space<vmem>> -> memref<128x16xf32, #tpu.memory_space<vmem>>
    %dma_wait3A_125 = arith.constant 0 : i32
    %dma_wait3A_126 = tpu.memref_slice %arg8[%dma_wait3A_120, %dma_wait3A_125] : memref<80x128xi32, #tpu.memory_space<vmem>> -> memref<1x128xi32, #tpu.memory_space<vmem>>
    %dma_wait3A_127 = tpu.memref_squeeze %dma_wait3A_126 : memref<1x128xi32, #tpu.memory_space<vmem>> -> memref<128xi32, #tpu.memory_space<vmem>>
    %dma_wait3A_128 = arith.constant 0 : i32
    %dma_wait3A_129 = arith.constant 0 : i32
    %dma_wait3A_130 = tpu.memref_slice %arg11[%dma_wait3A_128, %dma_wait3A_129] : memref<10240x16xf32, #tpu.memory_space<vmem_shared>> -> memref<10240x16xf32, #tpu.memory_space<vmem_shared>>
    tpu.wait_indirect_dma semaphore(%arg13 : memref<!tpu.dma_semaphore, #tpu.memory_space<semaphore_mem>>) src(%dma_wait3A_124 : memref<128x16xf32, #tpu.memory_space<vmem>>) dst(%dma_wait3A_130 : memref<10240x16xf32, #tpu.memory_space<vmem_shared>>)
    %dma_wait3A_131 = arith.constant 0 : i32
    %dma_wait3A_132 = arith.constant 1 : i32
    %dma_wait3A_133 = arith.constant 71 : i32
    %dma_wait3A_134 = arith.constant 0 : i32
    %dma_wait3A_135 = arith.constant 0 : i32
    %dma_wait3A_136 = tpu.memref_slice %arg9[%dma_wait3A_131, %dma_wait3A_132, %dma_wait3A_134, %dma_wait3A_135] : memref<5x2x128x16xf32, #tpu.memory_space<vmem>> -> memref<1x1x128x16xf32, #tpu.memory_space<vmem>>
    %dma_wait3A_137 = tpu.memref_squeeze %dma_wait3A_136 : memref<1x1x128x16xf32, #tpu.memory_space<vmem>> -> memref<128x16xf32, #tpu.memory_space<vmem>>
    %dma_wait3A_138 = arith.constant 0 : i32
    %dma_wait3A_139 = tpu.memref_slice %arg8[%dma_wait3A_133, %dma_wait3A_138] : memref<80x128xi32, #tpu.memory_space<vmem>> -> memref<1x128xi32, #tpu.memory_space<vmem>>
    %dma_wait3A_140 = tpu.memref_squeeze %dma_wait3A_139 : memref<1x128xi32, #tpu.memory_space<vmem>> -> memref<128xi32, #tpu.memory_space<vmem>>
    %dma_wait3A_141 = arith.constant 0 : i32
    %dma_wait3A_142 = arith.constant 0 : i32
    %dma_wait3A_143 = tpu.memref_slice %arg11[%dma_wait3A_141, %dma_wait3A_142] : memref<10240x16xf32, #tpu.memory_space<vmem_shared>> -> memref<10240x16xf32, #tpu.memory_space<vmem_shared>>
    tpu.wait_indirect_dma semaphore(%arg13 : memref<!tpu.dma_semaphore, #tpu.memory_space<semaphore_mem>>) src(%dma_wait3A_137 : memref<128x16xf32, #tpu.memory_space<vmem>>) dst(%dma_wait3A_143 : memref<10240x16xf32, #tpu.memory_space<vmem_shared>>)
    %dma_wait3A_144 = arith.constant 1 : i32
    %dma_wait3A_145 = arith.constant 0 : i32
    %dma_wait3A_146 = arith.constant 72 : i32
    %dma_wait3A_147 = arith.constant 0 : i32
    %dma_wait3A_148 = arith.constant 0 : i32
    %dma_wait3A_149 = tpu.memref_slice %arg9[%dma_wait3A_144, %dma_wait3A_145, %dma_wait3A_147, %dma_wait3A_148] : memref<5x2x128x16xf32, #tpu.memory_space<vmem>> -> memref<1x1x128x16xf32, #tpu.memory_space<vmem>>
    %dma_wait3A_150 = tpu.memref_squeeze %dma_wait3A_149 : memref<1x1x128x16xf32, #tpu.memory_space<vmem>> -> memref<128x16xf32, #tpu.memory_space<vmem>>
    %dma_wait3A_151 = arith.constant 0 : i32
    %dma_wait3A_152 = tpu.memref_slice %arg8[%dma_wait3A_146, %dma_wait3A_151] : memref<80x128xi32, #tpu.memory_space<vmem>> -> memref<1x128xi32, #tpu.memory_space<vmem>>
    %dma_wait3A_153 = tpu.memref_squeeze %dma_wait3A_152 : memref<1x128xi32, #tpu.memory_space<vmem>> -> memref<128xi32, #tpu.memory_space<vmem>>
    %dma_wait3A_154 = arith.constant 0 : i32
    %dma_wait3A_155 = arith.constant 0 : i32
    %dma_wait3A_156 = tpu.memref_slice %arg11[%dma_wait3A_154, %dma_wait3A_155] : memref<10240x16xf32, #tpu.memory_space<vmem_shared>> -> memref<10240x16xf32, #tpu.memory_space<vmem_shared>>
    tpu.wait_indirect_dma semaphore(%arg13 : memref<!tpu.dma_semaphore, #tpu.memory_space<semaphore_mem>>) src(%dma_wait3A_150 : memref<128x16xf32, #tpu.memory_space<vmem>>) dst(%dma_wait3A_156 : memref<10240x16xf32, #tpu.memory_space<vmem_shared>>)
    %dma_wait3A_157 = arith.constant 1 : i32
    %dma_wait3A_158 = arith.constant 1 : i32
    %dma_wait3A_159 = arith.constant 73 : i32
    %dma_wait3A_160 = arith.constant 0 : i32
    %dma_wait3A_161 = arith.constant 0 : i32
    %dma_wait3A_162 = tpu.memref_slice %arg9[%dma_wait3A_157, %dma_wait3A_158, %dma_wait3A_160, %dma_wait3A_161] : memref<5x2x128x16xf32, #tpu.memory_space<vmem>> -> memref<1x1x128x16xf32, #tpu.memory_space<vmem>>
    %dma_wait3A_163 = tpu.memref_squeeze %dma_wait3A_162 : memref<1x1x128x16xf32, #tpu.memory_space<vmem>> -> memref<128x16xf32, #tpu.memory_space<vmem>>
    %dma_wait3A_164 = arith.constant 0 : i32
    %dma_wait3A_165 = tpu.memref_slice %arg8[%dma_wait3A_159, %dma_wait3A_164] : memref<80x128xi32, #tpu.memory_space<vmem>> -> memref<1x128xi32, #tpu.memory_space<vmem>>
    %dma_wait3A_166 = tpu.memref_squeeze %dma_wait3A_165 : memref<1x128xi32, #tpu.memory_space<vmem>> -> memref<128xi32, #tpu.memory_space<vmem>>
    %dma_wait3A_167 = arith.constant 0 : i32
    %dma_wait3A_168 = arith.constant 0 : i32
    %dma_wait3A_169 = tpu.memref_slice %arg11[%dma_wait3A_167, %dma_wait3A_168] : memref<10240x16xf32, #tpu.memory_space<vmem_shared>> -> memref<10240x16xf32, #tpu.memory_space<vmem_shared>>
    tpu.wait_indirect_dma semaphore(%arg13 : memref<!tpu.dma_semaphore, #tpu.memory_space<semaphore_mem>>) src(%dma_wait3A_163 : memref<128x16xf32, #tpu.memory_space<vmem>>) dst(%dma_wait3A_169 : memref<10240x16xf32, #tpu.memory_space<vmem_shared>>)
    %dma_wait3A_170 = arith.constant 2 : i32
    %dma_wait3A_171 = arith.constant 0 : i32
    %dma_wait3A_172 = arith.constant 74 : i32
    %dma_wait3A_173 = arith.constant 0 : i32
    %dma_wait3A_174 = arith.constant 0 : i32
    %dma_wait3A_175 = tpu.memref_slice %arg9[%dma_wait3A_170, %dma_wait3A_171, %dma_wait3A_173, %dma_wait3A_174] : memref<5x2x128x16xf32, #tpu.memory_space<vmem>> -> memref<1x1x128x16xf32, #tpu.memory_space<vmem>>
    %dma_wait3A_176 = tpu.memref_squeeze %dma_wait3A_175 : memref<1x1x128x16xf32, #tpu.memory_space<vmem>> -> memref<128x16xf32, #tpu.memory_space<vmem>>
    %dma_wait3A_177 = arith.constant 0 : i32
    %dma_wait3A_178 = tpu.memref_slice %arg8[%dma_wait3A_172, %dma_wait3A_177] : memref<80x128xi32, #tpu.memory_space<vmem>> -> memref<1x128xi32, #tpu.memory_space<vmem>>
    %dma_wait3A_179 = tpu.memref_squeeze %dma_wait3A_178 : memref<1x128xi32, #tpu.memory_space<vmem>> -> memref<128xi32, #tpu.memory_space<vmem>>
    %dma_wait3A_180 = arith.constant 0 : i32
    %dma_wait3A_181 = arith.constant 0 : i32
    %dma_wait3A_182 = tpu.memref_slice %arg11[%dma_wait3A_180, %dma_wait3A_181] : memref<10240x16xf32, #tpu.memory_space<vmem_shared>> -> memref<10240x16xf32, #tpu.memory_space<vmem_shared>>
    tpu.wait_indirect_dma semaphore(%arg13 : memref<!tpu.dma_semaphore, #tpu.memory_space<semaphore_mem>>) src(%dma_wait3A_176 : memref<128x16xf32, #tpu.memory_space<vmem>>) dst(%dma_wait3A_182 : memref<10240x16xf32, #tpu.memory_space<vmem_shared>>)
    %dma_wait3A_183 = arith.constant 2 : i32
    %dma_wait3A_184 = arith.constant 1 : i32
    %dma_wait3A_185 = arith.constant 75 : i32
    %dma_wait3A_186 = arith.constant 0 : i32
    %dma_wait3A_187 = arith.constant 0 : i32
    %dma_wait3A_188 = tpu.memref_slice %arg9[%dma_wait3A_183, %dma_wait3A_184, %dma_wait3A_186, %dma_wait3A_187] : memref<5x2x128x16xf32, #tpu.memory_space<vmem>> -> memref<1x1x128x16xf32, #tpu.memory_space<vmem>>
    %dma_wait3A_189 = tpu.memref_squeeze %dma_wait3A_188 : memref<1x1x128x16xf32, #tpu.memory_space<vmem>> -> memref<128x16xf32, #tpu.memory_space<vmem>>
    %dma_wait3A_190 = arith.constant 0 : i32
    %dma_wait3A_191 = tpu.memref_slice %arg8[%dma_wait3A_185, %dma_wait3A_190] : memref<80x128xi32, #tpu.memory_space<vmem>> -> memref<1x128xi32, #tpu.memory_space<vmem>>
    %dma_wait3A_192 = tpu.memref_squeeze %dma_wait3A_191 : memref<1x128xi32, #tpu.memory_space<vmem>> -> memref<128xi32, #tpu.memory_space<vmem>>
    %dma_wait3A_193 = arith.constant 0 : i32
    %dma_wait3A_194 = arith.constant 0 : i32
    %dma_wait3A_195 = tpu.memref_slice %arg11[%dma_wait3A_193, %dma_wait3A_194] : memref<10240x16xf32, #tpu.memory_space<vmem_shared>> -> memref<10240x16xf32, #tpu.memory_space<vmem_shared>>
    tpu.wait_indirect_dma semaphore(%arg13 : memref<!tpu.dma_semaphore, #tpu.memory_space<semaphore_mem>>) src(%dma_wait3A_189 : memref<128x16xf32, #tpu.memory_space<vmem>>) dst(%dma_wait3A_195 : memref<10240x16xf32, #tpu.memory_space<vmem_shared>>)
    %dma_wait3A_196 = arith.constant 3 : i32
    %dma_wait3A_197 = arith.constant 0 : i32
    %dma_wait3A_198 = arith.constant 76 : i32
    %dma_wait3A_199 = arith.constant 0 : i32
    %dma_wait3A_200 = arith.constant 0 : i32
    %dma_wait3A_201 = tpu.memref_slice %arg9[%dma_wait3A_196, %dma_wait3A_197, %dma_wait3A_199, %dma_wait3A_200] : memref<5x2x128x16xf32, #tpu.memory_space<vmem>> -> memref<1x1x128x16xf32, #tpu.memory_space<vmem>>
    %dma_wait3A_202 = tpu.memref_squeeze %dma_wait3A_201 : memref<1x1x128x16xf32, #tpu.memory_space<vmem>> -> memref<128x16xf32, #tpu.memory_space<vmem>>
    %dma_wait3A_203 = arith.constant 0 : i32
    %dma_wait3A_204 = tpu.memref_slice %arg8[%dma_wait3A_198, %dma_wait3A_203] : memref<80x128xi32, #tpu.memory_space<vmem>> -> memref<1x128xi32, #tpu.memory_space<vmem>>
    %dma_wait3A_205 = tpu.memref_squeeze %dma_wait3A_204 : memref<1x128xi32, #tpu.memory_space<vmem>> -> memref<128xi32, #tpu.memory_space<vmem>>
    %dma_wait3A_206 = arith.constant 0 : i32
    %dma_wait3A_207 = arith.constant 0 : i32
    %dma_wait3A_208 = tpu.memref_slice %arg11[%dma_wait3A_206, %dma_wait3A_207] : memref<10240x16xf32, #tpu.memory_space<vmem_shared>> -> memref<10240x16xf32, #tpu.memory_space<vmem_shared>>
    tpu.wait_indirect_dma semaphore(%arg13 : memref<!tpu.dma_semaphore, #tpu.memory_space<semaphore_mem>>) src(%dma_wait3A_202 : memref<128x16xf32, #tpu.memory_space<vmem>>) dst(%dma_wait3A_208 : memref<10240x16xf32, #tpu.memory_space<vmem_shared>>)
    %dma_wait3A_209 = arith.constant 3 : i32
    %dma_wait3A_210 = arith.constant 1 : i32
    %dma_wait3A_211 = arith.constant 77 : i32
    %dma_wait3A_212 = arith.constant 0 : i32
    %dma_wait3A_213 = arith.constant 0 : i32
    %dma_wait3A_214 = tpu.memref_slice %arg9[%dma_wait3A_209, %dma_wait3A_210, %dma_wait3A_212, %dma_wait3A_213] : memref<5x2x128x16xf32, #tpu.memory_space<vmem>> -> memref<1x1x128x16xf32, #tpu.memory_space<vmem>>
    %dma_wait3A_215 = tpu.memref_squeeze %dma_wait3A_214 : memref<1x1x128x16xf32, #tpu.memory_space<vmem>> -> memref<128x16xf32, #tpu.memory_space<vmem>>
    %dma_wait3A_216 = arith.constant 0 : i32
    %dma_wait3A_217 = tpu.memref_slice %arg8[%dma_wait3A_211, %dma_wait3A_216] : memref<80x128xi32, #tpu.memory_space<vmem>> -> memref<1x128xi32, #tpu.memory_space<vmem>>
    %dma_wait3A_218 = tpu.memref_squeeze %dma_wait3A_217 : memref<1x128xi32, #tpu.memory_space<vmem>> -> memref<128xi32, #tpu.memory_space<vmem>>
    %dma_wait3A_219 = arith.constant 0 : i32
    %dma_wait3A_220 = arith.constant 0 : i32
    %dma_wait3A_221 = tpu.memref_slice %arg11[%dma_wait3A_219, %dma_wait3A_220] : memref<10240x16xf32, #tpu.memory_space<vmem_shared>> -> memref<10240x16xf32, #tpu.memory_space<vmem_shared>>
    tpu.wait_indirect_dma semaphore(%arg13 : memref<!tpu.dma_semaphore, #tpu.memory_space<semaphore_mem>>) src(%dma_wait3A_215 : memref<128x16xf32, #tpu.memory_space<vmem>>) dst(%dma_wait3A_221 : memref<10240x16xf32, #tpu.memory_space<vmem_shared>>)
    %dma_wait3A_222 = arith.constant 4 : i32
    %dma_wait3A_223 = arith.constant 0 : i32
    %dma_wait3A_224 = arith.constant 78 : i32
    %dma_wait3A_225 = arith.constant 0 : i32
    %dma_wait3A_226 = arith.constant 0 : i32
    %dma_wait3A_227 = tpu.memref_slice %arg9[%dma_wait3A_222, %dma_wait3A_223, %dma_wait3A_225, %dma_wait3A_226] : memref<5x2x128x16xf32, #tpu.memory_space<vmem>> -> memref<1x1x128x16xf32, #tpu.memory_space<vmem>>
    %dma_wait3A_228 = tpu.memref_squeeze %dma_wait3A_227 : memref<1x1x128x16xf32, #tpu.memory_space<vmem>> -> memref<128x16xf32, #tpu.memory_space<vmem>>
    %dma_wait3A_229 = arith.constant 0 : i32
    %dma_wait3A_230 = tpu.memref_slice %arg8[%dma_wait3A_224, %dma_wait3A_229] : memref<80x128xi32, #tpu.memory_space<vmem>> -> memref<1x128xi32, #tpu.memory_space<vmem>>
    %dma_wait3A_231 = tpu.memref_squeeze %dma_wait3A_230 : memref<1x128xi32, #tpu.memory_space<vmem>> -> memref<128xi32, #tpu.memory_space<vmem>>
    %dma_wait3A_232 = arith.constant 0 : i32
    %dma_wait3A_233 = arith.constant 0 : i32
    %dma_wait3A_234 = tpu.memref_slice %arg11[%dma_wait3A_232, %dma_wait3A_233] : memref<10240x16xf32, #tpu.memory_space<vmem_shared>> -> memref<10240x16xf32, #tpu.memory_space<vmem_shared>>
    tpu.wait_indirect_dma semaphore(%arg13 : memref<!tpu.dma_semaphore, #tpu.memory_space<semaphore_mem>>) src(%dma_wait3A_228 : memref<128x16xf32, #tpu.memory_space<vmem>>) dst(%dma_wait3A_234 : memref<10240x16xf32, #tpu.memory_space<vmem_shared>>)
    %dma_wait3A_235 = arith.constant 4 : i32
    %dma_wait3A_236 = arith.constant 1 : i32
    %dma_wait3A_237 = arith.constant 79 : i32
    %dma_wait3A_238 = arith.constant 0 : i32
    %dma_wait3A_239 = arith.constant 0 : i32
    %dma_wait3A_240 = tpu.memref_slice %arg9[%dma_wait3A_235, %dma_wait3A_236, %dma_wait3A_238, %dma_wait3A_239] : memref<5x2x128x16xf32, #tpu.memory_space<vmem>> -> memref<1x1x128x16xf32, #tpu.memory_space<vmem>>
    %dma_wait3A_241 = tpu.memref_squeeze %dma_wait3A_240 : memref<1x1x128x16xf32, #tpu.memory_space<vmem>> -> memref<128x16xf32, #tpu.memory_space<vmem>>
    %dma_wait3A_242 = arith.constant 0 : i32
    %dma_wait3A_243 = tpu.memref_slice %arg8[%dma_wait3A_237, %dma_wait3A_242] : memref<80x128xi32, #tpu.memory_space<vmem>> -> memref<1x128xi32, #tpu.memory_space<vmem>>
    %dma_wait3A_244 = tpu.memref_squeeze %dma_wait3A_243 : memref<1x128xi32, #tpu.memory_space<vmem>> -> memref<128xi32, #tpu.memory_space<vmem>>
    %dma_wait3A_245 = arith.constant 0 : i32
    %dma_wait3A_246 = arith.constant 0 : i32
    %dma_wait3A_247 = tpu.memref_slice %arg11[%dma_wait3A_245, %dma_wait3A_246] : memref<10240x16xf32, #tpu.memory_space<vmem_shared>> -> memref<10240x16xf32, #tpu.memory_space<vmem_shared>>
    tpu.wait_indirect_dma semaphore(%arg13 : memref<!tpu.dma_semaphore, #tpu.memory_space<semaphore_mem>>) src(%dma_wait3A_241 : memref<128x16xf32, #tpu.memory_space<vmem>>) dst(%dma_wait3A_247 : memref<10240x16xf32, #tpu.memory_space<vmem_shared>>)
    %barrier3A_248 = arith.constant 0 : index
    tpu.barrier barrier_id(%barrier3A_248)
    %mul3A_249 = arith.constant 640 : i32
    %mul3A_250 = arith.muli %arg1, %mul3A_249 : i32
    %mul3A_251 = arith.constant 640 : i32
    %mul3A_252 = arith.muli %arg1, %mul3A_251 : i32
    "tpu.region"() ({
      %run_scoped3A = tpu.sem_alloc : memref<!tpu.dma_semaphore, #tpu.memory_space<semaphore_mem>>
      %dma_start3A_253 = arith.constant 0 : i32
      %dma_start3A_254 = tpu.memref_slice %arg6[%arg0, %mul3A_252, %dma_start3A_253] : memref<2x10240x16xf32, #tpu.memory_space<hbm>> -> memref<1x640x16xf32, #tpu.memory_space<hbm>>
      %dma_start3A_255 = tpu.memref_squeeze %dma_start3A_254 : memref<1x640x16xf32, #tpu.memory_space<hbm>> -> memref<640x16xf32, #tpu.memory_space<hbm>>
      %dma_start3A_256 = arith.constant 0 : i32
      %dma_start3A_257 = tpu.memref_slice %arg11[%mul3A_250, %dma_start3A_256] : memref<10240x16xf32, #tpu.memory_space<vmem_shared>> -> memref<640x16xf32, #tpu.memory_space<vmem_shared>>
      tpu.enqueue_dma source(%dma_start3A_257 : memref<640x16xf32, #tpu.memory_space<vmem_shared>>) target(%dma_start3A_255 : memref<640x16xf32, #tpu.memory_space<hbm>>) target_semaphore(%run_scoped3A : memref<!tpu.dma_semaphore, #tpu.memory_space<semaphore_mem>>)
      %dma_wait3A_258 = arith.constant 0 : i32
      %dma_wait3A_259 = tpu.memref_slice %arg6[%arg0, %mul3A_252, %dma_wait3A_258] : memref<2x10240x16xf32, #tpu.memory_space<hbm>> -> memref<1x640x16xf32, #tpu.memory_space<hbm>>
      %dma_wait3A_260 = tpu.memref_squeeze %dma_wait3A_259 : memref<1x640x16xf32, #tpu.memory_space<hbm>> -> memref<640x16xf32, #tpu.memory_space<hbm>>
      %dma_wait3A_261 = arith.constant 0 : i32
      %dma_wait3A_262 = tpu.memref_slice %arg11[%mul3A_250, %dma_wait3A_261] : memref<10240x16xf32, #tpu.memory_space<vmem_shared>> -> memref<640x16xf32, #tpu.memory_space<vmem_shared>>
      tpu.wait_dma2 semaphore(%run_scoped3A : memref<!tpu.dma_semaphore, #tpu.memory_space<semaphore_mem>>) src(%dma_wait3A_262 : memref<640x16xf32, #tpu.memory_space<vmem_shared>>) dst(%dma_wait3A_260 : memref<640x16xf32, #tpu.memory_space<hbm>>)
      tpu.yield
    }) : () -> ()
    return
  }
}

module attributes {stable_mosaic.version = 14 : i64} {
  func.func @body(%arg0: i32, %arg1: memref<2x1024x16xf32, #tpu.memory_space<vmem>>, %arg2: memref<1024x128xf32, #tpu.memory_space<vmem>>, %arg3: memref<1024x1xf32, #tpu.memory_space<vmem>>, %arg4: memref<4x1024x32xf32, #tpu.memory_space<vmem>>) attributes {dimension_semantics = [#tpu.dimension_semantics<arbitrary>], iteration_bounds = array<i64: 10>, scalar_prefetch = 0 : i64, scratch_operands = 0 : i64, tpu.core_type = #tpu.core_type<tc>, window_params = [{transform_indices = @transform_0, window_bounds = array<i64: 2, 1024, 16>}, {transform_indices = @transform_1, window_bounds = array<i64: 1024, 128>}, {transform_indices = @transform_2, window_bounds = array<i64: 1024, 1>}, {transform_indices = @transform_3, window_bounds = array<i64: 4, 1024, 32>}]} {
    %get3A = arith.constant 0 : index
    %get3A_0 = arith.constant 0 : index
    %get3A_1 = arith.constant 0 : index
    %get3A_2 = vector.load %arg1[%get3A, %get3A_0, %get3A_1] : memref<2x1024x16xf32, #tpu.memory_space<vmem>>, vector<1x1024x1xf32>
    %get3A_3 = vector.shape_cast %get3A_2 : vector<1x1024x1xf32> to vector<1024x1xf32>
    %get3A_4 = arith.constant 1 : index
    %get3A_5 = arith.constant 0 : index
    %get3A_6 = arith.constant 0 : index
    %get3A_7 = vector.load %arg1[%get3A_4, %get3A_5, %get3A_6] : memref<2x1024x16xf32, #tpu.memory_space<vmem>>, vector<1x1024x1xf32>
    %get3A_8 = vector.shape_cast %get3A_7 : vector<1x1024x1xf32> to vector<1024x1xf32>
    %add3A = arith.addf %get3A_3, %get3A_8 : vector<1024x1xf32>
    %add3A_9 = arith.constant 1.000000e+00 : f32
    %add3A_10 = vector.broadcast %add3A_9 : f32 to vector<1024x1xf32>
    %add3A_11 = arith.addf %add3A, %add3A_10 : vector<1024x1xf32>
    %rsqrt3A = math.rsqrt %add3A_11 : vector<1024x1xf32>
    %swap3A = arith.constant 0 : index
    %swap3A_12 = arith.constant 0 : index
    %swap3A_13 = vector.load %arg3[%swap3A, %swap3A_12] : memref<1024x1xf32, #tpu.memory_space<vmem>>, vector<1024x1xf32>
    tpu.vector_store %arg3[%swap3A, %swap3A_12], %rsqrt3A {strides = array<i32>} : memref<1024x1xf32, #tpu.memory_space<vmem>>, vector<1024x1xf32>,
    %get3A_14 = arith.constant 0 : index
    %get3A_15 = arith.constant 0 : index
    %get3A_16 = vector.load %arg2[%get3A_14, %get3A_15] : memref<1024x128xf32, #tpu.memory_space<vmem>>, vector<1024x32xf32>
    %mul3A = vector.broadcast %rsqrt3A : vector<1024x1xf32> to vector<1024x32xf32>
    %mul3A_17 = arith.mulf %get3A_16, %mul3A : vector<1024x32xf32>
    %swap3A_18 = arith.constant 0 : index
    %swap3A_19 = arith.constant 0 : index
    %swap3A_20 = arith.constant 0 : index
    %swap3A_21 = vector.load %arg4[%swap3A_18, %swap3A_19, %swap3A_20] : memref<4x1024x32xf32, #tpu.memory_space<vmem>>, vector<1x1024x32xf32>
    %swap3A_22 = vector.shape_cast %swap3A_21 : vector<1x1024x32xf32> to vector<1024x32xf32>
    %swap3A_23 = vector.shape_cast %mul3A_17 : vector<1024x32xf32> to vector<1x1024x32xf32>
    tpu.vector_store %arg4[%swap3A_18, %swap3A_19, %swap3A_20], %swap3A_23 {strides = array<i32>} : memref<4x1024x32xf32, #tpu.memory_space<vmem>>, vector<1x1024x32xf32>,
    %get3A_24 = arith.constant 0 : index
    %get3A_25 = arith.constant 32 : index
    %get3A_26 = vector.load %arg2[%get3A_24, %get3A_25] : memref<1024x128xf32, #tpu.memory_space<vmem>>, vector<1024x32xf32>
    %mul3A_27 = vector.broadcast %rsqrt3A : vector<1024x1xf32> to vector<1024x32xf32>
    %mul3A_28 = arith.mulf %get3A_26, %mul3A_27 : vector<1024x32xf32>
    %swap3A_29 = arith.constant 1 : index
    %swap3A_30 = arith.constant 0 : index
    %swap3A_31 = arith.constant 0 : index
    %swap3A_32 = vector.load %arg4[%swap3A_29, %swap3A_30, %swap3A_31] : memref<4x1024x32xf32, #tpu.memory_space<vmem>>, vector<1x1024x32xf32>
    %swap3A_33 = vector.shape_cast %swap3A_32 : vector<1x1024x32xf32> to vector<1024x32xf32>
    %swap3A_34 = vector.shape_cast %mul3A_28 : vector<1024x32xf32> to vector<1x1024x32xf32>
    tpu.vector_store %arg4[%swap3A_29, %swap3A_30, %swap3A_31], %swap3A_34 {strides = array<i32>} : memref<4x1024x32xf32, #tpu.memory_space<vmem>>, vector<1x1024x32xf32>,
    %get3A_35 = arith.constant 0 : index
    %get3A_36 = arith.constant 64 : index
    %get3A_37 = vector.load %arg2[%get3A_35, %get3A_36] : memref<1024x128xf32, #tpu.memory_space<vmem>>, vector<1024x32xf32>
    %mul3A_38 = vector.broadcast %rsqrt3A : vector<1024x1xf32> to vector<1024x32xf32>
    %mul3A_39 = arith.mulf %get3A_37, %mul3A_38 : vector<1024x32xf32>
    %swap3A_40 = arith.constant 2 : index
    %swap3A_41 = arith.constant 0 : index
    %swap3A_42 = arith.constant 0 : index
    %swap3A_43 = vector.load %arg4[%swap3A_40, %swap3A_41, %swap3A_42] : memref<4x1024x32xf32, #tpu.memory_space<vmem>>, vector<1x1024x32xf32>
    %swap3A_44 = vector.shape_cast %swap3A_43 : vector<1x1024x32xf32> to vector<1024x32xf32>
    %swap3A_45 = vector.shape_cast %mul3A_39 : vector<1024x32xf32> to vector<1x1024x32xf32>
    tpu.vector_store %arg4[%swap3A_40, %swap3A_41, %swap3A_42], %swap3A_45 {strides = array<i32>} : memref<4x1024x32xf32, #tpu.memory_space<vmem>>, vector<1x1024x32xf32>,
    %get3A_46 = arith.constant 0 : index
    %get3A_47 = arith.constant 96 : index
    %get3A_48 = vector.load %arg2[%get3A_46, %get3A_47] : memref<1024x128xf32, #tpu.memory_space<vmem>>, vector<1024x32xf32>
    %mul3A_49 = vector.broadcast %rsqrt3A : vector<1024x1xf32> to vector<1024x32xf32>
    %mul3A_50 = arith.mulf %get3A_48, %mul3A_49 : vector<1024x32xf32>
    %swap3A_51 = arith.constant 3 : index
    %swap3A_52 = arith.constant 0 : index
    %swap3A_53 = arith.constant 0 : index
    %swap3A_54 = vector.load %arg4[%swap3A_51, %swap3A_52, %swap3A_53] : memref<4x1024x32xf32, #tpu.memory_space<vmem>>, vector<1x1024x32xf32>
    %swap3A_55 = vector.shape_cast %swap3A_54 : vector<1x1024x32xf32> to vector<1024x32xf32>
    %swap3A_56 = vector.shape_cast %mul3A_50 : vector<1024x32xf32> to vector<1x1024x32xf32>
    tpu.vector_store %arg4[%swap3A_51, %swap3A_52, %swap3A_53], %swap3A_56 {strides = array<i32>} : memref<4x1024x32xf32, #tpu.memory_space<vmem>>, vector<1x1024x32xf32>,
    return
  }
  func.func @transform_0(%arg0: i32) -> (i32, i32, i32) {
    %c0_i32 = arith.constant 0 : i32
    %c0_i32_0 = arith.constant 0 : i32
    %c0_i32_1 = arith.constant 0 : i32
    return %c0_i32, %arg0, %c0_i32_0 : i32, i32, i32
  }
  func.func @transform_1(%arg0: i32) -> (i32, i32) {
    %c0_i32 = arith.constant 0 : i32
    %c0_i32_0 = arith.constant 0 : i32
    return %arg0, %c0_i32 : i32, i32
  }
  func.func @transform_2(%arg0: i32) -> (i32, i32) {
    %c0_i32 = arith.constant 0 : i32
    %c0_i32_0 = arith.constant 0 : i32
    return %arg0, %c0_i32 : i32, i32
  }
  func.func @transform_3(%arg0: i32) -> (i32, i32, i32) {
    %c0_i32 = arith.constant 0 : i32
    %c0_i32_0 = arith.constant 0 : i32
    %c0_i32_1 = arith.constant 0 : i32
    return %c0_i32, %arg0, %c0_i32_0 : i32, i32, i32
  }
}

module attributes {stable_mosaic.version = 14 : i64} {
  func.func @body(%arg0: i32, %arg1: memref<4x1024x32xf32, #tpu.memory_space<vmem>>, %arg2: memref<4x1024x32xf32, #tpu.memory_space<vmem>>, %arg3: memref<1024x1xf32, #tpu.memory_space<vmem>>, %arg4: memref<128x256xf32, #tpu.memory_space<vmem>>, %arg5: memref<1x256xf32, #tpu.memory_space<vmem>>, %arg6: memref<256x16xf32, #tpu.memory_space<vmem>>, %arg7: memref<1024x16xf32, #tpu.memory_space<vmem>>) attributes {dimension_semantics = [#tpu.dimension_semantics<arbitrary>], iteration_bounds = array<i64: 10>, scalar_prefetch = 0 : i64, scratch_operands = 0 : i64, tpu.core_type = #tpu.core_type<tc>, window_params = [{transform_indices = @transform_0, window_bounds = array<i64: 4, 1024, 32>}, {transform_indices = @transform_1, window_bounds = array<i64: 4, 1024, 32>}, {transform_indices = @transform_2, window_bounds = array<i64: 1024, 1>}, {pipeline_mode = #tpu.pipeline_mode<synchronous>, transform_indices = @transform_3, window_bounds = array<i64: 128, 256>}, {pipeline_mode = #tpu.pipeline_mode<synchronous>, transform_indices = @transform_4, window_bounds = array<i64: 1, 256>}, {pipeline_mode = #tpu.pipeline_mode<synchronous>, transform_indices = @transform_5, window_bounds = array<i64: 256, 16>}, {transform_indices = @transform_6, window_bounds = array<i64: 1024, 16>}]} {
    %get3A = arith.constant 0 : index
    %get3A_0 = arith.constant 0 : index
    %get3A_1 = vector.load %arg3[%get3A, %get3A_0] : memref<1024x1xf32, #tpu.memory_space<vmem>>, vector<1024x1xf32>
    %get3A_2 = arith.constant 0 : index
    %get3A_3 = arith.constant 0 : index
    %get3A_4 = arith.constant 0 : index
    %get3A_5 = vector.load %arg1[%get3A_2, %get3A_3, %get3A_4] : memref<4x1024x32xf32, #tpu.memory_space<vmem>>, vector<1x1024x32xf32>
    %get3A_6 = vector.shape_cast %get3A_5 : vector<1x1024x32xf32> to vector<1024x32xf32>
    %get3A_7 = arith.constant 0 : index
    %get3A_8 = arith.constant 0 : index
    %get3A_9 = arith.constant 0 : index
    %get3A_10 = vector.load %arg2[%get3A_7, %get3A_8, %get3A_9] : memref<4x1024x32xf32, #tpu.memory_space<vmem>>, vector<1x1024x32xf32>
    %get3A_11 = vector.shape_cast %get3A_10 : vector<1x1024x32xf32> to vector<1024x32xf32>
    %add3A = arith.addf %get3A_6, %get3A_11 : vector<1024x32xf32>
    %get3A_12 = arith.constant 1 : index
    %get3A_13 = arith.constant 0 : index
    %get3A_14 = arith.constant 0 : index
    %get3A_15 = vector.load %arg1[%get3A_12, %get3A_13, %get3A_14] : memref<4x1024x32xf32, #tpu.memory_space<vmem>>, vector<1x1024x32xf32>
    %get3A_16 = vector.shape_cast %get3A_15 : vector<1x1024x32xf32> to vector<1024x32xf32>
    %get3A_17 = arith.constant 1 : index
    %get3A_18 = arith.constant 0 : index
    %get3A_19 = arith.constant 0 : index
    %get3A_20 = vector.load %arg2[%get3A_17, %get3A_18, %get3A_19] : memref<4x1024x32xf32, #tpu.memory_space<vmem>>, vector<1x1024x32xf32>
    %get3A_21 = vector.shape_cast %get3A_20 : vector<1x1024x32xf32> to vector<1024x32xf32>
    %add3A_22 = arith.addf %get3A_16, %get3A_21 : vector<1024x32xf32>
    %get3A_23 = arith.constant 2 : index
    %get3A_24 = arith.constant 0 : index
    %get3A_25 = arith.constant 0 : index
    %get3A_26 = vector.load %arg1[%get3A_23, %get3A_24, %get3A_25] : memref<4x1024x32xf32, #tpu.memory_space<vmem>>, vector<1x1024x32xf32>
    %get3A_27 = vector.shape_cast %get3A_26 : vector<1x1024x32xf32> to vector<1024x32xf32>
    %get3A_28 = arith.constant 2 : index
    %get3A_29 = arith.constant 0 : index
    %get3A_30 = arith.constant 0 : index
    %get3A_31 = vector.load %arg2[%get3A_28, %get3A_29, %get3A_30] : memref<4x1024x32xf32, #tpu.memory_space<vmem>>, vector<1x1024x32xf32>
    %get3A_32 = vector.shape_cast %get3A_31 : vector<1x1024x32xf32> to vector<1024x32xf32>
    %add3A_33 = arith.addf %get3A_27, %get3A_32 : vector<1024x32xf32>
    %get3A_34 = arith.constant 3 : index
    %get3A_35 = arith.constant 0 : index
    %get3A_36 = arith.constant 0 : index
    %get3A_37 = vector.load %arg1[%get3A_34, %get3A_35, %get3A_36] : memref<4x1024x32xf32, #tpu.memory_space<vmem>>, vector<1x1024x32xf32>
    %get3A_38 = vector.shape_cast %get3A_37 : vector<1x1024x32xf32> to vector<1024x32xf32>
    %get3A_39 = arith.constant 3 : index
    %get3A_40 = arith.constant 0 : index
    %get3A_41 = arith.constant 0 : index
    %get3A_42 = vector.load %arg2[%get3A_39, %get3A_40, %get3A_41] : memref<4x1024x32xf32, #tpu.memory_space<vmem>>, vector<1x1024x32xf32>
    %get3A_43 = vector.shape_cast %get3A_42 : vector<1x1024x32xf32> to vector<1024x32xf32>
    %add3A_44 = arith.addf %get3A_38, %get3A_43 : vector<1024x32xf32>
    %concatenate3A = tpu.concatenate %add3A, %add3A_22, %add3A_33, %add3A_44 in 1 : vector<1024x32xf32>, vector<1024x32xf32>, vector<1024x32xf32>, vector<1024x32xf32> -> vector<1024x128xf32>
    %mul3A = vector.broadcast %get3A_1 : vector<1024x1xf32> to vector<1024x128xf32>
    %mul3A_45 = arith.mulf %concatenate3A, %mul3A : vector<1024x128xf32>
    %get3A_46 = arith.constant 0 : index
    %get3A_47 = arith.constant 0 : index
    %get3A_48 = vector.load %arg4[%get3A_46, %get3A_47] : memref<128x256xf32, #tpu.memory_space<vmem>>, vector<128x256xf32>
    %dot_general3A = arith.constant dense<0.000000e+00> : vector<1024x256xf32>
    %dot_general3A_49 = tpu.matmul %mul3A_45, %get3A_48, %dot_general3A {dimension_numbers = #tpu.dot_dimension_numbers<[1], [0], [0], [1], [0, 0, 1, 1], [], []>, transpose_lhs_hint = false} : vector<1024x128xf32>, vector<128x256xf32>, vector<1024x256xf32> -> vector<1024x256xf32>
    %get3A_50 = arith.constant 0 : index
    %get3A_51 = arith.constant 0 : index
    %get3A_52 = vector.load %arg5[%get3A_50, %get3A_51] : memref<1x256xf32, #tpu.memory_space<vmem>>, vector<1x256xf32>
    %add3A_53 = vector.broadcast %get3A_52 : vector<1x256xf32> to vector<1024x256xf32>
    %add3A_54 = arith.addf %dot_general3A_49, %add3A_53 : vector<1024x256xf32>
    %max3A = arith.constant 0.000000e+00 : f32
    %max3A_55 = vector.broadcast %max3A : f32 to vector<1024x256xf32>
    %max3A_56 = arith.maximumf %add3A_54, %max3A_55 : vector<1024x256xf32>
    %get3A_57 = arith.constant 0 : index
    %get3A_58 = arith.constant 0 : index
    %get3A_59 = vector.load %arg6[%get3A_57, %get3A_58] : memref<256x16xf32, #tpu.memory_space<vmem>>, vector<256x16xf32>
    %dot_general3A_60 = arith.constant dense<0.000000e+00> : vector<1024x16xf32>
    %dot_general3A_61 = tpu.matmul %max3A_56, %get3A_59, %dot_general3A_60 {dimension_numbers = #tpu.dot_dimension_numbers<[1], [0], [0], [1], [0, 0, 1, 1], [], []>, transpose_lhs_hint = false} : vector<1024x256xf32>, vector<256x16xf32>, vector<1024x16xf32> -> vector<1024x16xf32>
    %mul3A_62 = vector.broadcast %get3A_1 : vector<1024x1xf32> to vector<1024x16xf32>
    %mul3A_63 = arith.mulf %dot_general3A_61, %mul3A_62 : vector<1024x16xf32>
    %swap3A = arith.constant 0 : index
    %swap3A_64 = arith.constant 0 : index
    %swap3A_65 = vector.load %arg7[%swap3A, %swap3A_64] : memref<1024x16xf32, #tpu.memory_space<vmem>>, vector<1024x16xf32>
    tpu.vector_store %arg7[%swap3A, %swap3A_64], %mul3A_63 {strides = array<i32>} : memref<1024x16xf32, #tpu.memory_space<vmem>>, vector<1024x16xf32>,
    return
  }
  func.func @transform_0(%arg0: i32) -> (i32, i32, i32) {
    %c0_i32 = arith.constant 0 : i32
    %c0_i32_0 = arith.constant 0 : i32
    %c0_i32_1 = arith.constant 0 : i32
    return %c0_i32, %arg0, %c0_i32_0 : i32, i32, i32
  }
  func.func @transform_1(%arg0: i32) -> (i32, i32, i32) {
    %c0_i32 = arith.constant 0 : i32
    %c0_i32_0 = arith.constant 0 : i32
    %c0_i32_1 = arith.constant 0 : i32
    return %c0_i32, %arg0, %c0_i32_0 : i32, i32, i32
  }
  func.func @transform_2(%arg0: i32) -> (i32, i32) {
    %c0_i32 = arith.constant 0 : i32
    %c0_i32_0 = arith.constant 0 : i32
    return %arg0, %c0_i32 : i32, i32
  }
  func.func @transform_3(%arg0: i32) -> (i32, i32) {
    %c0_i32 = arith.constant 0 : i32
    %c0_i32_0 = arith.constant 0 : i32
    %c0_i32_1 = arith.constant 0 : i32
    return %c0_i32, %c0_i32_0 : i32, i32
  }
  func.func @transform_4(%arg0: i32) -> (i32, i32) {
    %c0_i32 = arith.constant 0 : i32
    %c0_i32_0 = arith.constant 0 : i32
    %c0_i32_1 = arith.constant 0 : i32
    return %c0_i32, %c0_i32_0 : i32, i32
  }
  func.func @transform_5(%arg0: i32) -> (i32, i32) {
    %c0_i32 = arith.constant 0 : i32
    %c0_i32_0 = arith.constant 0 : i32
    %c0_i32_1 = arith.constant 0 : i32
    return %c0_i32, %c0_i32_0 : i32, i32
  }
  func.func @transform_6(%arg0: i32) -> (i32, i32) {
    %c0_i32 = arith.constant 0 : i32
    %c0_i32_0 = arith.constant 0 : i32
    return %arg0, %c0_i32 : i32, i32
  }
}

module attributes {stable_mosaic.version = 14 : i64} {
  func.func @body(%arg0: i32, %arg1: memref<2x1024x16xf32, #tpu.memory_space<vmem>>, %arg2: memref<1024x16xf32, #tpu.memory_space<vmem>>, %arg3: memref<1024x1xf32, #tpu.memory_space<vmem>>, %arg4: memref<1x16xf32, #tpu.memory_space<vmem>>, %arg5: memref<1024x16xf32, #tpu.memory_space<vmem>>) attributes {dimension_semantics = [#tpu.dimension_semantics<arbitrary>], iteration_bounds = array<i64: 10>, scalar_prefetch = 0 : i64, scratch_operands = 0 : i64, tpu.core_type = #tpu.core_type<tc>, window_params = [{transform_indices = @transform_0, window_bounds = array<i64: 2, 1024, 16>}, {transform_indices = @transform_1, window_bounds = array<i64: 1024, 16>}, {transform_indices = @transform_2, window_bounds = array<i64: 1024, 1>}, {pipeline_mode = #tpu.pipeline_mode<synchronous>, transform_indices = @transform_3, window_bounds = array<i64: 1, 16>}, {transform_indices = @transform_4, window_bounds = array<i64: 1024, 16>}]} {
    %get3A = arith.constant 0 : index
    %get3A_0 = arith.constant 0 : index
    %get3A_1 = arith.constant 0 : index
    %get3A_2 = vector.load %arg1[%get3A, %get3A_0, %get3A_1] : memref<2x1024x16xf32, #tpu.memory_space<vmem>>, vector<1x1024x16xf32>
    %get3A_3 = vector.shape_cast %get3A_2 : vector<1x1024x16xf32> to vector<1024x16xf32>
    %get3A_4 = arith.constant 1 : index
    %get3A_5 = arith.constant 0 : index
    %get3A_6 = arith.constant 0 : index
    %get3A_7 = vector.load %arg1[%get3A_4, %get3A_5, %get3A_6] : memref<2x1024x16xf32, #tpu.memory_space<vmem>>, vector<1x1024x16xf32>
    %get3A_8 = vector.shape_cast %get3A_7 : vector<1x1024x16xf32> to vector<1024x16xf32>
    %add3A = arith.addf %get3A_3, %get3A_8 : vector<1024x16xf32>
    %get3A_9 = arith.constant 0 : index
    %get3A_10 = arith.constant 0 : index
    %get3A_11 = vector.load %arg2[%get3A_9, %get3A_10] : memref<1024x16xf32, #tpu.memory_space<vmem>>, vector<1024x16xf32>
    %add3A_12 = arith.addf %add3A, %get3A_11 : vector<1024x16xf32>
    %get3A_13 = arith.constant 0 : index
    %get3A_14 = arith.constant 0 : index
    %get3A_15 = vector.load %arg3[%get3A_13, %get3A_14] : memref<1024x1xf32, #tpu.memory_space<vmem>>, vector<1024x1xf32>
    %mul3A = vector.broadcast %get3A_15 : vector<1024x1xf32> to vector<1024x16xf32>
    %mul3A_16 = arith.mulf %add3A_12, %mul3A : vector<1024x16xf32>
    %get3A_17 = arith.constant 0 : index
    %get3A_18 = arith.constant 0 : index
    %get3A_19 = vector.load %arg4[%get3A_17, %get3A_18] : memref<1x16xf32, #tpu.memory_space<vmem>>, vector<1x16xf32>
    %add3A_20 = vector.broadcast %get3A_19 : vector<1x16xf32> to vector<1024x16xf32>
    %add3A_21 = arith.addf %mul3A_16, %add3A_20 : vector<1024x16xf32>
    %reduce_max3A = arith.constant dense<0xFF800000> : vector<1024xf32>
    %reduce_max3A_22 = vector.multi_reduction <maximumf>, %add3A_21, %reduce_max3A [1] : vector<1024x16xf32> to vector<1024xf32>
    %broadcast_in_dim3A = vector.shape_cast %reduce_max3A_22 : vector<1024xf32> to vector<1024x1xf32>
    %sub3A = vector.broadcast %broadcast_in_dim3A : vector<1024x1xf32> to vector<1024x16xf32>
    %sub3A_23 = arith.subf %add3A_21, %sub3A : vector<1024x16xf32>
    %exp3A = math.exp %sub3A_23 : vector<1024x16xf32>
    %reduce_sum3A = arith.constant dense<0.000000e+00> : vector<1024xf32>
    %reduce_sum3A_24 = vector.multi_reduction <add>, %exp3A, %reduce_sum3A [1] : vector<1024x16xf32> to vector<1024xf32>
    %broadcast_in_dim3A_25 = vector.shape_cast %reduce_sum3A_24 : vector<1024xf32> to vector<1024x1xf32>
    %log3A = math.log %broadcast_in_dim3A_25 : vector<1024x1xf32>
    %sub3A_26 = vector.broadcast %broadcast_in_dim3A : vector<1024x1xf32> to vector<1024x16xf32>
    %sub3A_27 = arith.subf %add3A_21, %sub3A_26 : vector<1024x16xf32>
    %sub3A_28 = vector.broadcast %log3A : vector<1024x1xf32> to vector<1024x16xf32>
    %sub3A_29 = arith.subf %sub3A_27, %sub3A_28 : vector<1024x16xf32>
    %swap3A = arith.constant 0 : index
    %swap3A_30 = arith.constant 0 : index
    %swap3A_31 = vector.load %arg5[%swap3A, %swap3A_30] : memref<1024x16xf32, #tpu.memory_space<vmem>>, vector<1024x16xf32>
    tpu.vector_store %arg5[%swap3A, %swap3A_30], %sub3A_29 {strides = array<i32>} : memref<1024x16xf32, #tpu.memory_space<vmem>>, vector<1024x16xf32>,
    return
  }
  func.func @transform_0(%arg0: i32) -> (i32, i32, i32) {
    %c0_i32 = arith.constant 0 : i32
    %c0_i32_0 = arith.constant 0 : i32
    %c0_i32_1 = arith.constant 0 : i32
    return %c0_i32, %arg0, %c0_i32_0 : i32, i32, i32
  }
  func.func @transform_1(%arg0: i32) -> (i32, i32) {
    %c0_i32 = arith.constant 0 : i32
    %c0_i32_0 = arith.constant 0 : i32
    return %arg0, %c0_i32 : i32, i32
  }
  func.func @transform_2(%arg0: i32) -> (i32, i32) {
    %c0_i32 = arith.constant 0 : i32
    %c0_i32_0 = arith.constant 0 : i32
    return %arg0, %c0_i32 : i32, i32
  }
  func.func @transform_3(%arg0: i32) -> (i32, i32) {
    %c0_i32 = arith.constant 0 : i32
    %c0_i32_0 = arith.constant 0 : i32
    %c0_i32_1 = arith.constant 0 : i32
    return %c0_i32, %c0_i32_0 : i32, i32
  }
  func.func @transform_4(%arg0: i32) -> (i32, i32) {
    %c0_i32 = arith.constant 0 : i32
    %c0_i32_0 = arith.constant 0 : i32
    return %arg0, %c0_i32 : i32, i32
  }
}

</mosaic_0001>

<sc_bundles>
// kernel: kernel.11.cloned.1.call-start
scs
__scs_entry_jumppad:
0x0: {  	(pc) =	sbr.rel $0x88, $3  }
0x1: {  	(tag) =	ssettag $0x0;
	lr =	simm.s32 $0x1  }
0x2: {  	[smem:$0x3F9B] =	sst lr;
	_ =	strace $0xD0000000  }
0x3: {  	_ = 	snop  }
0x4: {  	_ = 	snop  }
0x5: {  	_ = 	snop  }
0x6: {  	_ = 	snop  }
0x7: {  	_ = 	snop  }
__scs_overlays_trampoline_lowered:
0x8: {  	[smem:$0x3FAA] =	sst s0  }
0x9: {  	[smem:$0x3FAB] =	sst s1  }
0xa: {  	[smem:$0x3FAC] =	sst s2  }
0xb: {  	[smem:$0x3FAD] =	sst s3  }
0xc: {  	[smem:$0x3FAE] =	sst s4  }
0xd: {  	[smem:$0x3FAF] =	sst s5  }
0xe: {  	[smem:$0x3FB0] =	sst s6  }
0xf: {  	[smem:$0x3FB1] =	sst s7  }
0x10: {  	[smem:$0x3FB2] =	sst s8  }
0x11: {  	[smem:$0x3FB3] =	sst s9;
	s0 =	simm.s32 @!p0 $0x0  }
0x12: {  	s1 =	sld [smem:$0x3F99];
	s0 =	simm.s32 @p0 $0x1  }
0x13: {  	[smem:$0x3FB4] =	sst s0;
	s0 =	simm.s32 @!p1 $0x0  }
0x14: {  	s2 =	sld [smem:$0x3F98];
	s0 =	simm.s32 @p1 $0x1  }
0x15: {  	[smem:$0x3FB5] =	sst s0;
	s0 =	simm.s32 @!p2 $0x0  }
0x16: {  	s3 =	sld [smem:$0x3FDB];
	s0 =	simm.s32 @p2 $0x1  }
0x17: {  	s4 =	simm.s32 $0x1BF5;
	[smem:$0x3FB7] =	sst s0  }
0x18: {  	s0 =	sld [smem:$0x3F9A];
	_ =	swait.ge [sflag:s4], $0x0  }
0x19: {  	s7 =	sld [smem:$0x3F9B]  }
0x1a: {  	s8 =	sadd.s32 $0xFFFFE003, lr  }
0x1b: {  	s9 =	sadd.s32 $0xFFFFFEF7, lr;
	s5 =	simm.s32 $0xFFFFFFFF;
	p2 =	slt.u32 s8, $0xFFFFF086  }
0x1c: {  	p1 =	slt.u32 s9, $0xF7A;
	s5 =	simm.s32 @!p2 $0x0  }
0x1d: {  	s5 =	simm.s32 @p1 $0x1;
	p0 =	seq.s32 s7, s2  }
0x1e: {  	s7 =	smul.u32 @!p0 $0xF7A, s2;
	p2 =	seq.s32 @!p0 s5, $0x0  }
0x1f: {  	s9 =	smul.u32 $0xF7A, s1;
	s8 =	simm.s32 @!p0 $0x1BF5;
	p2 =	por !p2, p0  }
0x20: {  	[sflag:s8] =	ssyncset.s32 @!p0 $0xFFFFF086;
	s6 =	sadd.s32 @!p0 s3, s7;
	s7 =	simm.s32 @!p0 $0x108  }
0x21: {  	s3 =	sadd.s32 s3, s9;
	s6 =	sadd.s32 @!p0 $0x88, s6;
	s7 =	simm.s32 @p2 $0x1082  }
0x22: {  	[simem:s7], [sflag:s8] =	dma.local @!p0 [hbm:s6], $0xF7A  }
0x23: {  	s9 =	sor.u32 $0xD0000000, s2;
	s6 =	simm.s32 $0x108;
	_ =	swait.ge @!p0 [sflag:s8], $0x0  }
0x24: {  	s3 =	sadd.s32 $0x88, s3;
	s6 =	simm.s32 @!p1 $0x1082;
	[sflag:s4] =	ssyncset.s32 $0xFFFFF086  }
0x25: {  	[simem:s6], [sflag:s4] =	dma.local [hbm:s3], $0xF7A  }
0x26: {  	[smem:$0x3F9B] =	sst s1;
	(tag) =	ssettag s2;
	_ =	strace s9  }
0x27: {  	s1 =	sld [smem:$0x3FAB]  }
0x28: {  	s2 =	sld [smem:$0x3FAC]  }
0x29: {  	s4 =	sld [smem:$0x3FAE]  }
0x2a: {  	p0 =	seq.s32 s5, $0x0;
	s5 =	sld [smem:$0x3FAF]  }
0x2b: {  	s6 =	sld [smem:$0x3FB0]  }
0x2c: {  	s7 =	sld [smem:$0x3FB1]  }
0x2d: {  	s3 =	simm.s32 $0x108;
	s8 =	sld [smem:$0x3FB2]  }
0x2e: {  	s3 =	simm.s32 @!p0 $0x1082;
	s9 =	sld [smem:$0x3FB3]  }
0x2f: {  	lr =	sadd.s32 s0, s3;
	s0 =	sld [smem:$0x3FAA]  }
0x30: {  	s3 =	sld [smem:$0x3FAD]  }
0x31: {  	[smem:$0x3FB6] =	sst s10  }
0x32: {  	s10 =	sld [smem:$0x3FB4];
	_ =	sdelay $0x3  }
0x33: {  	p0 =	seq.s32 s10, $0x1;
	s10 =	sld [smem:$0x3FB6];
	_ =	sdelay $0x3  }
0x34: {  	[smem:$0x3FB6] =	sst s10  }
0x35: {  	s10 =	sld [smem:$0x3FB5];
	_ =	sdelay $0x3  }
0x36: {  	p1 =	seq.s32 s10, $0x1;
	s10 =	sld [smem:$0x3FB6];
	_ =	sdelay $0x3  }
0x37: {  	[smem:$0x3FB6] =	sst s10  }
0x38: {  	s10 =	sld [smem:$0x3FB7]  }
0x39: {  	_ = 	snop;
	(pc) =	sbr.ind lr, $3  }
0x3a: {  	_ = 	snop  }
0x3b: {  	_ = 	snop  }
0x3c: {  	p2 =	seq.s32 s10, $0x1;
	s10 =	sld [smem:$0x3FB6]  }
0x3d: {  	_ =	shalt  }
0x3e: {  	_ =	shalt  }
0x3f: {  	_ =	shalt  }
0x40: {  	_ =	shalt  }
0x41: {  	_ =	shalt  }
0x42: {  	_ =	shalt  }
0x43: {  	_ =	shalt  }
0x44: {  	_ =	shalt  }
0x45: {  	_ =	shalt  }
0x46: {  	_ =	shalt  }
0x47: {  	_ =	shalt  }
0x48: {  	_ =	shalt  }
0x49: {  	_ =	shalt  }
0x4a: {  	_ =	shalt  }
0x4b: {  	_ =	shalt  }
0x4c: {  	_ =	shalt  }
0x4d: {  	_ =	shalt  }
0x4e: {  	_ =	shalt  }
0x4f: {  	_ =	shalt  }
0x50: {  	_ =	shalt  }
0x51: {  	_ =	shalt  }
0x52: {  	_ =	shalt  }
0x53: {  	_ =	shalt  }
0x54: {  	_ =	shalt  }
0x55: {  	_ =	shalt  }
0x56: {  	_ =	shalt  }
0x57: {  	_ =	shalt  }
0x58: {  	_ =	shalt  }
0x59: {  	_ =	shalt  }
0x5a: {  	_ =	shalt  }
0x5b: {  	_ =	shalt  }
0x5c: {  	_ =	shalt  }
0x5d: {  	_ =	shalt  }
0x5e: {  	_ =	shalt  }
0x5f: {  	_ =	shalt  }
0x60: {  	_ =	shalt  }
0x61: {  	_ =	shalt  }
0x62: {  	_ =	shalt  }
0x63: {  	_ =	shalt  }
0x64: {  	_ =	shalt  }
0x65: {  	_ =	shalt  }
0x66: {  	_ =	shalt  }
0x67: {  	_ =	shalt  }
0x68: {  	_ =	shalt  }
0x69: {  	_ =	shalt  }
0x6a: {  	_ =	shalt  }
0x6b: {  	_ =	shalt  }
0x6c: {  	_ =	shalt  }
0x6d: {  	_ =	shalt  }
0x6e: {  	_ =	shalt  }
0x6f: {  	_ =	shalt  }
0x70: {  	_ =	shalt  }
0x71: {  	_ =	shalt  }
0x72: {  	_ =	shalt  }
0x73: {  	_ =	shalt  }
0x74: {  	_ =	shalt  }
0x75: {  	_ =	shalt  }
0x76: {  	_ =	shalt  }
0x77: {  	_ =	shalt  }
0x78: {  	_ =	shalt  }
0x79: {  	_ =	shalt  }
0x7a: {  	_ =	shalt  }
0x7b: {  	_ =	shalt  }
0x7c: {  	_ =	shalt  }
0x7d: {  	_ =	shalt  }
0x7e: {  	_ =	shalt  }
0x7f: {  	_ =	shalt  }
0x80: {  	_ =	shalt  }
0x81: {  	_ =	shalt  }
0x82: {  	_ =	shalt  }
0x83: {  	_ =	shalt  }
0x84: {  	_ =	shalt  }
0x85: {  	_ =	shalt  }
0x86: {  	_ =	shalt  }
0x87: {  	_ =	shalt  }
.Lfunc_end0:
.L_simem_size_0:
called_computation.1_lowered:
.L_overlay_start_0:
0x88: {  	s2 =	sld [smem:$0x3FD9]  }
0x89: {  	s3 =	sld [smem:$0x3FFE];
	_ =	sdelay $0x1  }
0x8a: {  	s1 =	srdreg.scid  }
0x8b: {  	s0 =	sand.u32 $0x1, s1  }
0x8c: {  	s16 =	sshll.u32 s0, $0xA;
	s2 =	sadd.s32 s3, s2  }
0x8d: {  	s2 =	sadd.s32 s2, s16  }
0x8e: {  	[smem:$0x3FC2] =	sst s2  }
0x8f: {  	_ = 	snop  }
0x90: {  	(tm) =	ssettm $0x1  }
0x91: {  	s17 =	sld [smem:$0x3FFB];
	_ =	sdelay $0x3  }
0x92: {  	_ =	strace s17  }
0x93: {  	s2 =	sld [smem:$0x3FFC];
	_ =	sdelay $0x3  }
0x94: {  	_ =	strace s2  }
0x95: {  	s2 =	sld [smem:$0x3FFD];
	_ =	sdelay $0x3  }
0x96: {  	_ =	strace s2  }
0x97: {  	_ =	strace $0x8FFFFFFF  }
0x98: {  	s18 =	sld [smem:$0x3FDB];
	_ =	sdelay $0x1  }
0x99: {  	s19 =	simm.s32 $_scs_section_size  }
0x9a: {  	s4 =	simm.s32 $_size__tile_overlayer_lowered;
	s5 =	simm.s32 $_tile_overlayer_lowered  }
0x9b: {  	s22 =	simm.s32 $0x1BFF;
	s21 =	sshll.u32 s5, $0x1;
	s2 =	sadd.s32 s19, s18  }
0x9c: {  	s6 =	simm.s32 $0x0;
	s20 =	sshll.u32 s4, $0x1;
	s4 =	sadd.s32 s21, s2  }
0x9d: {  	[timem:s6], [sflag:s22] =	dma.local [hbm:s4], s20  }
0x9e: {  	_ =	swait.ge [sflag:s22], s20  }
0x9f: {  	s3 =	ssub.s32 $0x0, s20;
	[sflag:s22] =	ssyncset.done $0x0  }
0xa0: {  	[sflag:s22] =	ssyncadd.s32 s3;
	_ =	sdelay $0x1  }
0xa1: {  	s23 =	simm.s32 $0x1B8B  }
0xa2: {  	_ =	swait.ge [sflag:s23], $0x1  }
0xa3: {  	[sflag:s23] =	ssyncset.done $0x0  }
0xa4: {  	s25 =	simm.s32 $0x1B8E;
	s24 =	sld [smem:$0x3FFE];
	[sflag:s23] =	ssyncadd.s32 $0xFFFFFFFF  }
0xa5: {  	s26 =	simm.s32 $execute0_lowered;
	[smem:$0x3FD2] =	sst s25  }
0xa6: {  	s4 =	sshll.u32 s26, $0x1;
	_ =	strace $0x80000049;
	[dreg:$0x1] =	wrdreg $0xFFFFFFFF  }
0xa7: {  	s28 =	simm.s32 $_size_execute0_lowered;
	s2 =	sadd.s32 s2, s4;
	[dreg:$0x0] =	wrdreg $0x0  }
0xa8: {  	s4 =	sshll.u32 s28, $0x1;
	[dreg:$0x2] =	wrdreg s2  }
0xa9: {  	[dreg:$0x3] =	wrdreg s4  }
0xaa: {  	[dreg:$0x4] =	wrdreg $0xC0  }
0xab: {  	_ =	task [dreg:s6], $0x5FFFF  }
0xac: {  	[dreg:$0x1] =	wrdreg $0xFFFFFFFF  }
0xad: {  	[dreg:$0x0] =	wrdreg $0x60  }
0xae: {  	[dreg:$0x2] =	wrdreg s24  }
0xaf: {  	[dreg:$0x3] =	wrdreg $0x190000  }
0xb0: {  	[dreg:$0x4] =	wrdreg $0x140000  }
0xb1: {  	[dreg:$0x5] =	wrdreg $0x9  }
0xb2: {  	_ =	task.clear_ibuf [dreg:s6], $0x6FFFF;
	_ =	strace $0x90000049  }
0xb3: {  	s29 =	simm.s32 $0x9;
	_ =	strace $0x8000004B  }
0xb4: {  	_ =	swait.ge [sflag:s29], $0x1  }
0xb5: {  	[sflag:s29] =	ssyncadd.s32 $0xFFFFFFFF  }
0xb6: {  	_ =	strace $0x9000004B  }
0xb7: {  	_ =	sfence  }
0xb8: {  	s30 =	sld [smem:$0x0];
	_ =	sdelay $0x2  }
0xb9: {  	s31 =	sshll.u32 s1, $0xD;
	s1 =	sshrl.u32 s1, $0x2  }
0xba: {  	s3 =	sand.u32 $0x4000, s31;
	s1 =	sadd.s32 s1, s30  }
0xbb: {  	s0 =	sor.u32 s3, s0;
	s1 =	sshll.u32 s1, $0x11  }
0xbc: {  	s0 =	sor.u32 s1, s0  }
0xbd: {  	s0 =	sadd.s32 $0x8F2B, s0  }
0xbe: {  	[sflag:s0] =	ssyncadd.remote.s32 $0x1  }
0xbf: {  	_ =	sfence.sel $0xFFFF  }
0xc0: {  	[dreg:$0x0] =	wrdreg $0xFFFFFFFF;
	(pc) =	sbr.abs _section_cstart, $3  }
0xc1: {  	[dreg:$0x1] =	wrdreg $0xFFFFFFFF  }
0xc2: {  	_ =	task.clear_ibuf [dreg:s6], $0x2FFFF;
	_ =	strace $0x9FFFFFFF  }
0xc3: {  	(tm) =	ssettm $0x7FFFFFFF  }
tec
execute0_lowered:
.L_overlay_start_1:
0x0: {  	(tag) =	ssettag $0x1  }
0x1: {  	s0 =	rddreg [dreg:$0x0]  }
0x2: {  	s2 =	rddreg [dreg:$0x1]  }
0x3: {  	s3 =	rddreg [dreg:$0x2];
	s4 =	simm.s32 $0x0  }
0x4: {  	s11 =	stileid.u32;
	s6 =	srdreg.scid;
	s13 =	simm.s32 $0x3  }
0x5: {  	s18 =	simm.s32 $0x80;
	s28 =	simm.s32 $0x280;
	s29 =	simm.s32 $0xF000  }
0x6: {  	s30 =	simm.s32 $0x300;
	s31 =	simm.s32 $0x10000;
	s1 =	smul.u32 $0xA00, s11  }
0x7: {  	s14 =	simm.s32 $0x1;
	[smem:$0x7FF] =	sst s4;
	s5 =	smul.u32 $0x5000, s11  }
0x8: {  	s8 =	sadd.s32 $0xC4600, s0;
	s6 =	sand.u32 $0x1, s6;
	s26 =	sshll.u32 s11, $0x6  }
0x9: {  	_ =	strace $0x8000004A;
	s9 =	ssub.s32 $0x2, s6;
	s6 =	smul.u32 $0x50000, s6  }
0xa: {  	s15 =	sor.u32 $0x1C03, s26;
	s26 =	simm.s32 $0xE000;
	s1 =	sadd.s32 s1, s0  }
0xb: {  	s7 =	sshrl.u32 s5, $0x3;
	s10 =	sshrl.u32 s9, $0x1;
	s22 =	sadd.s32 s5, s2  }
0xc: {  	s7 =	sadd.s32 s7, s0;
	s0 =	sadd.s32 $0xEC600, s0;
	s9 =	ssub.s32 s9, s10  }
0xd: {  	s21 =	sadd.s32 $0x1A600, s1;
	s1 =	sadd.s32 $0x1600, s1;
	s6 =	sadd.s32 s5, s6  }
0xe: {  	s5 =	sadd.s32 s5, s3;
	s16 =	sshrl.u32 s22, $0x3;
	[dreg:$0x4] =	wrdreg s21  }
0xf: {  	s22 =	simm.s32 $0xC000;
	[dreg:$0x5] =	wrdreg s1;
	s7 =	sadd.s32 $0x10600, s7  }
0x10: {  	s6 =	sshrl.u32 s6, $0x3;
	s25 =	smax.u32 s9, $0x1;
	s17 =	sshrl.u32 s5, $0x3  }
0x11: {  	s1 =	simm.s32 $0x11000;
	s5 =	simm.s32 $0x2;
	s23 =	sadd.s32 s8, s6  }
.Ltmp0:
0x12: {  	s24 =	sadd.s32 s0, s6;
	[dreg:$0xa] =	wrdreg s25;
	(pc) =	sbr.rel .LBB2_1-.Ltmp0, $4  }
0x13: {  	s6 =	sadd.s32 $0x14000, s6;
	s25 =	simm.s32 $0x200;
	[dreg:$0x6] =	wrdreg s23  }
0x14: {  	[dreg:$0x7] =	wrdreg s24;
	s8 =	sadd.s32 s8, s6;
	s0 =	sadd.s32 s0, s6  }
0x15: {  	s23 =	simm.s32 $0x180;
	s24 =	simm.s32 $0xD000;
	[dreg:$0x8] =	wrdreg s8  }
0x16: {  	s6 =	simm.s32 $0x0;
	[dreg:$0x9] =	wrdreg s0;
	s0 =	simm.s32 $0x380  }
.LBB2_13:
0x17: {  	_ =	swait.ge [sflag:s5], $0x1000  }
0x18: {  	[sflag:s5] =	ssyncset.done $0x0  }
0x19: {  	[sflag:s5] =	ssyncadd.s32 $0xFFFFF000  }
0x1a: {  	_ =	swait.ge [sflag:s5], $0x1000  }
0x1b: {  	[sflag:s5] =	ssyncset.done $0x0  }
0x1c: {  	[sflag:s5] =	ssyncadd.s32 $0xFFFFF000  }
0x1d: {  	_ =	swait.ge [sflag:s5], $0x1000  }
0x1e: {  	[sflag:s5] =	ssyncset.done $0x0  }
0x1f: {  	[sflag:s5] =	ssyncadd.s32 $0xFFFFF000  }
0x20: {  	_ =	swait.ge [sflag:s5], $0x1000  }
0x21: {  	[sflag:s5] =	ssyncset.done $0x0  }
0x22: {  	[sflag:s5] =	ssyncadd.s32 $0xFFFFF000  }
0x23: {  	_ =	swait.ge [sflag:s5], $0x1000  }
0x24: {  	[sflag:s5] =	ssyncset.done $0x0  }
0x25: {  	[sflag:s5] =	ssyncadd.s32 $0xFFFFF000  }
0x26: {  	_ =	swait.ge [sflag:s5], $0x1000  }
0x27: {  	[sflag:s5] =	ssyncset.done $0x0  }
0x28: {  	[sflag:s5] =	ssyncadd.s32 $0xFFFFF000  }
0x29: {  	_ =	swait.ge [sflag:s5], $0x1000  }
0x2a: {  	[sflag:s5] =	ssyncset.done $0x0  }
0x2b: {  	[sflag:s5] =	ssyncadd.s32 $0xFFFFF000  }
0x2c: {  	_ =	swait.ge [sflag:s5], $0x1000  }
0x2d: {  	[sflag:s5] =	ssyncset.done $0x0  }
0x2e: {  	[sflag:s5] =	ssyncadd.s32 $0xFFFFF000  }
0x2f: {  	_ =	swait.ge [sflag:s5], $0x1000  }
0x30: {  	[sflag:s5] =	ssyncset.done $0x0  }
0x31: {  	[sflag:s5] =	ssyncadd.s32 $0xFFFFF000  }
0x32: {  	_ =	swait.ge [sflag:s5], $0x1000  }
0x33: {  	[sflag:s5] =	ssyncset.done $0x0  }
0x34: {  	[sflag:s5] =	ssyncadd.s32 $0xFFFFF000  }
0x35: {  	[bflag:$0x0] =	sbarrier.arrive $0xFFFF  }
0x36: {  	s8 =	rddreg [dreg:$0x9]  }
0x37: {  	[hbm:s8], [sflag:s15] =	dma.local [spmem:s16], $0xA00  }
0x38: {  	_ =	swait.ge [sflag:s13], $0xA00  }
0x39: {  	s6 =	sadd.s32 $0x1, s6;
	s21 =	rddreg [dreg:$0xa]  }
0x3a: {  	p0 =	sne.s32 s6, s21  }
.Ltmp1:
0x3b: {  	_ = 	snop;
	(pc) =	sbr.rel @!p0 .LBB2_14-.Ltmp1, $3  }
0x3c: {  	_ =	sdelay $0x1  }
0x3d: {  	[sflag:s13] =	ssyncset.done $0x0  }
0x3e: {  	[sflag:s13] =	ssyncadd.s32 $0xFFFFF600  }
.LBB2_1:
0x3f: {  	s8 =	rddreg [dreg:$0x4]  }
0x40: {  	[tilespmem:s4], [sflag:$0x3] =	stream.linear.gather [hbm4b:s8+s4], $0x5000, $0x38;
	[tilespmem:$0x1E000] =	vst v63  }
0x41: {  	_ =	swait.ge [sflag:s13], $0x5000  }
0x42: {  	[sflag:s13] =	ssyncset.done $0x0  }
0x43: {  	s9 =	simm.s32 $0x5000;
	s11 =	rddreg [dreg:$0x5];
	[sflag:s13] =	ssyncadd.s32 $0xFFFFB000  }
0x44: {  	[tilespmem:s9], [sflag:$0x3] =	stream.linear.gather [hbm4b:s11+s4], $0x5000, $0x38;
	[tilespmem:$0x1E000] =	vst v63  }
0x45: {  	_ =	swait.ge [sflag:s13], $0x5000  }
0x46: {  	[sflag:s13] =	ssyncset.done $0x0  }
0x47: {  	[sflag:s13] =	ssyncadd.s32 $0xFFFFB000  }
0x48: {  	[spmem:s16], [sflag:s15] =	dma.local [hbm:s7], $0xA00  }
0x49: {  	_ =	swait.ge [sflag:s13], $0xA00  }
0x4a: {  	[sflag:s13] =	ssyncset.done $0x0  }
0x4b: {  	s12 =	rddreg [dreg:$0x6];
	[sflag:s13] =	ssyncadd.s32 $0xFFFFF600  }
0x4c: {  	[spmem:s17], [sflag:s15] =	dma.local [hbm:s12], $0xA00  }
0x4d: {  	_ =	swait.ge [sflag:s13], $0xA00  }
0x4e: {  	[sflag:s13] =	ssyncset.done $0x0  }
0x4f: {  	[sflag:s13] =	ssyncadd.s32 $0xFFFFF600  }
0x50: {  	s19 =	simm.s32 $0xA000;
	[bflag:$0x0] =	sbarrier.arrive $0xFFFF  }
0x51: {  	[tilespmem:s19], [sflag:$0x1] =	stream.indirect.gather [spmem:s3], $0x20, s4, s18, $0xb8;
	[tilespmem:$0x1E000] =	vst v63  }
0x52: {  	s20 =	simm.s32 $0xB000  }
0x53: {  	[tilespmem:s20], [sflag:$0x1] =	stream.indirect.gather [spmem:s3], $0x20, s18, s18, $0xb8;
	[tilespmem:$0x1E000] =	vst v63  }
0x54: {  	s21 =	simm.s32 $0x100  }
0x55: {  	[tilespmem:s22], [sflag:$0x1] =	stream.indirect.gather [spmem:s3], $0x20, s21, s18, $0xb8;
	[tilespmem:$0x1E000] =	vst v63  }
0x56: {  	_ = 	snop  }
0x57: {  	[tilespmem:s24], [sflag:$0x1] =	stream.indirect.gather [spmem:s3], $0x20, s23, s18, $0xb8;
	[tilespmem:$0x1E000] =	vst v63  }
0x58: {  	_ = 	snop  }
0x59: {  	[tilespmem:s26], [sflag:$0x1] =	stream.indirect.gather [spmem:s3], $0x20, s25, s18, $0xb8;
	[tilespmem:$0x1E000] =	vst v63  }
0x5a: {  	_ = 	snop  }
0x5b: {  	[tilespmem:s29], [sflag:$0x1] =	stream.indirect.gather [spmem:s3], $0x20, s28, s18, $0xb8;
	[tilespmem:$0x1E000] =	vst v63  }
.Ltmp2:
0x5c: {  	_ = 	snop;
	(pc) =	sbr.rel .LBB2_2-.Ltmp2, $4  }
0x5d: {  	_ = 	snop  }
0x5e: {  	[tilespmem:s31], [sflag:$0x1] =	stream.indirect.gather [spmem:s3], $0x20, s30, s18, $0xb8;
	[tilespmem:$0x1E000] =	vst v63  }
0x5f: {  	s8 =	simm.s32 $0x0;
	s9 =	simm.s32 $0xFFFFFFFF  }
0x60: {  	[tilespmem:s1], [sflag:$0x1] =	stream.indirect.gather [spmem:s3], $0x20, s0, s18, $0xb8;
	[tilespmem:$0x1E000] =	vst v63  }
.LBB2_3:
0x61: {  	_ =	swait.ge [sflag:s5], $0x1000  }
0x62: {  	[sflag:s5] =	ssyncset.done $0x0  }
0x63: {  	[sflag:s5] =	ssyncadd.s32 $0xFFFFF000  }
0x64: {  	_ =	swait.ge [sflag:s5], $0x1000  }
0x65: {  	[sflag:s5] =	ssyncset.done $0x0  }
0x66: {  	[sflag:s5] =	ssyncadd.s32 $0xFFFFF000  }
.LBB2_5:
0x67: {  	s11 =	sadd.s32 $0x401, s11  }
0x68: {  	s11 =	sshrl.u32 s11, $0xA  }
0x69: {  	s11 =	sand.u32 $0x3F, s11  }
0x6a: {  	s11 =	smul.u32 $0x5, s11;
	_ =	sdelay $0x1  }
0x6b: {  	s9 =	ssub.s32 s9, s11  }
0x6c: {  	s9 =	sadd.s32 $0x5, s9  }
0x6d: {  	s9 =	sand.u32 $0xFF, s9  }
0x6e: {  	s9 =	sshll.u32 s9, $0xD  }
0x6f: {  	s19 =	sadd.s32 $0x400, s12;
	s20 =	sadd.s32 $0xA000, s9  }
0x70: {  	[tilespmem:s20], [sflag:$0x1] =	stream.indirect.gather [spmem:s3], $0x20, s19, s18, $0xb8;
	[tilespmem:$0x1E000] =	vst v63  }
0x71: {  	s21 =	sadd.s32 $0x480, s12;
	s9 =	sadd.s32 $0xB000, s9  }
0x72: {  	[tilespmem:s9], [sflag:$0x1] =	stream.indirect.gather [spmem:s3], $0x20, s21, s18, $0xb8;
	[tilespmem:$0x1E000] =	vst v63  }
.LBB2_6:
0x73: {  	s8 =	sadd.s32 $0x400, s8  }
0x74: {  	p0 =	sne.s32 s8, $0x14000  }
.Ltmp3:
0x75: {  	_ = 	snop;
	(pc) =	sbr.rel @!p0 .LBB2_7-.Ltmp3, $2  }
0x76: {  	_ =	sdelay $0x2  }
0x77: {  	s9 =	smov.u32 s10  }
.LBB2_2:
0x78: {  	s11 =	smul.u32 $0xCD, s9;
	_ =	sdelay $0x1  }
0x79: {  	s10 =	sadd.s32 $0xCD, s11  }
0x7a: {  	s10 =	sshrl.u32 s10, $0xA  }
0x7b: {  	_ =	swait.ge [sflag:s14], $0x1000;
	s10 =	sand.u32 $0x3F, s10  }
0x7c: {  	[sflag:s14] =	ssyncset.done $0x0;
	s12 =	smul.u32 $0x5, s10  }
0x7d: {  	[sflag:s14] =	ssyncadd.s32 $0xFFFFF000;
	s10 =	sadd.s32 $0x1, s9  }
0x7e: {  	_ =	swait.ge [sflag:s14], $0x1000;
	s12 =	ssub.s32 s10, s12  }
0x7f: {  	p0 =	sgt.u32 s9, $0x4A;
	[sflag:s14] =	ssyncset.done $0x0;
	s12 =	sand.u32 $0xFF, s12  }
.Ltmp4:
0x80: {  	s19 =	sshll.u32 s12, $0xD;
	s12 =	sshra.s32 s8, $0x2;
	(pc) =	sbr.rel @!p0 .LBB2_3-.Ltmp4, $4  }
0x81: {  	[sflag:s14] =	ssyncadd.s32 $0xFFFFF000;
	s20 =	sadd.s32 $0xA000, s19;
	s21 =	sadd.s32 $0x5000, s12  }
0x82: {  	[spmem:s2] =	stream.indirect.scatter.add.f32 [tilespmem:s20], [sflag:$0x2], $0x20, s21, s18, $0xb8;
	[tilespmem:$0x1E000] =	vst v63  }
0x83: {  	s19 =	sadd.s32 $0xB000, s19;
	s21 =	sadd.s32 $0x5080, s12  }
0x84: {  	[spmem:s2] =	stream.indirect.scatter.add.f32 [tilespmem:s19], [sflag:$0x2], $0x20, s21, s18, $0xb8;
	[tilespmem:$0x1E000] =	vst v63  }
0x85: {  	p0 =	sgt.u32 s10, $0x4B  }
.Ltmp5:
0x86: {  	_ = 	snop;
	(pc) =	sbr.rel @p0 .LBB2_6-.Ltmp5, $4  }
.Ltmp6:
0x87: {  	_ = 	snop;
	(pc) =	sbr.rel @!p0 .LBB2_5-.Ltmp6, $4  }
0x88: {  	_ = 	snop  }
0x89: {  	_ = 	snop  }
0x8a: {  	_ = 	snop  }
0x8b: {  	_ = 	snop  }
.LBB2_7:
0x8c: {  	_ =	swait.ge [sflag:s5], $0x1000  }
0x8d: {  	[sflag:s5] =	ssyncset.done $0x0  }
0x8e: {  	[sflag:s5] =	ssyncadd.s32 $0xFFFFF000  }
0x8f: {  	_ =	swait.ge [sflag:s5], $0x1000  }
0x90: {  	[sflag:s5] =	ssyncset.done $0x0  }
0x91: {  	[sflag:s5] =	ssyncadd.s32 $0xFFFFF000  }
0x92: {  	_ =	swait.ge [sflag:s5], $0x1000  }
0x93: {  	[sflag:s5] =	ssyncset.done $0x0  }
0x94: {  	[sflag:s5] =	ssyncadd.s32 $0xFFFFF000  }
0x95: {  	_ =	swait.ge [sflag:s5], $0x1000  }
0x96: {  	[sflag:s5] =	ssyncset.done $0x0  }
0x97: {  	[sflag:s5] =	ssyncadd.s32 $0xFFFFF000  }
0x98: {  	_ =	swait.ge [sflag:s5], $0x1000  }
0x99: {  	[sflag:s5] =	ssyncset.done $0x0  }
0x9a: {  	[sflag:s5] =	ssyncadd.s32 $0xFFFFF000  }
0x9b: {  	_ =	swait.ge [sflag:s5], $0x1000  }
0x9c: {  	[sflag:s5] =	ssyncset.done $0x0  }
0x9d: {  	[sflag:s5] =	ssyncadd.s32 $0xFFFFF000  }
0x9e: {  	_ =	swait.ge [sflag:s5], $0x1000  }
0x9f: {  	[sflag:s5] =	ssyncset.done $0x0  }
0xa0: {  	[sflag:s5] =	ssyncadd.s32 $0xFFFFF000  }
0xa1: {  	_ =	swait.ge [sflag:s5], $0x1000  }
0xa2: {  	[sflag:s5] =	ssyncset.done $0x0  }
0xa3: {  	[sflag:s5] =	ssyncadd.s32 $0xFFFFF000  }
0xa4: {  	_ =	swait.ge [sflag:s5], $0x1000  }
0xa5: {  	[sflag:s5] =	ssyncset.done $0x0  }
0xa6: {  	[sflag:s5] =	ssyncadd.s32 $0xFFFFF000  }
0xa7: {  	_ =	swait.ge [sflag:s5], $0x1000  }
0xa8: {  	[sflag:s5] =	ssyncset.done $0x0  }
0xa9: {  	[sflag:s5] =	ssyncadd.s32 $0xFFFFF000  }
0xaa: {  	[bflag:$0x0] =	sbarrier.arrive $0xFFFF  }
0xab: {  	s8 =	rddreg [dreg:$0x7]  }
0xac: {  	[hbm:s8], [sflag:s15] =	dma.local [spmem:s16], $0xA00  }
0xad: {  	_ =	swait.ge [sflag:s13], $0xA00  }
0xae: {  	[sflag:s13] =	ssyncset.done $0x0  }
0xaf: {  	[sflag:s13] =	ssyncadd.s32 $0xFFFFF600  }
0xb0: {  	[spmem:s16], [sflag:s15] =	dma.local [hbm:s7], $0xA00  }
0xb1: {  	_ =	swait.ge [sflag:s13], $0xA00  }
0xb2: {  	[sflag:s13] =	ssyncset.done $0x0  }
0xb3: {  	s19 =	rddreg [dreg:$0x8];
	[sflag:s13] =	ssyncadd.s32 $0xFFFFF600  }
0xb4: {  	[spmem:s17], [sflag:s15] =	dma.local [hbm:s19], $0xA00  }
0xb5: {  	_ =	swait.ge [sflag:s13], $0xA00  }
0xb6: {  	[sflag:s13] =	ssyncset.done $0x0  }
0xb7: {  	[sflag:s13] =	ssyncadd.s32 $0xFFFFF600  }
0xb8: {  	s9 =	simm.s32 $0xA000;
	s8 =	simm.s32 $0x0;
	[bflag:$0x0] =	sbarrier.arrive $0xFFFF  }
0xb9: {  	[tilespmem:s9], [sflag:$0x1] =	stream.indirect.gather [spmem:s3], $0x20, s8, s18, $0xb8;
	[tilespmem:$0x1E000] =	vst v63  }
0xba: {  	s20 =	simm.s32 $0xB000  }
0xbb: {  	[tilespmem:s20], [sflag:$0x1] =	stream.indirect.gather [spmem:s3], $0x20, s18, s18, $0xb8;
	[tilespmem:$0x1E000] =	vst v63  }
0xbc: {  	s21 =	simm.s32 $0x100  }
0xbd: {  	[tilespmem:s22], [sflag:$0x1] =	stream.indirect.gather [spmem:s3], $0x20, s21, s18, $0xb8;
	[tilespmem:$0x1E000] =	vst v63  }
0xbe: {  	_ = 	snop  }
0xbf: {  	[tilespmem:s24], [sflag:$0x1] =	stream.indirect.gather [spmem:s3], $0x20, s23, s18, $0xb8;
	[tilespmem:$0x1E000] =	vst v63  }
0xc0: {  	_ = 	snop  }
0xc1: {  	[tilespmem:s26], [sflag:$0x1] =	stream.indirect.gather [spmem:s3], $0x20, s25, s18, $0xb8;
	[tilespmem:$0x1E000] =	vst v63  }
0xc2: {  	_ = 	snop  }
0xc3: {  	[tilespmem:s29], [sflag:$0x1] =	stream.indirect.gather [spmem:s3], $0x20, s28, s18, $0xb8;
	[tilespmem:$0x1E000] =	vst v63  }
.Ltmp7:
0xc4: {  	_ = 	snop;
	(pc) =	sbr.rel .LBB2_8-.Ltmp7, $4  }
0xc5: {  	_ = 	snop  }
0xc6: {  	[tilespmem:s31], [sflag:$0x1] =	stream.indirect.gather [spmem:s3], $0x20, s30, s18, $0xb8;
	[tilespmem:$0x1E000] =	vst v63  }
0xc7: {  	s10 =	simm.s32 $0xFFFFFFFF  }
0xc8: {  	[tilespmem:s1], [sflag:$0x1] =	stream.indirect.gather [spmem:s3], $0x20, s0, s18, $0xb8;
	[tilespmem:$0x1E000] =	vst v63  }
.LBB2_9:
0xc9: {  	_ =	swait.ge [sflag:s5], $0x1000  }
0xca: {  	[sflag:s5] =	ssyncset.done $0x0  }
0xcb: {  	[sflag:s5] =	ssyncadd.s32 $0xFFFFF000  }
0xcc: {  	_ =	swait.ge [sflag:s5], $0x1000  }
0xcd: {  	[sflag:s5] =	ssyncset.done $0x0  }
0xce: {  	[sflag:s5] =	ssyncadd.s32 $0xFFFFF000  }
.LBB2_11:
0xcf: {  	s11 =	sadd.s32 $0x401, s11  }
0xd0: {  	s11 =	sshrl.u32 s11, $0xA  }
0xd1: {  	s11 =	sand.u32 $0x3F, s11  }
0xd2: {  	s11 =	smul.u32 $0x5, s11;
	_ =	sdelay $0x1  }
0xd3: {  	s10 =	ssub.s32 s10, s11  }
0xd4: {  	s10 =	sadd.s32 $0x5, s10  }
0xd5: {  	s10 =	sand.u32 $0xFF, s10  }
0xd6: {  	s10 =	sshll.u32 s10, $0xD  }
0xd7: {  	s19 =	sadd.s32 $0x400, s12;
	s20 =	sadd.s32 $0xA000, s10  }
0xd8: {  	[tilespmem:s20], [sflag:$0x1] =	stream.indirect.gather [spmem:s3], $0x20, s19, s18, $0xb8;
	[tilespmem:$0x1E000] =	vst v63  }
0xd9: {  	s21 =	sadd.s32 $0x480, s12;
	s10 =	sadd.s32 $0xB000, s10  }
0xda: {  	[tilespmem:s10], [sflag:$0x1] =	stream.indirect.gather [spmem:s3], $0x20, s21, s18, $0xb8;
	[tilespmem:$0x1E000] =	vst v63  }
.LBB2_12:
0xdb: {  	s8 =	sadd.s32 $0x400, s8  }
0xdc: {  	p0 =	sne.s32 s8, $0x14000  }
.Ltmp8:
0xdd: {  	_ = 	snop;
	(pc) =	sbr.rel @!p0 .LBB2_13-.Ltmp8, $2  }
0xde: {  	_ =	sdelay $0x2  }
0xdf: {  	s10 =	smov.u32 s9  }
.LBB2_8:
0xe0: {  	s11 =	smul.u32 $0xCD, s10;
	_ =	sdelay $0x1  }
0xe1: {  	s9 =	sadd.s32 $0xCD, s11  }
0xe2: {  	s9 =	sshrl.u32 s9, $0xA  }
0xe3: {  	_ =	swait.ge [sflag:s14], $0x1000;
	s9 =	sand.u32 $0x3F, s9  }
0xe4: {  	[sflag:s14] =	ssyncset.done $0x0;
	s12 =	smul.u32 $0x5, s9  }
0xe5: {  	[sflag:s14] =	ssyncadd.s32 $0xFFFFF000;
	s9 =	sadd.s32 $0x1, s10  }
0xe6: {  	_ =	swait.ge [sflag:s14], $0x1000;
	s12 =	ssub.s32 s9, s12  }
0xe7: {  	p0 =	sgt.u32 s10, $0x4A;
	[sflag:s14] =	ssyncset.done $0x0;
	s12 =	sand.u32 $0xFF, s12  }
.Ltmp9:
0xe8: {  	s19 =	sshll.u32 s12, $0xD;
	s12 =	sshra.s32 s8, $0x2;
	(pc) =	sbr.rel @!p0 .LBB2_9-.Ltmp9, $4  }
0xe9: {  	[sflag:s14] =	ssyncadd.s32 $0xFFFFF000;
	s20 =	sadd.s32 $0xA000, s19;
	s21 =	sadd.s32 $0x5000, s12  }
0xea: {  	[spmem:s2] =	stream.indirect.scatter.add.f32 [tilespmem:s20], [sflag:$0x2], $0x20, s21, s18, $0xb8;
	[tilespmem:$0x1E000] =	vst v63  }
0xeb: {  	s19 =	sadd.s32 $0xB000, s19;
	s21 =	sadd.s32 $0x5080, s12  }
0xec: {  	[spmem:s2] =	stream.indirect.scatter.add.f32 [tilespmem:s19], [sflag:$0x2], $0x20, s21, s18, $0xb8;
	[tilespmem:$0x1E000] =	vst v63  }
0xed: {  	p0 =	sgt.u32 s9, $0x4B  }
.Ltmp10:
0xee: {  	_ = 	snop;
	(pc) =	sbr.rel @p0 .LBB2_12-.Ltmp10, $4  }
.Ltmp11:
0xef: {  	_ = 	snop;
	(pc) =	sbr.rel @!p0 .LBB2_11-.Ltmp11, $4  }
0xf0: {  	_ = 	snop  }
0xf1: {  	_ = 	snop  }
0xf2: {  	_ = 	snop  }
0xf3: {  	_ = 	snop  }
.LBB2_14:
0xf4: {  	_ =	sfence.sel $0x180000  }
0xf5: {  	[bflag:$0x0] =	sbarrier.arrive $0xFFFF  }
0xf6: {  	_ =	strace $0x9000004A  }
0xf7: {  	s0 =	stileid.u32;
	[bflag:$0x2] =	sbarrier.arrive $0xFFFF  }
0xf8: {  	p0 =	sne.s32 s0, $0x0;
	s0 =	rddreg [dreg:$0x3]  }
0xf9: {  	s0 =	sadd.s32 @!p0 $0x100000, s0  }
0xfa: {  	[sflag:s0] =	ssyncadd.tile.s32 @!p0 $0x1;
	_ =	shalt  }
.Lfunc_end2:
_tile_overlayer_lowered:
.L_overlay_start_2:
0xfb: {  	(tag) =	ssettag $0x2  }
0xfc: {  	s0 =	rddreg [dreg:$0x0];
	s2 =	stileid.u32  }
0xfd: {  	s1 =	rddreg [dreg:$0x1];
	p0 =	sne.s32 s2, $0x0  }
0xfe: {  	s3 =	rddreg [dreg:$0x2];
	[bflag:$0x3] =	sbarrier.arrive $0xFFFF;
	s2 =	simm.s32 @!p0 $0x1C03  }
0xff: {  	[timem:s3], [sflag:s2] =	dma.local @!p0 [hbm:s0], s1  }
0x100: {  	s0 =	simm.s32 @!p0 $0x3  }
0x101: {  	_ =	swait.ge @!p0 [sflag:s0], s1  }
0x102: {  	s1 =	ssub.s32 @!p0 $0x0, s1;
	[sflag:s0] =	ssyncset.done @!p0 $0x0  }
0x103: {  	[sflag:s0] =	ssyncadd.s32 @!p0 s1  }
0x104: {  	[bflag:$0x3] =	sbarrier.arrive $0xFFFF  }
0x105: {  	_ =	shalt  }

// kernel: kernel.14.cloned.1.call-start
scs
__scs_entry_jumppad:
0x0: {  	(pc) =	sbr.rel $0x88, $3  }
0x1: {  	(tag) =	ssettag $0x0;
	lr =	simm.s32 $0x1  }
0x2: {  	[smem:$0x3F9B] =	sst lr;
	_ =	strace $0xD0000000  }
0x3: {  	_ = 	snop  }
0x4: {  	_ = 	snop  }
0x5: {  	_ = 	snop  }
0x6: {  	_ = 	snop  }
0x7: {  	_ = 	snop  }
__scs_overlays_trampoline_lowered:
0x8: {  	[smem:$0x3FAA] =	sst s0  }
0x9: {  	[smem:$0x3FAB] =	sst s1  }
0xa: {  	[smem:$0x3FAC] =	sst s2  }
0xb: {  	[smem:$0x3FAD] =	sst s3  }
0xc: {  	[smem:$0x3FAE] =	sst s4  }
0xd: {  	[smem:$0x3FAF] =	sst s5  }
0xe: {  	[smem:$0x3FB0] =	sst s6  }
0xf: {  	[smem:$0x3FB1] =	sst s7  }
0x10: {  	[smem:$0x3FB2] =	sst s8  }
0x11: {  	[smem:$0x3FB3] =	sst s9;
	s0 =	simm.s32 @!p0 $0x0  }
0x12: {  	s1 =	sld [smem:$0x3F99];
	s0 =	simm.s32 @p0 $0x1  }
0x13: {  	[smem:$0x3FB4] =	sst s0;
	s0 =	simm.s32 @!p1 $0x0  }
0x14: {  	s2 =	sld [smem:$0x3F98];
	s0 =	simm.s32 @p1 $0x1  }
0x15: {  	[smem:$0x3FB5] =	sst s0;
	s0 =	simm.s32 @!p2 $0x0  }
0x16: {  	s3 =	sld [smem:$0x3FDB];
	s0 =	simm.s32 @p2 $0x1  }
0x17: {  	s4 =	simm.s32 $0x1BF5;
	[smem:$0x3FB7] =	sst s0  }
0x18: {  	s0 =	sld [smem:$0x3F9A];
	_ =	swait.ge [sflag:s4], $0x0  }
0x19: {  	s7 =	sld [smem:$0x3F9B]  }
0x1a: {  	s8 =	sadd.s32 $0xFFFFE003, lr  }
0x1b: {  	s9 =	sadd.s32 $0xFFFFFEF7, lr;
	s5 =	simm.s32 $0xFFFFFFFF;
	p2 =	slt.u32 s8, $0xFFFFF086  }
0x1c: {  	p1 =	slt.u32 s9, $0xF7A;
	s5 =	simm.s32 @!p2 $0x0  }
0x1d: {  	s5 =	simm.s32 @p1 $0x1;
	p0 =	seq.s32 s7, s2  }
0x1e: {  	s7 =	smul.u32 @!p0 $0xF7A, s2;
	p2 =	seq.s32 @!p0 s5, $0x0  }
0x1f: {  	s9 =	smul.u32 $0xF7A, s1;
	s8 =	simm.s32 @!p0 $0x1BF5;
	p2 =	por !p2, p0  }
0x20: {  	[sflag:s8] =	ssyncset.s32 @!p0 $0xFFFFF086;
	s6 =	sadd.s32 @!p0 s3, s7;
	s7 =	simm.s32 @!p0 $0x108  }
0x21: {  	s3 =	sadd.s32 s3, s9;
	s6 =	sadd.s32 @!p0 $0x88, s6;
	s7 =	simm.s32 @p2 $0x1082  }
0x22: {  	[simem:s7], [sflag:s8] =	dma.local @!p0 [hbm:s6], $0xF7A  }
0x23: {  	s9 =	sor.u32 $0xD0000000, s2;
	s6 =	simm.s32 $0x108;
	_ =	swait.ge @!p0 [sflag:s8], $0x0  }
0x24: {  	s3 =	sadd.s32 $0x88, s3;
	s6 =	simm.s32 @!p1 $0x1082;
	[sflag:s4] =	ssyncset.s32 $0xFFFFF086  }
0x25: {  	[simem:s6], [sflag:s4] =	dma.local [hbm:s3], $0xF7A  }
0x26: {  	[smem:$0x3F9B] =	sst s1;
	(tag) =	ssettag s2;
	_ =	strace s9  }
0x27: {  	s1 =	sld [smem:$0x3FAB]  }
0x28: {  	s2 =	sld [smem:$0x3FAC]  }
0x29: {  	s4 =	sld [smem:$0x3FAE]  }
0x2a: {  	p0 =	seq.s32 s5, $0x0;
	s5 =	sld [smem:$0x3FAF]  }
0x2b: {  	s6 =	sld [smem:$0x3FB0]  }
0x2c: {  	s7 =	sld [smem:$0x3FB1]  }
0x2d: {  	s3 =	simm.s32 $0x108;
	s8 =	sld [smem:$0x3FB2]  }
0x2e: {  	s3 =	simm.s32 @!p0 $0x1082;
	s9 =	sld [smem:$0x3FB3]  }
0x2f: {  	lr =	sadd.s32 s0, s3;
	s0 =	sld [smem:$0x3FAA]  }
0x30: {  	s3 =	sld [smem:$0x3FAD]  }
0x31: {  	[smem:$0x3FB6] =	sst s10  }
0x32: {  	s10 =	sld [smem:$0x3FB4];
	_ =	sdelay $0x3  }
0x33: {  	p0 =	seq.s32 s10, $0x1;
	s10 =	sld [smem:$0x3FB6];
	_ =	sdelay $0x3  }
0x34: {  	[smem:$0x3FB6] =	sst s10  }
0x35: {  	s10 =	sld [smem:$0x3FB5];
	_ =	sdelay $0x3  }
0x36: {  	p1 =	seq.s32 s10, $0x1;
	s10 =	sld [smem:$0x3FB6];
	_ =	sdelay $0x3  }
0x37: {  	[smem:$0x3FB6] =	sst s10  }
0x38: {  	s10 =	sld [smem:$0x3FB7]  }
0x39: {  	_ = 	snop;
	(pc) =	sbr.ind lr, $3  }
0x3a: {  	_ = 	snop  }
0x3b: {  	_ = 	snop  }
0x3c: {  	p2 =	seq.s32 s10, $0x1;
	s10 =	sld [smem:$0x3FB6]  }
0x3d: {  	_ =	shalt  }
0x3e: {  	_ =	shalt  }
0x3f: {  	_ =	shalt  }
0x40: {  	_ =	shalt  }
0x41: {  	_ =	shalt  }
0x42: {  	_ =	shalt  }
0x43: {  	_ =	shalt  }
0x44: {  	_ =	shalt  }
0x45: {  	_ =	shalt  }
0x46: {  	_ =	shalt  }
0x47: {  	_ =	shalt  }
0x48: {  	_ =	shalt  }
0x49: {  	_ =	shalt  }
0x4a: {  	_ =	shalt  }
0x4b: {  	_ =	shalt  }
0x4c: {  	_ =	shalt  }
0x4d: {  	_ =	shalt  }
0x4e: {  	_ =	shalt  }
0x4f: {  	_ =	shalt  }
0x50: {  	_ =	shalt  }
0x51: {  	_ =	shalt  }
0x52: {  	_ =	shalt  }
0x53: {  	_ =	shalt  }
0x54: {  	_ =	shalt  }
0x55: {  	_ =	shalt  }
0x56: {  	_ =	shalt  }
0x57: {  	_ =	shalt  }
0x58: {  	_ =	shalt  }
0x59: {  	_ =	shalt  }
0x5a: {  	_ =	shalt  }
0x5b: {  	_ =	shalt  }
0x5c: {  	_ =	shalt  }
0x5d: {  	_ =	shalt  }
0x5e: {  	_ =	shalt  }
0x5f: {  	_ =	shalt  }
0x60: {  	_ =	shalt  }
0x61: {  	_ =	shalt  }
0x62: {  	_ =	shalt  }
0x63: {  	_ =	shalt  }
0x64: {  	_ =	shalt  }
0x65: {  	_ =	shalt  }
0x66: {  	_ =	shalt  }
0x67: {  	_ =	shalt  }
0x68: {  	_ =	shalt  }
0x69: {  	_ =	shalt  }
0x6a: {  	_ =	shalt  }
0x6b: {  	_ =	shalt  }
0x6c: {  	_ =	shalt  }
0x6d: {  	_ =	shalt  }
0x6e: {  	_ =	shalt  }
0x6f: {  	_ =	shalt  }
0x70: {  	_ =	shalt  }
0x71: {  	_ =	shalt  }
0x72: {  	_ =	shalt  }
0x73: {  	_ =	shalt  }
0x74: {  	_ =	shalt  }
0x75: {  	_ =	shalt  }
0x76: {  	_ =	shalt  }
0x77: {  	_ =	shalt  }
0x78: {  	_ =	shalt  }
0x79: {  	_ =	shalt  }
0x7a: {  	_ =	shalt  }
0x7b: {  	_ =	shalt  }
0x7c: {  	_ =	shalt  }
0x7d: {  	_ =	shalt  }
0x7e: {  	_ =	shalt  }
0x7f: {  	_ =	shalt  }
0x80: {  	_ =	shalt  }
0x81: {  	_ =	shalt  }
0x82: {  	_ =	shalt  }
0x83: {  	_ =	shalt  }
0x84: {  	_ =	shalt  }
0x85: {  	_ =	shalt  }
0x86: {  	_ =	shalt  }
0x87: {  	_ =	shalt  }
.Lfunc_end0:
.L_simem_size_0:
called_computation.2_lowered:
.L_overlay_start_0:
0x88: {  	s2 =	sld [smem:$0x3FD9]  }
0x89: {  	s3 =	sld [smem:$0x3FFE];
	_ =	sdelay $0x1  }
0x8a: {  	s1 =	srdreg.scid  }
0x8b: {  	s0 =	sand.u32 $0x1, s1  }
0x8c: {  	s16 =	sshll.u32 s0, $0xA;
	s2 =	sadd.s32 s3, s2  }
0x8d: {  	s2 =	sadd.s32 s2, s16  }
0x8e: {  	[smem:$0x3FC2] =	sst s2  }
0x8f: {  	_ = 	snop  }
0x90: {  	(tm) =	ssettm $0x1  }
0x91: {  	s17 =	sld [smem:$0x3FFB];
	_ =	sdelay $0x3  }
0x92: {  	_ =	strace s17  }
0x93: {  	s2 =	sld [smem:$0x3FFC];
	_ =	sdelay $0x3  }
0x94: {  	_ =	strace s2  }
0x95: {  	s2 =	sld [smem:$0x3FFD];
	_ =	sdelay $0x3  }
0x96: {  	_ =	strace s2  }
0x97: {  	_ =	strace $0x8FFFFFFF  }
0x98: {  	s18 =	sld [smem:$0x3FDB];
	_ =	sdelay $0x1  }
0x99: {  	s19 =	simm.s32 $_scs_section_size  }
0x9a: {  	s4 =	simm.s32 $_size__tile_overlayer_lowered;
	s5 =	simm.s32 $_tile_overlayer_lowered  }
0x9b: {  	s22 =	simm.s32 $0x1BFF;
	s21 =	sshll.u32 s5, $0x1;
	s2 =	sadd.s32 s19, s18  }
0x9c: {  	s6 =	simm.s32 $0x0;
	s20 =	sshll.u32 s4, $0x1;
	s4 =	sadd.s32 s21, s2  }
0x9d: {  	[timem:s6], [sflag:s22] =	dma.local [hbm:s4], s20  }
0x9e: {  	_ =	swait.ge [sflag:s22], s20  }
0x9f: {  	s3 =	ssub.s32 $0x0, s20;
	[sflag:s22] =	ssyncset.done $0x0  }
0xa0: {  	[sflag:s22] =	ssyncadd.s32 s3;
	_ =	sdelay $0x1  }
0xa1: {  	s23 =	simm.s32 $0x1B8B  }
0xa2: {  	_ =	swait.ge [sflag:s23], $0x1  }
0xa3: {  	[sflag:s23] =	ssyncset.done $0x0  }
0xa4: {  	s25 =	simm.s32 $0x1B8E;
	s24 =	sld [smem:$0x3FFE];
	[sflag:s23] =	ssyncadd.s32 $0xFFFFFFFF  }
0xa5: {  	s26 =	simm.s32 $execute0_lowered;
	[smem:$0x3FD2] =	sst s25  }
0xa6: {  	s4 =	sshll.u32 s26, $0x1;
	_ =	strace $0x8000004C;
	[dreg:$0x1] =	wrdreg $0xFFFFFFFF  }
0xa7: {  	s28 =	simm.s32 $_size_execute0_lowered;
	s2 =	sadd.s32 s2, s4;
	[dreg:$0x0] =	wrdreg $0x0  }
0xa8: {  	s4 =	sshll.u32 s28, $0x1;
	[dreg:$0x2] =	wrdreg s2  }
0xa9: {  	[dreg:$0x3] =	wrdreg s4  }
0xaa: {  	[dreg:$0x4] =	wrdreg $0xC0  }
0xab: {  	_ =	task [dreg:s6], $0x5FFFF  }
0xac: {  	[dreg:$0x1] =	wrdreg $0xFFFFFFFF  }
0xad: {  	[dreg:$0x0] =	wrdreg $0x60  }
0xae: {  	[dreg:$0x2] =	wrdreg s24  }
0xaf: {  	[dreg:$0x3] =	wrdreg $0xC8000  }
0xb0: {  	[dreg:$0x4] =	wrdreg $0xA0000  }
0xb1: {  	[dreg:$0x5] =	wrdreg $0x9  }
0xb2: {  	_ =	task.clear_ibuf [dreg:s6], $0x6FFFF;
	_ =	strace $0x9000004C  }
0xb3: {  	s29 =	simm.s32 $0x9;
	_ =	strace $0x8000004E  }
0xb4: {  	_ =	swait.ge [sflag:s29], $0x1  }
0xb5: {  	[sflag:s29] =	ssyncadd.s32 $0xFFFFFFFF  }
0xb6: {  	_ =	strace $0x9000004E  }
0xb7: {  	_ =	sfence  }
0xb8: {  	s30 =	sld [smem:$0x0];
	_ =	sdelay $0x2  }
0xb9: {  	s31 =	sshll.u32 s1, $0xD;
	s1 =	sshrl.u32 s1, $0x2  }
0xba: {  	s3 =	sand.u32 $0x4000, s31;
	s1 =	sadd.s32 s1, s30  }
0xbb: {  	s0 =	sor.u32 s3, s0;
	s1 =	sshll.u32 s1, $0x11  }
0xbc: {  	s0 =	sor.u32 s1, s0  }
0xbd: {  	s0 =	sadd.s32 $0x8F2B, s0  }
0xbe: {  	[sflag:s0] =	ssyncadd.remote.s32 $0x1  }
0xbf: {  	_ =	sfence.sel $0xFFFF  }
0xc0: {  	[dreg:$0x0] =	wrdreg $0xFFFFFFFF;
	(pc) =	sbr.abs _section_cstart, $3  }
0xc1: {  	[dreg:$0x1] =	wrdreg $0xFFFFFFFF  }
0xc2: {  	_ =	task.clear_ibuf [dreg:s6], $0x2FFFF;
	_ =	strace $0x9FFFFFFF  }
0xc3: {  	(tm) =	ssettm $0x7FFFFFFF  }
tec
execute0_lowered:
.L_overlay_start_1:
0x0: {  	(tag) =	ssettag $0x1  }
0x1: {  	s0 =	rddreg [dreg:$0x0]  }
0x2: {  	s2 =	rddreg [dreg:$0x1]  }
0x3: {  	s3 =	rddreg [dreg:$0x2]  }
0x4: {  	s10 =	stileid.u32;
	s1 =	srdreg.scid  }
0x5: {  	s4 =	simm.s32 $0x0;
	s13 =	simm.s32 $0x3;
	s16 =	simm.s32 $0x80  }
0x6: {  	s28 =	simm.s32 $0x300;
	s29 =	simm.s32 $0x8000;
	s30 =	simm.s32 $0x380  }
0x7: {  	s31 =	simm.s32 $0x8800;
	s15 =	simm.s32 $0x0;
	s7 =	smul.u32 $0x2800, s10  }
0x8: {  	s1 =	sand.u32 $0x1, s1;
	[smem:$0x7FF] =	sst s4;
	s26 =	sshll.u32 s10, $0x6  }
0x9: {  	s5 =	sshll.u32 s1, $0x4;
	s6 =	smul.u32 $0x28000, s1;
	_ =	strace $0x8000004D  }
0xa: {  	s1 =	ssub.s32 $0x2, s1;
	s5 =	sor.u32 s10, s5;
	s8 =	sshrl.u32 s7, $0x3  }
0xb: {  	s25 =	sshrl.u32 s1, $0x1;
	s12 =	sadd.s32 s7, s2;
	s14 =	sadd.s32 s7, s3  }
0xc: {  	s5 =	smul.u32 $0x500, s5;
	s6 =	sadd.s32 s7, s6;
	s8 =	sadd.s32 s8, s0  }
0xd: {  	s1 =	ssub.s32 s1, s25;
	s12 =	sshrl.u32 s12, $0x3;
	s14 =	sshrl.u32 s14, $0x3  }
.Ltmp0:
0xe: {  	s25 =	simm.s32 $0x280;
	s6 =	sshrl.u32 s6, $0x3;
	(pc) =	sbr.rel .LBB2_1-.Ltmp0, $4  }
0xf: {  	s7 =	sadd.s32 $0x10600, s8;
	s11 =	smax.u32 s1, $0x1;
	s1 =	simm.s32 $0x2  }
0x10: {  	s9 =	sadd.s32 s5, s0;
	s0 =	sadd.s32 s6, s0;
	s5 =	sadd.s32 $0xB600, s8  }
0x11: {  	s6 =	sor.u32 $0x1C03, s26;
	s26 =	simm.s32 $0x7800;
	s8 =	sadd.s32 $0x1A600, s9  }
0x12: {  	s9 =	sadd.s32 $0x1600, s9;
	s10 =	sadd.s32 $0x24600, s0;
	s0 =	simm.s32 $0x1  }
.LBB2_7:
0x13: {  	_ =	swait.ge [sflag:s1], $0x800  }
0x14: {  	[sflag:s1] =	ssyncset.done $0x0  }
0x15: {  	[sflag:s1] =	ssyncadd.s32 $0xFFFFF800  }
0x16: {  	_ =	swait.ge [sflag:s1], $0x800  }
0x17: {  	[sflag:s1] =	ssyncset.done $0x0  }
0x18: {  	[sflag:s1] =	ssyncadd.s32 $0xFFFFF800  }
0x19: {  	_ =	swait.ge [sflag:s1], $0x800  }
0x1a: {  	[sflag:s1] =	ssyncset.done $0x0  }
0x1b: {  	[sflag:s1] =	ssyncadd.s32 $0xFFFFF800  }
0x1c: {  	_ =	swait.ge [sflag:s1], $0x800  }
0x1d: {  	[sflag:s1] =	ssyncset.done $0x0  }
0x1e: {  	[sflag:s1] =	ssyncadd.s32 $0xFFFFF800  }
0x1f: {  	_ =	swait.ge [sflag:s1], $0x800  }
0x20: {  	[sflag:s1] =	ssyncset.done $0x0  }
0x21: {  	[sflag:s1] =	ssyncadd.s32 $0xFFFFF800  }
0x22: {  	_ =	swait.ge [sflag:s1], $0x800  }
0x23: {  	[sflag:s1] =	ssyncset.done $0x0  }
0x24: {  	[sflag:s1] =	ssyncadd.s32 $0xFFFFF800  }
0x25: {  	_ =	swait.ge [sflag:s1], $0x800  }
0x26: {  	[sflag:s1] =	ssyncset.done $0x0  }
0x27: {  	[sflag:s1] =	ssyncadd.s32 $0xFFFFF800  }
0x28: {  	_ =	swait.ge [sflag:s1], $0x800  }
0x29: {  	[sflag:s1] =	ssyncset.done $0x0  }
0x2a: {  	[sflag:s1] =	ssyncadd.s32 $0xFFFFF800  }
0x2b: {  	_ =	swait.ge [sflag:s1], $0x800  }
0x2c: {  	[sflag:s1] =	ssyncset.done $0x0  }
0x2d: {  	[sflag:s1] =	ssyncadd.s32 $0xFFFFF800  }
0x2e: {  	_ =	swait.ge [sflag:s1], $0x800  }
0x2f: {  	s15 =	sadd.s32 $0x1, s15;
	[sflag:s1] =	ssyncset.done $0x0  }
0x30: {  	p0 =	sne.s32 s15, s11;
	[sflag:s1] =	ssyncadd.s32 $0xFFFFF800  }
.Ltmp1:
0x31: {  	[bflag:$0x0] =	sbarrier.arrive $0xFFFF;
	(pc) =	sbr.rel @!p0 .LBB2_8-.Ltmp1, $4  }
0x32: {  	[hbm:s10], [sflag:s6] =	dma.local [spmem:s12], $0x500  }
0x33: {  	_ =	swait.ge [sflag:s13], $0x500  }
0x34: {  	[sflag:s13] =	ssyncset.done $0x0  }
0x35: {  	[sflag:s13] =	ssyncadd.s32 $0xFFFFFB00  }
.LBB2_1:
0x36: {  	[spmem:s12], [sflag:s6] =	dma.local [hbm:s5], $0x500  }
0x37: {  	_ =	swait.ge [sflag:s13], $0x500  }
0x38: {  	[sflag:s13] =	ssyncset.done $0x0  }
0x39: {  	[sflag:s13] =	ssyncadd.s32 $0xFFFFFB00  }
0x3a: {  	[spmem:s14], [sflag:s6] =	dma.local [hbm:s7], $0x500  }
0x3b: {  	_ =	swait.ge [sflag:s13], $0x500  }
0x3c: {  	[sflag:s13] =	ssyncset.done $0x0  }
0x3d: {  	[sflag:s13] =	ssyncadd.s32 $0xFFFFFB00  }
0x3e: {  	[tilespmem:s4], [sflag:$0x3] =	stream.linear.gather [hbm4b:s8+s4], $0x2800, $0x38;
	[tilespmem:$0xF000] =	vst v63  }
0x3f: {  	_ =	swait.ge [sflag:s13], $0x2800  }
0x40: {  	[sflag:s13] =	ssyncset.done $0x0  }
0x41: {  	s17 =	simm.s32 $0x2800;
	[sflag:s13] =	ssyncadd.s32 $0xFFFFD800  }
0x42: {  	[tilespmem:s17], [sflag:$0x3] =	stream.linear.gather [hbm4b:s9+s4], $0x2800, $0x38;
	[tilespmem:$0xF000] =	vst v63  }
0x43: {  	_ =	swait.ge [sflag:s13], $0x2800  }
0x44: {  	[sflag:s13] =	ssyncset.done $0x0  }
0x45: {  	[sflag:s13] =	ssyncadd.s32 $0xFFFFD800  }
0x46: {  	s18 =	simm.s32 $0x5000;
	[bflag:$0x0] =	sbarrier.arrive $0xFFFF  }
0x47: {  	[tilespmem:s18], [sflag:$0x1] =	stream.indirect.gather [spmem:s3], $0x10, s4, s16, $0xb8;
	[tilespmem:$0xF000] =	vst v63  }
0x48: {  	s19 =	simm.s32 $0x5800  }
0x49: {  	[tilespmem:s19], [sflag:$0x1] =	stream.indirect.gather [spmem:s3], $0x10, s16, s16, $0xb8;
	[tilespmem:$0xF000] =	vst v63  }
0x4a: {  	s20 =	simm.s32 $0x100;
	s18 =	simm.s32 $0x6000  }
0x4b: {  	[tilespmem:s18], [sflag:$0x1] =	stream.indirect.gather [spmem:s3], $0x10, s20, s16, $0xb8;
	[tilespmem:$0xF000] =	vst v63  }
0x4c: {  	s21 =	simm.s32 $0x180;
	s22 =	simm.s32 $0x6800  }
0x4d: {  	[tilespmem:s22], [sflag:$0x1] =	stream.indirect.gather [spmem:s3], $0x10, s21, s16, $0xb8;
	[tilespmem:$0xF000] =	vst v63  }
0x4e: {  	s23 =	simm.s32 $0x200;
	s24 =	simm.s32 $0x7000  }
0x4f: {  	[tilespmem:s24], [sflag:$0x1] =	stream.indirect.gather [spmem:s3], $0x10, s23, s16, $0xb8;
	[tilespmem:$0xF000] =	vst v63  }
0x50: {  	_ = 	snop  }
0x51: {  	[tilespmem:s26], [sflag:$0x1] =	stream.indirect.gather [spmem:s3], $0x10, s25, s16, $0xb8;
	[tilespmem:$0xF000] =	vst v63  }
.Ltmp2:
0x52: {  	_ = 	snop;
	(pc) =	sbr.rel .LBB2_2-.Ltmp2, $4  }
0x53: {  	_ = 	snop  }
0x54: {  	[tilespmem:s29], [sflag:$0x1] =	stream.indirect.gather [spmem:s3], $0x10, s28, s16, $0xb8;
	[tilespmem:$0xF000] =	vst v63  }
0x55: {  	s17 =	simm.s32 $0x0;
	s18 =	simm.s32 $0xFFFFFFFF  }
0x56: {  	[tilespmem:s31], [sflag:$0x1] =	stream.indirect.gather [spmem:s3], $0x10, s30, s16, $0xb8;
	[tilespmem:$0xF000] =	vst v63  }
.LBB2_3:
0x57: {  	_ =	swait.ge [sflag:s1], $0x800  }
0x58: {  	[sflag:s1] =	ssyncset.done $0x0  }
0x59: {  	[sflag:s1] =	ssyncadd.s32 $0xFFFFF800  }
0x5a: {  	_ =	swait.ge [sflag:s1], $0x800  }
0x5b: {  	[sflag:s1] =	ssyncset.done $0x0  }
0x5c: {  	[sflag:s1] =	ssyncadd.s32 $0xFFFFF800  }
.LBB2_5:
0x5d: {  	s20 =	sadd.s32 $0x401, s20  }
0x5e: {  	s20 =	sshrl.u32 s20, $0xA  }
0x5f: {  	s20 =	sand.u32 $0x3F, s20  }
0x60: {  	s20 =	smul.u32 $0x5, s20;
	_ =	sdelay $0x1  }
0x61: {  	s18 =	ssub.s32 s18, s20  }
0x62: {  	s18 =	sadd.s32 $0x5, s18  }
0x63: {  	s18 =	sand.u32 $0xFF, s18  }
0x64: {  	s18 =	sshll.u32 s18, $0xC  }
0x65: {  	s22 =	sadd.s32 $0x400, s21;
	s23 =	sadd.s32 $0x5000, s18  }
0x66: {  	[tilespmem:s23], [sflag:$0x1] =	stream.indirect.gather [spmem:s3], $0x10, s22, s16, $0xb8;
	[tilespmem:$0xF000] =	vst v63  }
0x67: {  	s24 =	sadd.s32 $0x480, s21;
	s18 =	sadd.s32 $0x5800, s18  }
0x68: {  	[tilespmem:s18], [sflag:$0x1] =	stream.indirect.gather [spmem:s3], $0x10, s24, s16, $0xb8;
	[tilespmem:$0xF000] =	vst v63  }
.LBB2_6:
0x69: {  	s17 =	sadd.s32 $0x400, s17  }
0x6a: {  	p0 =	sne.s32 s17, $0xA000  }
.Ltmp3:
0x6b: {  	_ = 	snop;
	(pc) =	sbr.rel @!p0 .LBB2_7-.Ltmp3, $2  }
0x6c: {  	_ =	sdelay $0x2  }
0x6d: {  	s18 =	smov.u32 s19  }
.LBB2_2:
0x6e: {  	s20 =	smul.u32 $0xCD, s18;
	_ =	sdelay $0x1  }
0x6f: {  	s19 =	sadd.s32 $0xCD, s20  }
0x70: {  	s19 =	sshrl.u32 s19, $0xA  }
0x71: {  	_ =	swait.ge [sflag:s0], $0x800;
	s19 =	sand.u32 $0x3F, s19  }
0x72: {  	[sflag:s0] =	ssyncset.done $0x0;
	s21 =	smul.u32 $0x5, s19  }
0x73: {  	[sflag:s0] =	ssyncadd.s32 $0xFFFFF800;
	s19 =	sadd.s32 $0x1, s18  }
0x74: {  	_ =	swait.ge [sflag:s0], $0x800;
	s21 =	ssub.s32 s19, s21  }
0x75: {  	p0 =	sgt.u32 s18, $0x22;
	[sflag:s0] =	ssyncset.done $0x0;
	s21 =	sand.u32 $0xFF, s21  }
.Ltmp4:
0x76: {  	s22 =	sshll.u32 s21, $0xC;
	s21 =	sshra.s32 s17, $0x2;
	(pc) =	sbr.rel @!p0 .LBB2_3-.Ltmp4, $4  }
0x77: {  	[sflag:s0] =	ssyncadd.s32 $0xFFFFF800;
	s23 =	sadd.s32 $0x5000, s22;
	s24 =	sadd.s32 $0x2800, s21  }
0x78: {  	[spmem:s2] =	stream.indirect.scatter.add.f32 [tilespmem:s23], [sflag:$0x2], $0x10, s24, s16, $0xb8;
	[tilespmem:$0xF000] =	vst v63  }
0x79: {  	s22 =	sadd.s32 $0x5800, s22;
	s24 =	sadd.s32 $0x2880, s21  }
0x7a: {  	[spmem:s2] =	stream.indirect.scatter.add.f32 [tilespmem:s22], [sflag:$0x2], $0x10, s24, s16, $0xb8;
	[tilespmem:$0xF000] =	vst v63  }
0x7b: {  	p0 =	sgt.u32 s19, $0x23  }
.Ltmp5:
0x7c: {  	_ = 	snop;
	(pc) =	sbr.rel @p0 .LBB2_6-.Ltmp5, $4  }
.Ltmp6:
0x7d: {  	_ = 	snop;
	(pc) =	sbr.rel @!p0 .LBB2_5-.Ltmp6, $4  }
0x7e: {  	_ = 	snop  }
0x7f: {  	_ = 	snop  }
0x80: {  	_ = 	snop  }
0x81: {  	_ = 	snop  }
.LBB2_8:
0x82: {  	_ =	sfence.sel $0x180000  }
0x83: {  	[bflag:$0x0] =	sbarrier.arrive $0xFFFF  }
0x84: {  	_ =	strace $0x9000004D  }
0x85: {  	s0 =	stileid.u32;
	[bflag:$0x2] =	sbarrier.arrive $0xFFFF  }
0x86: {  	p0 =	sne.s32 s0, $0x0;
	s0 =	rddreg [dreg:$0x3]  }
0x87: {  	s0 =	sadd.s32 @!p0 $0x100000, s0  }
0x88: {  	[sflag:s0] =	ssyncadd.tile.s32 @!p0 $0x1;
	_ =	shalt  }
.Lfunc_end2:
_tile_overlayer_lowered:
.L_overlay_start_2:
0x89: {  	(tag) =	ssettag $0x2  }
0x8a: {  	s0 =	rddreg [dreg:$0x0];
	s2 =	stileid.u32  }
0x8b: {  	s1 =	rddreg [dreg:$0x1];
	p0 =	sne.s32 s2, $0x0  }
0x8c: {  	s3 =	rddreg [dreg:$0x2];
	[bflag:$0x3] =	sbarrier.arrive $0xFFFF;
	s2 =	simm.s32 @!p0 $0x1C03  }
0x8d: {  	[timem:s3], [sflag:s2] =	dma.local @!p0 [hbm:s0], s1  }
0x8e: {  	s0 =	simm.s32 @!p0 $0x3  }
0x8f: {  	_ =	swait.ge @!p0 [sflag:s0], s1  }
0x90: {  	s1 =	ssub.s32 @!p0 $0x0, s1;
	[sflag:s0] =	ssyncset.done @!p0 $0x0  }
0x91: {  	[sflag:s0] =	ssyncadd.s32 @!p0 s1  }
0x92: {  	[bflag:$0x3] =	sbarrier.arrive $0xFFFF  }
0x93: {  	_ =	shalt  }

// kernel: kernel.8.cloned.1.call-start
scs
__scs_entry_jumppad:
0x0: {  	(pc) =	sbr.rel $0x88, $3  }
0x1: {  	(tag) =	ssettag $0x0;
	lr =	simm.s32 $0x1  }
0x2: {  	[smem:$0x3F9B] =	sst lr;
	_ =	strace $0xD0000000  }
0x3: {  	_ = 	snop  }
0x4: {  	_ = 	snop  }
0x5: {  	_ = 	snop  }
0x6: {  	_ = 	snop  }
0x7: {  	_ = 	snop  }
__scs_overlays_trampoline_lowered:
0x8: {  	[smem:$0x3FAA] =	sst s0  }
0x9: {  	[smem:$0x3FAB] =	sst s1  }
0xa: {  	[smem:$0x3FAC] =	sst s2  }
0xb: {  	[smem:$0x3FAD] =	sst s3  }
0xc: {  	[smem:$0x3FAE] =	sst s4  }
0xd: {  	[smem:$0x3FAF] =	sst s5  }
0xe: {  	[smem:$0x3FB0] =	sst s6  }
0xf: {  	[smem:$0x3FB1] =	sst s7  }
0x10: {  	[smem:$0x3FB2] =	sst s8  }
0x11: {  	[smem:$0x3FB3] =	sst s9;
	s0 =	simm.s32 @!p0 $0x0  }
0x12: {  	s1 =	sld [smem:$0x3F99];
	s0 =	simm.s32 @p0 $0x1  }
0x13: {  	[smem:$0x3FB4] =	sst s0;
	s0 =	simm.s32 @!p1 $0x0  }
0x14: {  	s2 =	sld [smem:$0x3F98];
	s0 =	simm.s32 @p1 $0x1  }
0x15: {  	[smem:$0x3FB5] =	sst s0;
	s0 =	simm.s32 @!p2 $0x0  }
0x16: {  	s3 =	sld [smem:$0x3FDB];
	s0 =	simm.s32 @p2 $0x1  }
0x17: {  	s4 =	simm.s32 $0x1BF5;
	[smem:$0x3FB7] =	sst s0  }
0x18: {  	s0 =	sld [smem:$0x3F9A];
	_ =	swait.ge [sflag:s4], $0x0  }
0x19: {  	s7 =	sld [smem:$0x3F9B]  }
0x1a: {  	s8 =	sadd.s32 $0xFFFFE003, lr  }
0x1b: {  	s9 =	sadd.s32 $0xFFFFFEF7, lr;
	s5 =	simm.s32 $0xFFFFFFFF;
	p2 =	slt.u32 s8, $0xFFFFF086  }
0x1c: {  	p1 =	slt.u32 s9, $0xF7A;
	s5 =	simm.s32 @!p2 $0x0  }
0x1d: {  	s5 =	simm.s32 @p1 $0x1;
	p0 =	seq.s32 s7, s2  }
0x1e: {  	s7 =	smul.u32 @!p0 $0xF7A, s2;
	p2 =	seq.s32 @!p0 s5, $0x0  }
0x1f: {  	s9 =	smul.u32 $0xF7A, s1;
	s8 =	simm.s32 @!p0 $0x1BF5;
	p2 =	por !p2, p0  }
0x20: {  	[sflag:s8] =	ssyncset.s32 @!p0 $0xFFFFF086;
	s6 =	sadd.s32 @!p0 s3, s7;
	s7 =	simm.s32 @!p0 $0x108  }
0x21: {  	s3 =	sadd.s32 s3, s9;
	s6 =	sadd.s32 @!p0 $0x88, s6;
	s7 =	simm.s32 @p2 $0x1082  }
0x22: {  	[simem:s7], [sflag:s8] =	dma.local @!p0 [hbm:s6], $0xF7A  }
0x23: {  	s9 =	sor.u32 $0xD0000000, s2;
	s6 =	simm.s32 $0x108;
	_ =	swait.ge @!p0 [sflag:s8], $0x0  }
0x24: {  	s3 =	sadd.s32 $0x88, s3;
	s6 =	simm.s32 @!p1 $0x1082;
	[sflag:s4] =	ssyncset.s32 $0xFFFFF086  }
0x25: {  	[simem:s6], [sflag:s4] =	dma.local [hbm:s3], $0xF7A  }
0x26: {  	[smem:$0x3F9B] =	sst s1;
	(tag) =	ssettag s2;
	_ =	strace s9  }
0x27: {  	s1 =	sld [smem:$0x3FAB]  }
0x28: {  	s2 =	sld [smem:$0x3FAC]  }
0x29: {  	s4 =	sld [smem:$0x3FAE]  }
0x2a: {  	p0 =	seq.s32 s5, $0x0;
	s5 =	sld [smem:$0x3FAF]  }
0x2b: {  	s6 =	sld [smem:$0x3FB0]  }
0x2c: {  	s7 =	sld [smem:$0x3FB1]  }
0x2d: {  	s3 =	simm.s32 $0x108;
	s8 =	sld [smem:$0x3FB2]  }
0x2e: {  	s3 =	simm.s32 @!p0 $0x1082;
	s9 =	sld [smem:$0x3FB3]  }
0x2f: {  	lr =	sadd.s32 s0, s3;
	s0 =	sld [smem:$0x3FAA]  }
0x30: {  	s3 =	sld [smem:$0x3FAD]  }
0x31: {  	[smem:$0x3FB6] =	sst s10  }
0x32: {  	s10 =	sld [smem:$0x3FB4];
	_ =	sdelay $0x3  }
0x33: {  	p0 =	seq.s32 s10, $0x1;
	s10 =	sld [smem:$0x3FB6];
	_ =	sdelay $0x3  }
0x34: {  	[smem:$0x3FB6] =	sst s10  }
0x35: {  	s10 =	sld [smem:$0x3FB5];
	_ =	sdelay $0x3  }
0x36: {  	p1 =	seq.s32 s10, $0x1;
	s10 =	sld [smem:$0x3FB6];
	_ =	sdelay $0x3  }
0x37: {  	[smem:$0x3FB6] =	sst s10  }
0x38: {  	s10 =	sld [smem:$0x3FB7]  }
0x39: {  	_ = 	snop;
	(pc) =	sbr.ind lr, $3  }
0x3a: {  	_ = 	snop  }
0x3b: {  	_ = 	snop  }
0x3c: {  	p2 =	seq.s32 s10, $0x1;
	s10 =	sld [smem:$0x3FB6]  }
0x3d: {  	_ =	shalt  }
0x3e: {  	_ =	shalt  }
0x3f: {  	_ =	shalt  }
0x40: {  	_ =	shalt  }
0x41: {  	_ =	shalt  }
0x42: {  	_ =	shalt  }
0x43: {  	_ =	shalt  }
0x44: {  	_ =	shalt  }
0x45: {  	_ =	shalt  }
0x46: {  	_ =	shalt  }
0x47: {  	_ =	shalt  }
0x48: {  	_ =	shalt  }
0x49: {  	_ =	shalt  }
0x4a: {  	_ =	shalt  }
0x4b: {  	_ =	shalt  }
0x4c: {  	_ =	shalt  }
0x4d: {  	_ =	shalt  }
0x4e: {  	_ =	shalt  }
0x4f: {  	_ =	shalt  }
0x50: {  	_ =	shalt  }
0x51: {  	_ =	shalt  }
0x52: {  	_ =	shalt  }
0x53: {  	_ =	shalt  }
0x54: {  	_ =	shalt  }
0x55: {  	_ =	shalt  }
0x56: {  	_ =	shalt  }
0x57: {  	_ =	shalt  }
0x58: {  	_ =	shalt  }
0x59: {  	_ =	shalt  }
0x5a: {  	_ =	shalt  }
0x5b: {  	_ =	shalt  }
0x5c: {  	_ =	shalt  }
0x5d: {  	_ =	shalt  }
0x5e: {  	_ =	shalt  }
0x5f: {  	_ =	shalt  }
0x60: {  	_ =	shalt  }
0x61: {  	_ =	shalt  }
0x62: {  	_ =	shalt  }
0x63: {  	_ =	shalt  }
0x64: {  	_ =	shalt  }
0x65: {  	_ =	shalt  }
0x66: {  	_ =	shalt  }
0x67: {  	_ =	shalt  }
0x68: {  	_ =	shalt  }
0x69: {  	_ =	shalt  }
0x6a: {  	_ =	shalt  }
0x6b: {  	_ =	shalt  }
0x6c: {  	_ =	shalt  }
0x6d: {  	_ =	shalt  }
0x6e: {  	_ =	shalt  }
0x6f: {  	_ =	shalt  }
0x70: {  	_ =	shalt  }
0x71: {  	_ =	shalt  }
0x72: {  	_ =	shalt  }
0x73: {  	_ =	shalt  }
0x74: {  	_ =	shalt  }
0x75: {  	_ =	shalt  }
0x76: {  	_ =	shalt  }
0x77: {  	_ =	shalt  }
0x78: {  	_ =	shalt  }
0x79: {  	_ =	shalt  }
0x7a: {  	_ =	shalt  }
0x7b: {  	_ =	shalt  }
0x7c: {  	_ =	shalt  }
0x7d: {  	_ =	shalt  }
0x7e: {  	_ =	shalt  }
0x7f: {  	_ =	shalt  }
0x80: {  	_ =	shalt  }
0x81: {  	_ =	shalt  }
0x82: {  	_ =	shalt  }
0x83: {  	_ =	shalt  }
0x84: {  	_ =	shalt  }
0x85: {  	_ =	shalt  }
0x86: {  	_ =	shalt  }
0x87: {  	_ =	shalt  }
.Lfunc_end0:
.L_simem_size_0:
called_computation_lowered:
.L_overlay_start_0:
0x88: {  	s2 =	sld [smem:$0x3FD9]  }
0x89: {  	s3 =	sld [smem:$0x3FFE];
	_ =	sdelay $0x1  }
0x8a: {  	s1 =	srdreg.scid  }
0x8b: {  	s0 =	sand.u32 $0x1, s1  }
0x8c: {  	s17 =	sshll.u32 s0, $0xA;
	s2 =	sadd.s32 s3, s2  }
0x8d: {  	s2 =	sadd.s32 s2, s17  }
0x8e: {  	[smem:$0x3FC2] =	sst s2  }
0x8f: {  	_ = 	snop  }
0x90: {  	s2 =	sld [smem:$0x3FD0];
	(tm) =	ssettm $0x1  }
0x91: {  	s18 =	sld [smem:$0x3FFB];
	_ =	sdelay $0x3  }
0x92: {  	_ =	strace s18  }
0x93: {  	s3 =	sld [smem:$0x3FFC];
	_ =	sdelay $0x3  }
0x94: {  	_ =	strace s3  }
0x95: {  	s3 =	sld [smem:$0x3FFD];
	_ =	sdelay $0x3  }
0x96: {  	_ =	strace s3  }
0x97: {  	_ =	strace $0x8FFFFFFF  }
0x98: {  	s19 =	sld [smem:$0x3FDB];
	_ =	sdelay $0x1  }
0x99: {  	s4 =	simm.s32 $_scs_section_size  }
0x9a: {  	s5 =	simm.s32 $_size__tile_overlayer_lowered;
	s6 =	simm.s32 $_tile_overlayer_lowered  }
0x9b: {  	s22 =	simm.s32 $0x1BFF;
	s21 =	sshll.u32 s6, $0x1;
	s3 =	sadd.s32 s4, s19  }
0x9c: {  	s7 =	simm.s32 $0x0;
	s20 =	sshll.u32 s5, $0x1;
	s5 =	sadd.s32 s21, s3  }
0x9d: {  	[timem:s7], [sflag:s22] =	dma.local [hbm:s5], s20  }
0x9e: {  	_ =	swait.ge [sflag:s22], s20  }
0x9f: {  	s4 =	ssub.s32 $0x0, s20;
	[sflag:s22] =	ssyncset.done $0x0  }
0xa0: {  	[sflag:s22] =	ssyncadd.s32 s4;
	_ =	sdelay $0x1  }
0xa1: {  	s23 =	simm.s32 $0x1B8B  }
0xa2: {  	_ =	swait.ge [sflag:s23], $0x1  }
0xa3: {  	[sflag:s23] =	ssyncset.done $0x0  }
0xa4: {  	s25 =	simm.s32 $0x1B8E;
	s24 =	sld [smem:$0x3FFE];
	[sflag:s23] =	ssyncadd.s32 $0xFFFFFFFF  }
0xa5: {  	s26 =	simm.s32 $execute0_lowered;
	[smem:$0x3FD2] =	sst s25  }
0xa6: {  	s5 =	sshll.u32 s26, $0x1;
	_ =	strace $0x80000046;
	[dreg:$0x1] =	wrdreg $0xFFFFFFFF  }
0xa7: {  	s28 =	simm.s32 $_size_execute0_lowered;
	s3 =	sadd.s32 s3, s5;
	[dreg:$0x0] =	wrdreg $0x0  }
0xa8: {  	s5 =	sshll.u32 s28, $0x1;
	[dreg:$0x2] =	wrdreg s3  }
0xa9: {  	[dreg:$0x3] =	wrdreg s5  }
0xaa: {  	[dreg:$0x4] =	wrdreg $0xC0  }
0xab: {  	_ =	task [dreg:s7], $0x5FFFF  }
0xac: {  	[dreg:$0x1] =	wrdreg $0xFFFFFFFF  }
0xad: {  	[dreg:$0x0] =	wrdreg $0x60  }
0xae: {  	[dreg:$0x2] =	wrdreg s24  }
0xaf: {  	[dreg:$0x3] =	wrdreg s2  }
0xb0: {  	[dreg:$0x4] =	wrdreg $0x30000  }
0xb1: {  	[dreg:$0x5] =	wrdreg $0x9  }
0xb2: {  	_ =	task.clear_ibuf [dreg:s7], $0x6FFFF;
	_ =	strace $0x90000046  }
0xb3: {  	s29 =	simm.s32 $0x9;
	_ =	strace $0x80000048  }
0xb4: {  	_ =	swait.ge [sflag:s29], $0x1  }
0xb5: {  	[sflag:s29] =	ssyncadd.s32 $0xFFFFFFFF  }
0xb6: {  	_ =	strace $0x90000048  }
0xb7: {  	_ =	sfence  }
0xb8: {  	s30 =	sld [smem:$0x0];
	_ =	sdelay $0x2  }
0xb9: {  	s31 =	sshll.u32 s1, $0xD;
	s1 =	sshrl.u32 s1, $0x2  }
0xba: {  	s3 =	sand.u32 $0x4000, s31;
	s1 =	sadd.s32 s1, s30  }
0xbb: {  	s0 =	sor.u32 s3, s0;
	s1 =	sshll.u32 s1, $0x11  }
0xbc: {  	s0 =	sor.u32 s1, s0  }
0xbd: {  	s0 =	sadd.s32 $0x8F2B, s0  }
0xbe: {  	[sflag:s0] =	ssyncadd.remote.s32 $0x1  }
0xbf: {  	_ =	sfence.sel $0xFFFF  }
0xc0: {  	[dreg:$0x0] =	wrdreg $0xFFFFFFFF;
	(pc) =	sbr.abs _section_cstart, $3  }
0xc1: {  	[dreg:$0x1] =	wrdreg $0xFFFFFFFF  }
0xc2: {  	_ =	task.clear_ibuf [dreg:s7], $0x2FFFF;
	_ =	strace $0x9FFFFFFF  }
0xc3: {  	(tm) =	ssettm $0x7FFFFFFF  }
tec
execute0_lowered:
.L_overlay_start_1:
0x0: {  	(tag) =	ssettag $0x1  }
0x1: {  	s6 =	rddreg [dreg:$0x0]  }
0x2: {  	s2 =	rddreg [dreg:$0x1]  }
0x3: {  	s0 =	srdreg.scid;
	s3 =	rddreg [dreg:$0x2]  }
0x4: {  	s4 =	simm.s32 $0x0;
	s13 =	simm.s32 $0x80;
	s14 =	simm.s32 $0x1  }
0x5: {  	s15 =	simm.s32 $0x0;
	s5 =	sand.u32 $0x1, s0;
	s0 =	stileid.u32  }
0x6: {  	[smem:$0x7FF] =	sst s4;
	s1 =	sshll.u32 s5, $0x4;
	s8 =	smul.u32 $0x2800, s0  }
0x7: {  	s9 =	smul.u32 $0x28000, s5;
	s5 =	ssub.s32 $0x2, s5;
	s1 =	sor.u32 s0, s1  }
0x8: {  	s31 =	sshll.u32 s0, $0x6;
	s11 =	sshrl.u32 s5, $0x1;
	s7 =	smul.u32 $0x500, s1  }
0x9: {  	s1 =	rddreg [dreg:$0x3];
	_ =	strace $0x80000047;
	s10 =	sshrl.u32 s8, $0x3  }
0xa: {  	s9 =	sadd.s32 s8, s9;
	s11 =	ssub.s32 s5, s11;
	s12 =	sadd.s32 s8, s3  }
0xb: {  	s10 =	sadd.s32 s10, s6;
	s9 =	sshrl.u32 s9, $0x3;
	s7 =	sadd.s32 s7, s6  }
0xc: {  	s9 =	sadd.s32 s9, s6;
	s5 =	sadd.s32 $0xB600, s10;
	s6 =	sor.u32 $0x1C02, s31  }
0xd: {  	s10 =	sshrl.u32 s12, $0x3;
	s12 =	simm.s32 $0x2800;
	s7 =	sadd.s32 $0x1600, s7  }
0xe: {  	s8 =	sadd.s32 $0x10600, s9;
	s9 =	smax.u32 s11, $0x1;
	s11 =	simm.s32 $0x2  }
.LBB2_1:
0xf: {  	[spmem:s10], [sflag:s6] =	dma.local [hbm:s5], $0x500  }
0x10: {  	_ =	swait.ge [sflag:s11], $0x500  }
0x11: {  	[sflag:s11] =	ssyncset.done $0x0  }
0x12: {  	[sflag:s11] =	ssyncadd.s32 $0xFFFFFB00  }
0x13: {  	[tilespmem:s4], [sflag:$0x2] =	stream.linear.gather [hbm4b:s7+s4], $0x2800, $0x38;
	[tilespmem:$0x5800] =	vst v63  }
0x14: {  	_ =	swait.ge [sflag:s11], $0x2800  }
0x15: {  	[sflag:s11] =	ssyncset.done $0x0  }
0x16: {  	[sflag:s11] =	ssyncadd.s32 $0xFFFFD800  }
0x17: {  	[tilespmem:s12], [sflag:$0x2] =	stream.linear.gather [hbm4b:s2+s4], $0x800, $0x38;
	[tilespmem:$0x5800] =	vst v63  }
0x18: {  	_ =	swait.ge [sflag:s11], $0x800  }
0x19: {  	[sflag:s11] =	ssyncset.done $0x0  }
0x1a: {  	[sflag:s11] =	ssyncadd.s32 $0xFFFFF800  }
0x1b: {  	s16 =	simm.s32 $0x0;
	[bflag:$0x0] =	sbarrier.arrive $0xFFFF  }
0x1c: {  	[spmem:s3] =	stream.indirect.scatter.add.f32 [tilespmem:s12], [sflag:$0x1], $0x10, s16, s13, $0xb8;
	[tilespmem:$0x5800] =	vst v63  }
0x1d: {  	s24 =	simm.s32 $0x80  }
0x1e: {  	[spmem:s3] =	stream.indirect.scatter.add.f32 [tilespmem:s12], [sflag:$0x1], $0x10, s24, s13, $0xb8;
	[tilespmem:$0x5800] =	vst v63  }
0x1f: {  	s25 =	simm.s32 $0x100  }
0x20: {  	[spmem:s3] =	stream.indirect.scatter.add.f32 [tilespmem:s12], [sflag:$0x1], $0x10, s25, s13, $0xb8;
	[tilespmem:$0x5800] =	vst v63  }
0x21: {  	s26 =	simm.s32 $0x180  }
0x22: {  	[spmem:s3] =	stream.indirect.scatter.add.f32 [tilespmem:s12], [sflag:$0x1], $0x10, s26, s13, $0xb8;
	[tilespmem:$0x5800] =	vst v63  }
0x23: {  	s28 =	simm.s32 $0x200  }
0x24: {  	[spmem:s3] =	stream.indirect.scatter.add.f32 [tilespmem:s12], [sflag:$0x1], $0x10, s28, s13, $0xb8;
	[tilespmem:$0x5800] =	vst v63  }
0x25: {  	s29 =	simm.s32 $0x280  }
0x26: {  	[spmem:s3] =	stream.indirect.scatter.add.f32 [tilespmem:s12], [sflag:$0x1], $0x10, s29, s13, $0xb8;
	[tilespmem:$0x5800] =	vst v63  }
0x27: {  	s30 =	simm.s32 $0x300  }
0x28: {  	[spmem:s3] =	stream.indirect.scatter.add.f32 [tilespmem:s12], [sflag:$0x1], $0x10, s30, s13, $0xb8;
	[tilespmem:$0x5800] =	vst v63  }
0x29: {  	s31 =	simm.s32 $0x380  }
0x2a: {  	[spmem:s3] =	stream.indirect.scatter.add.f32 [tilespmem:s12], [sflag:$0x1], $0x10, s31, s13, $0xb8;
	[tilespmem:$0x5800] =	vst v63  }
0x2b: {  	_ =	swait.ge [sflag:s14], $0x800  }
0x2c: {  	[sflag:s14] =	ssyncset.done $0x0  }
0x2d: {  	[sflag:s14] =	ssyncadd.s32 $0xFFFFF800  }
0x2e: {  	_ =	swait.ge [sflag:s14], $0x800  }
0x2f: {  	[sflag:s14] =	ssyncset.done $0x0  }
0x30: {  	[sflag:s14] =	ssyncadd.s32 $0xFFFFF800  }
0x31: {  	_ =	swait.ge [sflag:s14], $0x800  }
0x32: {  	[sflag:s14] =	ssyncset.done $0x0  }
0x33: {  	[sflag:s14] =	ssyncadd.s32 $0xFFFFF800  }
0x34: {  	_ =	swait.ge [sflag:s14], $0x800  }
0x35: {  	[sflag:s14] =	ssyncset.done $0x0  }
0x36: {  	[sflag:s14] =	ssyncadd.s32 $0xFFFFF800  }
0x37: {  	_ =	swait.ge [sflag:s14], $0x800  }
0x38: {  	[sflag:s14] =	ssyncset.done $0x0  }
0x39: {  	[sflag:s14] =	ssyncadd.s32 $0xFFFFF800  }
0x3a: {  	_ =	swait.ge [sflag:s14], $0x800  }
0x3b: {  	[sflag:s14] =	ssyncset.done $0x0  }
0x3c: {  	[sflag:s14] =	ssyncadd.s32 $0xFFFFF800  }
0x3d: {  	_ =	swait.ge [sflag:s14], $0x800  }
0x3e: {  	[sflag:s14] =	ssyncset.done $0x0  }
0x3f: {  	[sflag:s14] =	ssyncadd.s32 $0xFFFFF800  }
0x40: {  	_ =	swait.ge [sflag:s14], $0x800  }
0x41: {  	s18 =	simm.s32 $0x2000;
	s16 =	simm.s32 $0x1000;
	[sflag:s14] =	ssyncset.done $0x0  }
.LBB2_2:
0x42: {  	s19 =	sshra.s32 s16, $0x2  }
0x43: {  	[sflag:s14] =	ssyncadd.s32 $0xFFFFF800;
	s16 =	smov.u32 s18;
	s17 =	sadd.s32 $0x1000, s18  }
0x44: {  	[spmem:s3] =	stream.indirect.scatter.add.f32 [tilespmem:s12], [sflag:$0x1], $0x10, s19, s13, $0xb8;
	[tilespmem:$0x5800] =	vst v63  }
0x45: {  	p0 =	sne.s32 s18, $0x9000;
	s18 =	sadd.s32 $0x80, s19  }
0x46: {  	[spmem:s3] =	stream.indirect.scatter.add.f32 [tilespmem:s12], [sflag:$0x1], $0x10, s18, s13, $0xb8;
	[tilespmem:$0x5800] =	vst v63  }
0x47: {  	s18 =	sadd.s32 $0x100, s19  }
0x48: {  	[spmem:s3] =	stream.indirect.scatter.add.f32 [tilespmem:s12], [sflag:$0x1], $0x10, s18, s13, $0xb8;
	[tilespmem:$0x5800] =	vst v63  }
0x49: {  	s18 =	sadd.s32 $0x180, s19  }
0x4a: {  	[spmem:s3] =	stream.indirect.scatter.add.f32 [tilespmem:s12], [sflag:$0x1], $0x10, s18, s13, $0xb8;
	[tilespmem:$0x5800] =	vst v63  }
0x4b: {  	s18 =	sadd.s32 $0x200, s19  }
0x4c: {  	[spmem:s3] =	stream.indirect.scatter.add.f32 [tilespmem:s12], [sflag:$0x1], $0x10, s18, s13, $0xb8;
	[tilespmem:$0x5800] =	vst v63  }
0x4d: {  	s18 =	sadd.s32 $0x280, s19  }
0x4e: {  	[spmem:s3] =	stream.indirect.scatter.add.f32 [tilespmem:s12], [sflag:$0x1], $0x10, s18, s13, $0xb8;
	[tilespmem:$0x5800] =	vst v63  }
0x4f: {  	s18 =	sadd.s32 $0x300, s19  }
0x50: {  	[spmem:s3] =	stream.indirect.scatter.add.f32 [tilespmem:s12], [sflag:$0x1], $0x10, s18, s13, $0xb8;
	[tilespmem:$0x5800] =	vst v63  }
0x51: {  	s18 =	sadd.s32 $0x380, s19  }
0x52: {  	[spmem:s3] =	stream.indirect.scatter.add.f32 [tilespmem:s12], [sflag:$0x1], $0x10, s18, s13, $0xb8;
	[tilespmem:$0x5800] =	vst v63  }
0x53: {  	_ =	swait.ge [sflag:s14], $0x800  }
0x54: {  	[sflag:s14] =	ssyncset.done $0x0  }
0x55: {  	[sflag:s14] =	ssyncadd.s32 $0xFFFFF800  }
0x56: {  	_ =	swait.ge [sflag:s14], $0x800  }
0x57: {  	[sflag:s14] =	ssyncset.done $0x0  }
0x58: {  	[sflag:s14] =	ssyncadd.s32 $0xFFFFF800  }
0x59: {  	_ =	swait.ge [sflag:s14], $0x800  }
0x5a: {  	[sflag:s14] =	ssyncset.done $0x0  }
0x5b: {  	[sflag:s14] =	ssyncadd.s32 $0xFFFFF800  }
0x5c: {  	_ =	swait.ge [sflag:s14], $0x800  }
0x5d: {  	[sflag:s14] =	ssyncset.done $0x0  }
0x5e: {  	[sflag:s14] =	ssyncadd.s32 $0xFFFFF800  }
0x5f: {  	_ =	swait.ge [sflag:s14], $0x800  }
0x60: {  	[sflag:s14] =	ssyncset.done $0x0  }
0x61: {  	[sflag:s14] =	ssyncadd.s32 $0xFFFFF800  }
0x62: {  	_ =	swait.ge [sflag:s14], $0x800  }
0x63: {  	[sflag:s14] =	ssyncset.done $0x0  }
0x64: {  	[sflag:s14] =	ssyncadd.s32 $0xFFFFF800  }
.Ltmp0:
0x65: {  	_ =	swait.ge [sflag:s14], $0x800;
	(pc) =	sbr.rel @p0 .LBB2_2-.Ltmp0, $4  }
0x66: {  	[sflag:s14] =	ssyncset.done $0x0  }
0x67: {  	[sflag:s14] =	ssyncadd.s32 $0xFFFFF800  }
0x68: {  	_ =	swait.ge [sflag:s14], $0x800  }
0x69: {  	s18 =	smov.u32 s17;
	[sflag:s14] =	ssyncset.done $0x0  }
0x6a: {  	s16 =	sshra.s32 s16, $0x2;
	[sflag:s14] =	ssyncadd.s32 $0xFFFFF800  }
0x6b: {  	[spmem:s3] =	stream.indirect.scatter.add.f32 [tilespmem:s12], [sflag:$0x1], $0x10, s16, s13, $0xb8;
	[tilespmem:$0x5800] =	vst v63  }
0x6c: {  	s17 =	sadd.s32 $0x80, s16  }
0x6d: {  	[spmem:s3] =	stream.indirect.scatter.add.f32 [tilespmem:s12], [sflag:$0x1], $0x10, s17, s13, $0xb8;
	[tilespmem:$0x5800] =	vst v63  }
0x6e: {  	s26 =	sadd.s32 $0x100, s16  }
0x6f: {  	[spmem:s3] =	stream.indirect.scatter.add.f32 [tilespmem:s12], [sflag:$0x1], $0x10, s26, s13, $0xb8;
	[tilespmem:$0x5800] =	vst v63  }
0x70: {  	s28 =	sadd.s32 $0x180, s16  }
0x71: {  	[spmem:s3] =	stream.indirect.scatter.add.f32 [tilespmem:s12], [sflag:$0x1], $0x10, s28, s13, $0xb8;
	[tilespmem:$0x5800] =	vst v63  }
0x72: {  	s29 =	sadd.s32 $0x200, s16  }
0x73: {  	[spmem:s3] =	stream.indirect.scatter.add.f32 [tilespmem:s12], [sflag:$0x1], $0x10, s29, s13, $0xb8;
	[tilespmem:$0x5800] =	vst v63  }
0x74: {  	s30 =	sadd.s32 $0x280, s16  }
0x75: {  	[spmem:s3] =	stream.indirect.scatter.add.f32 [tilespmem:s12], [sflag:$0x1], $0x10, s30, s13, $0xb8;
	[tilespmem:$0x5800] =	vst v63  }
0x76: {  	s31 =	sadd.s32 $0x300, s16  }
0x77: {  	[spmem:s3] =	stream.indirect.scatter.add.f32 [tilespmem:s12], [sflag:$0x1], $0x10, s31, s13, $0xb8;
	[tilespmem:$0x5800] =	vst v63  }
0x78: {  	s16 =	sadd.s32 $0x380, s16  }
0x79: {  	[spmem:s3] =	stream.indirect.scatter.add.f32 [tilespmem:s12], [sflag:$0x1], $0x10, s16, s13, $0xb8;
	[tilespmem:$0x5800] =	vst v63  }
0x7a: {  	_ =	swait.ge [sflag:s14], $0x800  }
0x7b: {  	[sflag:s14] =	ssyncset.done $0x0  }
0x7c: {  	[sflag:s14] =	ssyncadd.s32 $0xFFFFF800  }
0x7d: {  	_ =	swait.ge [sflag:s14], $0x800  }
0x7e: {  	[sflag:s14] =	ssyncset.done $0x0  }
0x7f: {  	[sflag:s14] =	ssyncadd.s32 $0xFFFFF800  }
0x80: {  	_ =	swait.ge [sflag:s14], $0x800  }
0x81: {  	[sflag:s14] =	ssyncset.done $0x0  }
0x82: {  	[sflag:s14] =	ssyncadd.s32 $0xFFFFF800  }
0x83: {  	_ =	swait.ge [sflag:s14], $0x800  }
0x84: {  	[sflag:s14] =	ssyncset.done $0x0  }
0x85: {  	[sflag:s14] =	ssyncadd.s32 $0xFFFFF800  }
0x86: {  	_ =	swait.ge [sflag:s14], $0x800  }
0x87: {  	[sflag:s14] =	ssyncset.done $0x0  }
0x88: {  	[sflag:s14] =	ssyncadd.s32 $0xFFFFF800  }
0x89: {  	_ =	swait.ge [sflag:s14], $0x800  }
0x8a: {  	[sflag:s14] =	ssyncset.done $0x0  }
0x8b: {  	[sflag:s14] =	ssyncadd.s32 $0xFFFFF800  }
0x8c: {  	_ =	swait.ge [sflag:s14], $0x800  }
0x8d: {  	[sflag:s14] =	ssyncset.done $0x0  }
0x8e: {  	[sflag:s14] =	ssyncadd.s32 $0xFFFFF800  }
0x8f: {  	_ =	swait.ge [sflag:s14], $0x800  }
0x90: {  	s15 =	sadd.s32 $0x1, s15;
	[sflag:s14] =	ssyncset.done $0x0  }
0x91: {  	p0 =	sne.s32 s15, s9;
	[sflag:s14] =	ssyncadd.s32 $0xFFFFF800  }
.Ltmp1:
0x92: {  	[bflag:$0x0] =	sbarrier.arrive $0xFFFF;
	(pc) =	sbr.rel @p0 .LBB2_1-.Ltmp1, $4  }
0x93: {  	[hbm:s8], [sflag:s6] =	dma.local [spmem:s10], $0x500  }
0x94: {  	_ =	swait.ge [sflag:s11], $0x500  }
0x95: {  	[sflag:s11] =	ssyncset.done $0x0  }
0x96: {  	[sflag:s11] =	ssyncadd.s32 $0xFFFFFB00  }
0x97: {  	_ =	sfence.sel $0x180000  }
0x98: {  	[bflag:$0x0] =	sbarrier.arrive $0xFFFF  }
0x99: {  	p0 =	sne.s32 s0, $0x0;
	_ =	strace $0x90000047  }
0x9a: {  	s0 =	sadd.s32 @!p0 $0x100000, s1;
	[bflag:$0x2] =	sbarrier.arrive $0xFFFF  }
0x9b: {  	[sflag:s0] =	ssyncadd.tile.s32 @!p0 $0x1;
	_ =	shalt  }
.Lfunc_end2:
_tile_overlayer_lowered:
.L_overlay_start_2:
0x9c: {  	(tag) =	ssettag $0x2  }
0x9d: {  	s0 =	rddreg [dreg:$0x0];
	s2 =	stileid.u32  }
0x9e: {  	s1 =	rddreg [dreg:$0x1];
	p0 =	sne.s32 s2, $0x0  }
0x9f: {  	s3 =	rddreg [dreg:$0x2];
	[bflag:$0x3] =	sbarrier.arrive $0xFFFF;
	s2 =	simm.s32 @!p0 $0x1C02  }
0xa0: {  	[timem:s3], [sflag:s2] =	dma.local @!p0 [hbm:s0], s1  }
0xa1: {  	s0 =	simm.s32 @!p0 $0x2  }
0xa2: {  	_ =	swait.ge @!p0 [sflag:s0], s1  }
0xa3: {  	s1 =	ssub.s32 @!p0 $0x0, s1;
	[sflag:s0] =	ssyncset.done @!p0 $0x0  }
0xa4: {  	[sflag:s0] =	ssyncadd.s32 @!p0 s1  }
0xa5: {  	[bflag:$0x3] =	sbarrier.arrive $0xFFFF  }
0xa6: {  	_ =	shalt  }

</sc_bundles>
